<compile_context>
chip_gen: v7x
topology: tpu7x:2x2x1
jax: 0.10.2.dev20260603
libtpu: 0.0.44.dev20260713+nightly
codegen_flags: <defaults>
</compile_context>

<pallas_src>
import functools

import jax
import jax.numpy as jnp
from jax import lax
from jax.experimental import pallas as pl
from jax.experimental.pallas import tpu as pltpu
from jax.experimental.pallas import tpu_sc as plsc

B = 16384
D = 32
DI = 14
NC = 2
NS = 16
NW = NC * NS
BPW = B // NW
CHUNK = BPW // 2


NSEM = 8


def _sc_gather(uidx_hbm, iidx_hbm, utab_hbm, itab_hbm, u_out, i_out,
               uidx_v, iidx_v, urows_v, irows_v, usem, isem):
    wid = lax.axis_index("s") * NC + lax.axis_index("c")
    base = wid * BPW
    pltpu.sync_copy(uidx_hbm.at[pl.ds(base, BPW)], uidx_v)
    pltpu.sync_copy(iidx_hbm.at[pl.ds(base, BPW)], iidx_v)

    for p in range(BPW // CHUNK):
        off = p * CHUNK

        def issue(g, _):
            uvec = uidx_v[pl.ds(off + g * 16, 16)]
            ivec = iidx_v[pl.ds(off + g * 16, 16)]
            for k in range(16):
                ui = uvec[k]
                pltpu.make_async_copy(
                    utab_hbm.at[pl.ds(ui, 1)],
                    urows_v.at[pl.ds(g * 16 + k, 1)],
                    usem.at[k % NSEM]).start()
                ii = ivec[k]
                pltpu.make_async_copy(
                    itab_hbm.at[pl.ds(ii, 1)],
                    irows_v.at[pl.ds(g * 16 + k, 1)],
                    isem.at[k % NSEM]).start()
            return ()

        lax.fori_loop(0, CHUNK // 16, issue, ())

        def drain(i, _):
            for s in range(NSEM):
                pltpu.make_async_copy(
                    utab_hbm.at[pl.ds(0, 1)], urows_v.at[pl.ds(0, 1)],
                    usem.at[s]).wait()
                pltpu.make_async_copy(
                    itab_hbm.at[pl.ds(0, 1)], irows_v.at[pl.ds(0, 1)],
                    isem.at[s]).wait()
            return ()

        lax.fori_loop(0, CHUNK // NSEM, drain, ())
        pltpu.sync_copy(urows_v, u_out.at[pl.ds(base + off, CHUNK)])
        pltpu.sync_copy(irows_v, i_out.at[pl.ds(base + off, CHUNK)])


def _mlp_body(u_ref, it_ref, w1_ref, b1_ref, w2_ref, b2_ref, y_ref):
    u = u_ref[:]
    it = it_ref[:]
    w1 = w1_ref[:]
    elem = u[:, :DI] * it
    h = jnp.dot(elem, w1[0:DI, :], preferred_element_type=jnp.float32)
    h = h + jnp.dot(u, w1[D:2 * D, :], preferred_element_type=jnp.float32)
    h = h + jnp.dot(it, w1[2 * D:2 * D + DI, :],
                    preferred_element_type=jnp.float32)
    h = jnp.maximum(h + b1_ref[:], 0.0)
    z = jnp.dot(h, w2_ref[:], preferred_element_type=jnp.float32) + b2_ref[:]
    y_ref[:] = jax.nn.sigmoid(z)


def kernel(group_inputs, user_inputs, item_inputs, user_table, item_table,
           W1, b1, W2, b2):
    del group_inputs
    mesh = plsc.VectorSubcoreMesh(core_axis_name="c", subcore_axis_name="s")
    gather = functools.partial(
        pl.kernel,
        out_type=[
            jax.ShapeDtypeStruct((B, D), jnp.float32),
            jax.ShapeDtypeStruct((B, DI), jnp.float32),
        ],
        mesh=mesh,
        scratch_types=[
            pltpu.VMEM((BPW,), jnp.int32),
            pltpu.VMEM((BPW,), jnp.int32),
            pltpu.VMEM((CHUNK, D), jnp.float32),
            pltpu.VMEM((CHUNK, DI), jnp.float32),
            pltpu.SemaphoreType.DMA((NSEM,)),
            pltpu.SemaphoreType.DMA((NSEM,)),
        ],
    )(_sc_gather)
    u_rows, i_rows = gather(user_inputs, item_inputs, user_table, item_table)

    bm = 4096
    y = pl.pallas_call(
        _mlp_body,
        grid=(B // bm,),
        in_specs=[
            pl.BlockSpec((bm, D), lambda i: (i, 0)),
            pl.BlockSpec((bm, DI), lambda i: (i, 0)),
            pl.BlockSpec((3 * D, 8), lambda i: (0, 0)),
            pl.BlockSpec((1, 8), lambda i: (0, 0)),
            pl.BlockSpec((8, 1), lambda i: (0, 0)),
            pl.BlockSpec((1, 1), lambda i: (0, 0)),
        ],
        out_specs=pl.BlockSpec((bm, 1), lambda i: (i, 0)),
        out_shape=jax.ShapeDtypeStruct((B, 1), jnp.float32),
    )(u_rows, i_rows, W1, b1.reshape(1, 8), W2, b2.reshape(1, 1))
    return y

# --- scband reference (transcript-rebuilt; emitter-appended) ---
"""Pipeline reference for scband-bahdanauplus-48971217109154 (READ-ONLY COPY).

The authoritative reference and input builder live on the scoring server;
editing this copy changes nothing except your own understanding.
"""

import jax, jax.numpy as jnp
import numpy as np

B = 16384
NUM_USERS = 1000000
NUM_ITEMS = 1000000
D = 32


def setup_inputs(seed: int = 0) -> dict:
    key = jax.random.key(seed)
    ks = jax.random.split(key, 9)
    group_inputs = jax.random.randint(ks[0], (B,), 0, 1000, dtype=jnp.int32)
    user_inputs = jax.random.randint(ks[1], (B,), 0, NUM_USERS, dtype=jnp.int32)
    item_inputs = jax.random.randint(ks[2], (B,), 0, NUM_ITEMS, dtype=jnp.int32)
    # Embedding tables (xavier-normal-ish scale)
    user_table = jax.random.normal(ks[3], (NUM_USERS, D), dtype=jnp.float32) * 0.02
    item_table = jax.random.normal(ks[4], (NUM_ITEMS, D - 18), dtype=jnp.float32) * 0.02
    # PredictLayer: Linear(3*D, 8) -> ReLU -> Linear(8, 1); torch init normal_
    W1 = jax.random.normal(ks[5], (3 * D, 8), dtype=jnp.float32)
    b1 = jnp.zeros((8,), dtype=jnp.float32)
    W2 = jax.random.normal(ks[6], (8, 1), dtype=jnp.float32)
    b2 = jnp.zeros((1,), dtype=jnp.float32)
    return {
        "group_inputs": group_inputs,
        "user_inputs": user_inputs,
        "item_inputs": item_inputs,
        "user_table": user_table,
        "item_table": item_table,
        "W1": W1,
        "b1": b1,
        "W2": W2,
        "b2": b2,
    }


def reference(group_inputs, user_inputs, item_inputs, user_table, item_table, W1, b1, W2, b2):
    # forward(): group_inputs is not None AND user_inputs is not None -> usr_forward path
    # UserEmbeddingLayer: gather rows
    user_embeds = jnp.take(user_table, user_inputs, axis=0)  # [B, D]
    # ItemEmbeddingLayer: gather rows of dim D-18, then concat genre features.
    # genres dict is empty -> itemGenres is all zeros [B, 18]
    item_core = jnp.take(item_table, item_inputs, axis=0)  # [B, D-18]
    item_genres = jnp.zeros((item_core.shape[0], 18), dtype=item_core.dtype)
    item_embeds = jnp.concatenate([item_core, item_genres], axis=1)  # [B, D]
    # usr_forward
    element_embeds = user_embeds * item_embeds
    new_embeds = jnp.concatenate([element_embeds, user_embeds, item_embeds], axis=1)  # [B, 3D]
    h = jax.nn.relu(new_embeds @ W1 + b1)
    y = jax.nn.sigmoid(h @ W2 + b2)  # [B, 1]
    return y

if __name__ == "__main__":
    import jax
    _d = setup_inputs()
    print(jax.jit(kernel)(*tuple(_d.values())))

</pallas_src>

<mosaic_0001>
#map = affine_map<(d0, d1) -> (0)>
#map1 = affine_map<(d0, d1) -> (0, 0)>
module attributes {stable_mosaic.version = 14 : i64} {
  func.func @_sc_gather(%arg0: i32, %arg1: i32, %arg2: memref<16384xi32, #tpu.memory_space<hbm>>, %arg3: memref<16384xi32, #tpu.memory_space<hbm>>, %arg4: memref<1000000x32xf32, #tpu.memory_space<hbm>>, %arg5: memref<1000000x14xf32, #tpu.memory_space<hbm>>, %arg6: memref<16384x32xf32, #tpu.memory_space<hbm>>, %arg7: memref<16384x14xf32, #tpu.memory_space<hbm>>, %arg8: memref<512xi32, #tpu.memory_space<vmem>>, %arg9: memref<512xi32, #tpu.memory_space<vmem>>, %arg10: memref<256x32xf32, #tpu.memory_space<vmem>>, %arg11: memref<256x14xf32, #tpu.memory_space<vmem>>, %arg12: memref<8x!tpu.dma_semaphore, #tpu.memory_space<semaphore_mem>>, %arg13: memref<8x!tpu.dma_semaphore, #tpu.memory_space<semaphore_mem>>) attributes {dimension_semantics = [#tpu.dimension_semantics<core_parallel>, #tpu.dimension_semantics<subcore_parallel>], iteration_bounds = array<i64: 2, 16>, scalar_prefetch = 0 : i64, scratch_operands = 6 : i64, tpu.core_type = #tpu.core_type<sc_vector_subcore>, window_params = [{transform_indices = #map}, {transform_indices = #map}, {transform_indices = #map1}, {transform_indices = #map1}, {transform_indices = #map1}, {transform_indices = #map1}]} {
    %mul3A = arith.constant 2 : i32
    %mul3A_0 = arith.muli %arg1, %mul3A : i32
    %add3A = arith.addi %mul3A_0, %arg0 : i32
    %mul3A_1 = arith.constant 512 : i32
    %mul3A_2 = arith.muli %add3A, %mul3A_1 : i32
    "tpu.region"() ({
      %run_scoped3A = tpu.sem_alloc : memref<!tpu.dma_semaphore, #tpu.memory_space<semaphore_mem>>
      %dma_start3A = tpu.memref_slice %arg2[%mul3A_2] : memref<16384xi32, #tpu.memory_space<hbm>> -> memref<512xi32, #tpu.memory_space<hbm>>
      %dma_start3A_30 = tpu.memref_slice %arg2[%mul3A_2] : memref<16384xi32, #tpu.memory_space<hbm>> -> memref<512xi32, #tpu.memory_space<hbm>>
      tpu.enqueue_dma source(%dma_start3A_30 : memref<512xi32, #tpu.memory_space<hbm>>) target(%arg8 : memref<512xi32, #tpu.memory_space<vmem>>) target_semaphore(%run_scoped3A : memref<!tpu.dma_semaphore, #tpu.memory_space<semaphore_mem>>)
      %dma_wait3A = tpu.memref_slice %arg2[%mul3A_2] : memref<16384xi32, #tpu.memory_space<hbm>> -> memref<512xi32, #tpu.memory_space<hbm>>
      %dma_wait3A_31 = tpu.memref_slice %arg2[%mul3A_2] : memref<16384xi32, #tpu.memory_space<hbm>> -> memref<512xi32, #tpu.memory_space<hbm>>
      tpu.wait_dma2 semaphore(%run_scoped3A : memref<!tpu.dma_semaphore, #tpu.memory_space<semaphore_mem>>) src(%dma_wait3A_31 : memref<512xi32, #tpu.memory_space<hbm>>) dst(%arg8 : memref<512xi32, #tpu.memory_space<vmem>>)
      tpu.yield
    }) : () -> ()
    "tpu.region"() ({
      %run_scoped3A = tpu.sem_alloc : memref<!tpu.dma_semaphore, #tpu.memory_space<semaphore_mem>>
      %dma_start3A = tpu.memref_slice %arg3[%mul3A_2] : memref<16384xi32, #tpu.memory_space<hbm>> -> memref<512xi32, #tpu.memory_space<hbm>>
      %dma_start3A_30 = tpu.memref_slice %arg3[%mul3A_2] : memref<16384xi32, #tpu.memory_space<hbm>> -> memref<512xi32, #tpu.memory_space<hbm>>
      tpu.enqueue_dma source(%dma_start3A_30 : memref<512xi32, #tpu.memory_space<hbm>>) target(%arg9 : memref<512xi32, #tpu.memory_space<vmem>>) target_semaphore(%run_scoped3A : memref<!tpu.dma_semaphore, #tpu.memory_space<semaphore_mem>>)
      %dma_wait3A = tpu.memref_slice %arg3[%mul3A_2] : memref<16384xi32, #tpu.memory_space<hbm>> -> memref<512xi32, #tpu.memory_space<hbm>>
      %dma_wait3A_31 = tpu.memref_slice %arg3[%mul3A_2] : memref<16384xi32, #tpu.memory_space<hbm>> -> memref<512xi32, #tpu.memory_space<hbm>>
      tpu.wait_dma2 semaphore(%run_scoped3A : memref<!tpu.dma_semaphore, #tpu.memory_space<semaphore_mem>>) src(%dma_wait3A_31 : memref<512xi32, #tpu.memory_space<hbm>>) dst(%arg9 : memref<512xi32, #tpu.memory_space<vmem>>)
      tpu.yield
    }) : () -> ()
    %scan3A = arith.constant 0 : i32
    %scan3A_3 = arith.constant 16 : i32
    %scan3A_4 = arith.addi %scan3A, %scan3A_3 : i32
    %scan3A_5 = arith.constant 1 : i32
    scf.for %scan3A_30 = %scan3A to %scan3A_4 step %scan3A_5  : i32 {
      %mul3A_31 = arith.constant 16 : i32
      %mul3A_32 = arith.muli %scan3A_30, %mul3A_31 : i32
      %add3A_33 = arith.constant 0 : i32
      %add3A_34 = arith.addi %add3A_33, %mul3A_32 : i32
      %get3A = arith.index_cast %add3A_34 : i32 to index
      %get3A_35 = tpu.vector_load %arg8[%get3A] {strides = array<i32>} : memref<512xi32, #tpu.memory_space<vmem>>, vector<16xi32>,
      %get3A_36 = vector.shape_cast %get3A_35 : vector<16xi32> to vector<16xi32>
      %mul3A_37 = arith.constant 16 : i32
      %mul3A_38 = arith.muli %scan3A_30, %mul3A_37 : i32
      %add3A_39 = arith.constant 0 : i32
      %add3A_40 = arith.addi %add3A_39, %mul3A_38 : i32
      %get3A_41 = arith.index_cast %add3A_40 : i32 to index
      %get3A_42 = tpu.vector_load %arg9[%get3A_41] {strides = array<i32>} : memref<512xi32, #tpu.memory_space<vmem>>, vector<16xi32>,
      %get3A_43 = vector.shape_cast %get3A_42 : vector<16xi32> to vector<16xi32>
      %slice3A = vector.extract_strided_slice %get3A_36 {offsets = [0], sizes = [1], strides = [1]} : vector<16xi32> to vector<1xi32>
      %squeeze3A = vector.extract %slice3A[0] : i32 from vector<1xi32>
      %mul3A_44 = arith.constant 16 : i32
      %mul3A_45 = arith.muli %scan3A_30, %mul3A_44 : i32
      %add3A_46 = arith.constant 0 : i32
      %add3A_47 = arith.addi %mul3A_45, %add3A_46 : i32
      %dma_start3A = arith.constant 0 : i32
      %dma_start3A_48 = arith.constant 0 : i32
      %dma_start3A_49 = tpu.memref_slice %arg10[%add3A_47, %dma_start3A_48] : memref<256x32xf32, #tpu.memory_space<vmem>> -> memref<1x32xf32, #tpu.memory_space<vmem>>
      %dma_start3A_50 = arith.constant 0 : i32
      %dma_start3A_51 = tpu.memref_slice %arg4[%squeeze3A, %dma_start3A_50] : memref<1000000x32xf32, #tpu.memory_space<hbm>> -> memref<1x32xf32, #tpu.memory_space<hbm>>
      %dma_start3A_52 = tpu.memref_slice %arg12[%dma_start3A] : memref<8x!tpu.dma_semaphore, #tpu.memory_space<semaphore_mem>> -> memref<1x!tpu.dma_semaphore, #tpu.memory_space<semaphore_mem>>
      %dma_start3A_53 = tpu.memref_squeeze %dma_start3A_52 : memref<1x!tpu.dma_semaphore, #tpu.memory_space<semaphore_mem>> -> memref<!tpu.dma_semaphore, #tpu.memory_space<semaphore_mem>>
      %dma_start3A_54 = arith.constant 0 : i32
      %dma_start3A_55 = tpu.memref_slice %arg10[%add3A_47, %dma_start3A_54] : memref<256x32xf32, #tpu.memory_space<vmem>> -> memref<1x32xf32, #tpu.memory_space<vmem>>
      %dma_start3A_56 = arith.constant 0 : i32
      %dma_start3A_57 = tpu.memref_slice %arg4[%squeeze3A, %dma_start3A_56] : memref<1000000x32xf32, #tpu.memory_space<hbm>> -> memref<1x32xf32, #tpu.memory_space<hbm>>
      tpu.enqueue_dma source(%dma_start3A_57 : memref<1x32xf32, #tpu.memory_space<hbm>>) target(%dma_start3A_55 : memref<1x32xf32, #tpu.memory_space<vmem>>) target_semaphore(%dma_start3A_53 : memref<!tpu.dma_semaphore, #tpu.memory_space<semaphore_mem>>)
      %slice3A_58 = vector.extract_strided_slice %get3A_43 {offsets = [0], sizes = [1], strides = [1]} : vector<16xi32> to vector<1xi32>
      %squeeze3A_59 = vector.extract %slice3A_58[0] : i32 from vector<1xi32>
      %mul3A_60 = arith.constant 16 : i32
      %mul3A_61 = arith.muli %scan3A_30, %mul3A_60 : i32
      %add3A_62 = arith.constant 0 : i32
      %add3A_63 = arith.addi %mul3A_61, %add3A_62 : i32
      %dma_start3A_64 = arith.constant 0 : i32
      %dma_start3A_65 = arith.constant 0 : i32
      %dma_start3A_66 = tpu.memref_slice %arg11[%add3A_63, %dma_start3A_65] : memref<256x14xf32, #tpu.memory_space<vmem>> -> memref<1x14xf32, #tpu.memory_space<vmem>>
      %dma_start3A_67 = arith.constant 0 : i32
      %dma_start3A_68 = tpu.memref_slice %arg5[%squeeze3A_59, %dma_start3A_67] : memref<1000000x14xf32, #tpu.memory_space<hbm>> -> memref<1x14xf32, #tpu.memory_space<hbm>>
      %dma_start3A_69 = tpu.memref_slice %arg13[%dma_start3A_64] : memref<8x!tpu.dma_semaphore, #tpu.memory_space<semaphore_mem>> -> memref<1x!tpu.dma_semaphore, #tpu.memory_space<semaphore_mem>>
      %dma_start3A_70 = tpu.memref_squeeze %dma_start3A_69 : memref<1x!tpu.dma_semaphore, #tpu.memory_space<semaphore_mem>> -> memref<!tpu.dma_semaphore, #tpu.memory_space<semaphore_mem>>
      %dma_start3A_71 = arith.constant 0 : i32
      %dma_start3A_72 = tpu.memref_slice %arg11[%add3A_63, %dma_start3A_71] : memref<256x14xf32, #tpu.memory_space<vmem>> -> memref<1x14xf32, #tpu.memory_space<vmem>>
      %dma_start3A_73 = arith.constant 0 : i32
      %dma_start3A_74 = tpu.memref_slice %arg5[%squeeze3A_59, %dma_start3A_73] : memref<1000000x14xf32, #tpu.memory_space<hbm>> -> memref<1x14xf32, #tpu.memory_space<hbm>>
      tpu.enqueue_dma source(%dma_start3A_74 : memref<1x14xf32, #tpu.memory_space<hbm>>) target(%dma_start3A_72 : memref<1x14xf32, #tpu.memory_space<vmem>>) target_semaphore(%dma_start3A_70 : memref<!tpu.dma_semaphore, #tpu.memory_space<semaphore_mem>>)
      %slice3A_75 = vector.extract_strided_slice %get3A_36 {offsets = [1], sizes = [1], strides = [1]} : vector<16xi32> to vector<1xi32>
      %squeeze3A_76 = vector.extract %slice3A_75[0] : i32 from vector<1xi32>
      %mul3A_77 = arith.constant 16 : i32
      %mul3A_78 = arith.muli %scan3A_30, %mul3A_77 : i32
      %add3A_79 = arith.constant 1 : i32
      %add3A_80 = arith.addi %mul3A_78, %add3A_79 : i32
      %dma_start3A_81 = arith.constant 1 : i32
      %dma_start3A_82 = arith.constant 0 : i32
      %dma_start3A_83 = tpu.memref_slice %arg10[%add3A_80, %dma_start3A_82] : memref<256x32xf32, #tpu.memory_space<vmem>> -> memref<1x32xf32, #tpu.memory_space<vmem>>
      %dma_start3A_84 = arith.constant 0 : i32
      %dma_start3A_85 = tpu.memref_slice %arg4[%squeeze3A_76, %dma_start3A_84] : memref<1000000x32xf32, #tpu.memory_space<hbm>> -> memref<1x32xf32, #tpu.memory_space<hbm>>
      %dma_start3A_86 = tpu.memref_slice %arg12[%dma_start3A_81] : memref<8x!tpu.dma_semaphore, #tpu.memory_space<semaphore_mem>> -> memref<1x!tpu.dma_semaphore, #tpu.memory_space<semaphore_mem>>
      %dma_start3A_87 = tpu.memref_squeeze %dma_start3A_86 : memref<1x!tpu.dma_semaphore, #tpu.memory_space<semaphore_mem>> -> memref<!tpu.dma_semaphore, #tpu.memory_space<semaphore_mem>>
      %dma_start3A_88 = arith.constant 0 : i32
      %dma_start3A_89 = tpu.memref_slice %arg10[%add3A_80, %dma_start3A_88] : memref<256x32xf32, #tpu.memory_space<vmem>> -> memref<1x32xf32, #tpu.memory_space<vmem>>
      %dma_start3A_90 = arith.constant 0 : i32
      %dma_start3A_91 = tpu.memref_slice %arg4[%squeeze3A_76, %dma_start3A_90] : memref<1000000x32xf32, #tpu.memory_space<hbm>> -> memref<1x32xf32, #tpu.memory_space<hbm>>
      tpu.enqueue_dma source(%dma_start3A_91 : memref<1x32xf32, #tpu.memory_space<hbm>>) target(%dma_start3A_89 : memref<1x32xf32, #tpu.memory_space<vmem>>) target_semaphore(%dma_start3A_87 : memref<!tpu.dma_semaphore, #tpu.memory_space<semaphore_mem>>)
      %slice3A_92 = vector.extract_strided_slice %get3A_43 {offsets = [1], sizes = [1], strides = [1]} : vector<16xi32> to vector<1xi32>
      %squeeze3A_93 = vector.extract %slice3A_92[0] : i32 from vector<1xi32>
      %mul3A_94 = arith.constant 16 : i32
      %mul3A_95 = arith.muli %scan3A_30, %mul3A_94 : i32
      %add3A_96 = arith.constant 1 : i32
      %add3A_97 = arith.addi %mul3A_95, %add3A_96 : i32
      %dma_start3A_98 = arith.constant 1 : i32
      %dma_start3A_99 = arith.constant 0 : i32
      %dma_start3A_100 = tpu.memref_slice %arg11[%add3A_97, %dma_start3A_99] : memref<256x14xf32, #tpu.memory_space<vmem>> -> memref<1x14xf32, #tpu.memory_space<vmem>>
      %dma_start3A_101 = arith.constant 0 : i32
      %dma_start3A_102 = tpu.memref_slice %arg5[%squeeze3A_93, %dma_start3A_101] : memref<1000000x14xf32, #tpu.memory_space<hbm>> -> memref<1x14xf32, #tpu.memory_space<hbm>>
      %dma_start3A_103 = tpu.memref_slice %arg13[%dma_start3A_98] : memref<8x!tpu.dma_semaphore, #tpu.memory_space<semaphore_mem>> -> memref<1x!tpu.dma_semaphore, #tpu.memory_space<semaphore_mem>>
      %dma_start3A_104 = tpu.memref_squeeze %dma_start3A_103 : memref<1x!tpu.dma_semaphore, #tpu.memory_space<semaphore_mem>> -> memref<!tpu.dma_semaphore, #tpu.memory_space<semaphore_mem>>
      %dma_start3A_105 = arith.constant 0 : i32
      %dma_start3A_106 = tpu.memref_slice %arg11[%add3A_97, %dma_start3A_105] : memref<256x14xf32, #tpu.memory_space<vmem>> -> memref<1x14xf32, #tpu.memory_space<vmem>>
      %dma_start3A_107 = arith.constant 0 : i32
      %dma_start3A_108 = tpu.memref_slice %arg5[%squeeze3A_93, %dma_start3A_107] : memref<1000000x14xf32, #tpu.memory_space<hbm>> -> memref<1x14xf32, #tpu.memory_space<hbm>>
      tpu.enqueue_dma source(%dma_start3A_108 : memref<1x14xf32, #tpu.memory_space<hbm>>) target(%dma_start3A_106 : memref<1x14xf32, #tpu.memory_space<vmem>>) target_semaphore(%dma_start3A_104 : memref<!tpu.dma_semaphore, #tpu.memory_space<semaphore_mem>>)
      %slice3A_109 = vector.extract_strided_slice %get3A_36 {offsets = [2], sizes = [1], strides = [1]} : vector<16xi32> to vector<1xi32>
      %squeeze3A_110 = vector.extract %slice3A_109[0] : i32 from vector<1xi32>
      %mul3A_111 = arith.constant 16 : i32
      %mul3A_112 = arith.muli %scan3A_30, %mul3A_111 : i32
      %add3A_113 = arith.constant 2 : i32
      %add3A_114 = arith.addi %mul3A_112, %add3A_113 : i32
      %dma_start3A_115 = arith.constant 2 : i32
      %dma_start3A_116 = arith.constant 0 : i32
      %dma_start3A_117 = tpu.memref_slice %arg10[%add3A_114, %dma_start3A_116] : memref<256x32xf32, #tpu.memory_space<vmem>> -> memref<1x32xf32, #tpu.memory_space<vmem>>
      %dma_start3A_118 = arith.constant 0 : i32
      %dma_start3A_119 = tpu.memref_slice %arg4[%squeeze3A_110, %dma_start3A_118] : memref<1000000x32xf32, #tpu.memory_space<hbm>> -> memref<1x32xf32, #tpu.memory_space<hbm>>
      %dma_start3A_120 = tpu.memref_slice %arg12[%dma_start3A_115] : memref<8x!tpu.dma_semaphore, #tpu.memory_space<semaphore_mem>> -> memref<1x!tpu.dma_semaphore, #tpu.memory_space<semaphore_mem>>
      %dma_start3A_121 = tpu.memref_squeeze %dma_start3A_120 : memref<1x!tpu.dma_semaphore, #tpu.memory_space<semaphore_mem>> -> memref<!tpu.dma_semaphore, #tpu.memory_space<semaphore_mem>>
      %dma_start3A_122 = arith.constant 0 : i32
      %dma_start3A_123 = tpu.memref_slice %arg10[%add3A_114, %dma_start3A_122] : memref<256x32xf32, #tpu.memory_space<vmem>> -> memref<1x32xf32, #tpu.memory_space<vmem>>
      %dma_start3A_124 = arith.constant 0 : i32
      %dma_start3A_125 = tpu.memref_slice %arg4[%squeeze3A_110, %dma_start3A_124] : memref<1000000x32xf32, #tpu.memory_space<hbm>> -> memref<1x32xf32, #tpu.memory_space<hbm>>
      tpu.enqueue_dma source(%dma_start3A_125 : memref<1x32xf32, #tpu.memory_space<hbm>>) target(%dma_start3A_123 : memref<1x32xf32, #tpu.memory_space<vmem>>) target_semaphore(%dma_start3A_121 : memref<!tpu.dma_semaphore, #tpu.memory_space<semaphore_mem>>)
      %slice3A_126 = vector.extract_strided_slice %get3A_43 {offsets = [2], sizes = [1], strides = [1]} : vector<16xi32> to vector<1xi32>
      %squeeze3A_127 = vector.extract %slice3A_126[0] : i32 from vector<1xi32>
      %mul3A_128 = arith.constant 16 : i32
      %mul3A_129 = arith.muli %scan3A_30, %mul3A_128 : i32
      %add3A_130 = arith.constant 2 : i32
      %add3A_131 = arith.addi %mul3A_129, %add3A_130 : i32
      %dma_start3A_132 = arith.constant 2 : i32
      %dma_start3A_133 = arith.constant 0 : i32
      %dma_start3A_134 = tpu.memref_slice %arg11[%add3A_131, %dma_start3A_133] : memref<256x14xf32, #tpu.memory_space<vmem>> -> memref<1x14xf32, #tpu.memory_space<vmem>>
      %dma_start3A_135 = arith.constant 0 : i32
      %dma_start3A_136 = tpu.memref_slice %arg5[%squeeze3A_127, %dma_start3A_135] : memref<1000000x14xf32, #tpu.memory_space<hbm>> -> memref<1x14xf32, #tpu.memory_space<hbm>>
      %dma_start3A_137 = tpu.memref_slice %arg13[%dma_start3A_132] : memref<8x!tpu.dma_semaphore, #tpu.memory_space<semaphore_mem>> -> memref<1x!tpu.dma_semaphore, #tpu.memory_space<semaphore_mem>>
      %dma_start3A_138 = tpu.memref_squeeze %dma_start3A_137 : memref<1x!tpu.dma_semaphore, #tpu.memory_space<semaphore_mem>> -> memref<!tpu.dma_semaphore, #tpu.memory_space<semaphore_mem>>
      %dma_start3A_139 = arith.constant 0 : i32
      %dma_start3A_140 = tpu.memref_slice %arg11[%add3A_131, %dma_start3A_139] : memref<256x14xf32, #tpu.memory_space<vmem>> -> memref<1x14xf32, #tpu.memory_space<vmem>>
      %dma_start3A_141 = arith.constant 0 : i32
      %dma_start3A_142 = tpu.memref_slice %arg5[%squeeze3A_127, %dma_start3A_141] : memref<1000000x14xf32, #tpu.memory_space<hbm>> -> memref<1x14xf32, #tpu.memory_space<hbm>>
      tpu.enqueue_dma source(%dma_start3A_142 : memref<1x14xf32, #tpu.memory_space<hbm>>) target(%dma_start3A_140 : memref<1x14xf32, #tpu.memory_space<vmem>>) target_semaphore(%dma_start3A_138 : memref<!tpu.dma_semaphore, #tpu.memory_space<semaphore_mem>>)
      %slice3A_143 = vector.extract_strided_slice %get3A_36 {offsets = [3], sizes = [1], strides = [1]} : vector<16xi32> to vector<1xi32>
      %squeeze3A_144 = vector.extract %slice3A_143[0] : i32 from vector<1xi32>
      %mul3A_145 = arith.constant 16 : i32
      %mul3A_146 = arith.muli %scan3A_30, %mul3A_145 : i32
      %add3A_147 = arith.constant 3 : i32
      %add3A_148 = arith.addi %mul3A_146, %add3A_147 : i32
      %dma_start3A_149 = arith.constant 3 : i32
      %dma_start3A_150 = arith.constant 0 : i32
      %dma_start3A_151 = tpu.memref_slice %arg10[%add3A_148, %dma_start3A_150] : memref<256x32xf32, #tpu.memory_space<vmem>> -> memref<1x32xf32, #tpu.memory_space<vmem>>
      %dma_start3A_152 = arith.constant 0 : i32
      %dma_start3A_153 = tpu.memref_slice %arg4[%squeeze3A_144, %dma_start3A_152] : memref<1000000x32xf32, #tpu.memory_space<hbm>> -> memref<1x32xf32, #tpu.memory_space<hbm>>
      %dma_start3A_154 = tpu.memref_slice %arg12[%dma_start3A_149] : memref<8x!tpu.dma_semaphore, #tpu.memory_space<semaphore_mem>> -> memref<1x!tpu.dma_semaphore, #tpu.memory_space<semaphore_mem>>
      %dma_start3A_155 = tpu.memref_squeeze %dma_start3A_154 : memref<1x!tpu.dma_semaphore, #tpu.memory_space<semaphore_mem>> -> memref<!tpu.dma_semaphore, #tpu.memory_space<semaphore_mem>>
      %dma_start3A_156 = arith.constant 0 : i32
      %dma_start3A_157 = tpu.memref_slice %arg10[%add3A_148, %dma_start3A_156] : memref<256x32xf32, #tpu.memory_space<vmem>> -> memref<1x32xf32, #tpu.memory_space<vmem>>
      %dma_start3A_158 = arith.constant 0 : i32
      %dma_start3A_159 = tpu.memref_slice %arg4[%squeeze3A_144, %dma_start3A_158] : memref<1000000x32xf32, #tpu.memory_space<hbm>> -> memref<1x32xf32, #tpu.memory_space<hbm>>
      tpu.enqueue_dma source(%dma_start3A_159 : memref<1x32xf32, #tpu.memory_space<hbm>>) target(%dma_start3A_157 : memref<1x32xf32, #tpu.memory_space<vmem>>) target_semaphore(%dma_start3A_155 : memref<!tpu.dma_semaphore, #tpu.memory_space<semaphore_mem>>)
      %slice3A_160 = vector.extract_strided_slice %get3A_43 {offsets = [3], sizes = [1], strides = [1]} : vector<16xi32> to vector<1xi32>
      %squeeze3A_161 = vector.extract %slice3A_160[0] : i32 from vector<1xi32>
      %mul3A_162 = arith.constant 16 : i32
      %mul3A_163 = arith.muli %scan3A_30, %mul3A_162 : i32
      %add3A_164 = arith.constant 3 : i32
      %add3A_165 = arith.addi %mul3A_163, %add3A_164 : i32
      %dma_start3A_166 = arith.constant 3 : i32
      %dma_start3A_167 = arith.constant 0 : i32
      %dma_start3A_168 = tpu.memref_slice %arg11[%add3A_165, %dma_start3A_167] : memref<256x14xf32, #tpu.memory_space<vmem>> -> memref<1x14xf32, #tpu.memory_space<vmem>>
      %dma_start3A_169 = arith.constant 0 : i32
      %dma_start3A_170 = tpu.memref_slice %arg5[%squeeze3A_161, %dma_start3A_169] : memref<1000000x14xf32, #tpu.memory_space<hbm>> -> memref<1x14xf32, #tpu.memory_space<hbm>>
      %dma_start3A_171 = tpu.memref_slice %arg13[%dma_start3A_166] : memref<8x!tpu.dma_semaphore, #tpu.memory_space<semaphore_mem>> -> memref<1x!tpu.dma_semaphore, #tpu.memory_space<semaphore_mem>>
      %dma_start3A_172 = tpu.memref_squeeze %dma_start3A_171 : memref<1x!tpu.dma_semaphore, #tpu.memory_space<semaphore_mem>> -> memref<!tpu.dma_semaphore, #tpu.memory_space<semaphore_mem>>
      %dma_start3A_173 = arith.constant 0 : i32
      %dma_start3A_174 = tpu.memref_slice %arg11[%add3A_165, %dma_start3A_173] : memref<256x14xf32, #tpu.memory_space<vmem>> -> memref<1x14xf32, #tpu.memory_space<vmem>>
      %dma_start3A_175 = arith.constant 0 : i32
      %dma_start3A_176 = tpu.memref_slice %arg5[%squeeze3A_161, %dma_start3A_175] : memref<1000000x14xf32, #tpu.memory_space<hbm>> -> memref<1x14xf32, #tpu.memory_space<hbm>>
      tpu.enqueue_dma source(%dma_start3A_176 : memref<1x14xf32, #tpu.memory_space<hbm>>) target(%dma_start3A_174 : memref<1x14xf32, #tpu.memory_space<vmem>>) target_semaphore(%dma_start3A_172 : memref<!tpu.dma_semaphore, #tpu.memory_space<semaphore_mem>>)
      %slice3A_177 = vector.extract_strided_slice %get3A_36 {offsets = [4], sizes = [1], strides = [1]} : vector<16xi32> to vector<1xi32>
      %squeeze3A_178 = vector.extract %slice3A_177[0] : i32 from vector<1xi32>
      %mul3A_179 = arith.constant 16 : i32
      %mul3A_180 = arith.muli %scan3A_30, %mul3A_179 : i32
      %add3A_181 = arith.constant 4 : i32
      %add3A_182 = arith.addi %mul3A_180, %add3A_181 : i32
      %dma_start3A_183 = arith.constant 4 : i32
      %dma_start3A_184 = arith.constant 0 : i32
      %dma_start3A_185 = tpu.memref_slice %arg10[%add3A_182, %dma_start3A_184] : memref<256x32xf32, #tpu.memory_space<vmem>> -> memref<1x32xf32, #tpu.memory_space<vmem>>
      %dma_start3A_186 = arith.constant 0 : i32
      %dma_start3A_187 = tpu.memref_slice %arg4[%squeeze3A_178, %dma_start3A_186] : memref<1000000x32xf32, #tpu.memory_space<hbm>> -> memref<1x32xf32, #tpu.memory_space<hbm>>
      %dma_start3A_188 = tpu.memref_slice %arg12[%dma_start3A_183] : memref<8x!tpu.dma_semaphore, #tpu.memory_space<semaphore_mem>> -> memref<1x!tpu.dma_semaphore, #tpu.memory_space<semaphore_mem>>
      %dma_start3A_189 = tpu.memref_squeeze %dma_start3A_188 : memref<1x!tpu.dma_semaphore, #tpu.memory_space<semaphore_mem>> -> memref<!tpu.dma_semaphore, #tpu.memory_space<semaphore_mem>>
      %dma_start3A_190 = arith.constant 0 : i32
      %dma_start3A_191 = tpu.memref_slice %arg10[%add3A_182, %dma_start3A_190] : memref<256x32xf32, #tpu.memory_space<vmem>> -> memref<1x32xf32, #tpu.memory_space<vmem>>
      %dma_start3A_192 = arith.constant 0 : i32
      %dma_start3A_193 = tpu.memref_slice %arg4[%squeeze3A_178, %dma_start3A_192] : memref<1000000x32xf32, #tpu.memory_space<hbm>> -> memref<1x32xf32, #tpu.memory_space<hbm>>
      tpu.enqueue_dma source(%dma_start3A_193 : memref<1x32xf32, #tpu.memory_space<hbm>>) target(%dma_start3A_191 : memref<1x32xf32, #tpu.memory_space<vmem>>) target_semaphore(%dma_start3A_189 : memref<!tpu.dma_semaphore, #tpu.memory_space<semaphore_mem>>)
      %slice3A_194 = vector.extract_strided_slice %get3A_43 {offsets = [4], sizes = [1], strides = [1]} : vector<16xi32> to vector<1xi32>
      %squeeze3A_195 = vector.extract %slice3A_194[0] : i32 from vector<1xi32>
      %mul3A_196 = arith.constant 16 : i32
      %mul3A_197 = arith.muli %scan3A_30, %mul3A_196 : i32
      %add3A_198 = arith.constant 4 : i32
      %add3A_199 = arith.addi %mul3A_197, %add3A_198 : i32
      %dma_start3A_200 = arith.constant 4 : i32
      %dma_start3A_201 = arith.constant 0 : i32
      %dma_start3A_202 = tpu.memref_slice %arg11[%add3A_199, %dma_start3A_201] : memref<256x14xf32, #tpu.memory_space<vmem>> -> memref<1x14xf32, #tpu.memory_space<vmem>>
      %dma_start3A_203 = arith.constant 0 : i32
      %dma_start3A_204 = tpu.memref_slice %arg5[%squeeze3A_195, %dma_start3A_203] : memref<1000000x14xf32, #tpu.memory_space<hbm>> -> memref<1x14xf32, #tpu.memory_space<hbm>>
      %dma_start3A_205 = tpu.memref_slice %arg13[%dma_start3A_200] : memref<8x!tpu.dma_semaphore, #tpu.memory_space<semaphore_mem>> -> memref<1x!tpu.dma_semaphore, #tpu.memory_space<semaphore_mem>>
      %dma_start3A_206 = tpu.memref_squeeze %dma_start3A_205 : memref<1x!tpu.dma_semaphore, #tpu.memory_space<semaphore_mem>> -> memref<!tpu.dma_semaphore, #tpu.memory_space<semaphore_mem>>
      %dma_start3A_207 = arith.constant 0 : i32
      %dma_start3A_208 = tpu.memref_slice %arg11[%add3A_199, %dma_start3A_207] : memref<256x14xf32, #tpu.memory_space<vmem>> -> memref<1x14xf32, #tpu.memory_space<vmem>>
      %dma_start3A_209 = arith.constant 0 : i32
      %dma_start3A_210 = tpu.memref_slice %arg5[%squeeze3A_195, %dma_start3A_209] : memref<1000000x14xf32, #tpu.memory_space<hbm>> -> memref<1x14xf32, #tpu.memory_space<hbm>>
      tpu.enqueue_dma source(%dma_start3A_210 : memref<1x14xf32, #tpu.memory_space<hbm>>) target(%dma_start3A_208 : memref<1x14xf32, #tpu.memory_space<vmem>>) target_semaphore(%dma_start3A_206 : memref<!tpu.dma_semaphore, #tpu.memory_space<semaphore_mem>>)
      %slice3A_211 = vector.extract_strided_slice %get3A_36 {offsets = [5], sizes = [1], strides = [1]} : vector<16xi32> to vector<1xi32>
      %squeeze3A_212 = vector.extract %slice3A_211[0] : i32 from vector<1xi32>
      %mul3A_213 = arith.constant 16 : i32
      %mul3A_214 = arith.muli %scan3A_30, %mul3A_213 : i32
      %add3A_215 = arith.constant 5 : i32
      %add3A_216 = arith.addi %mul3A_214, %add3A_215 : i32
      %dma_start3A_217 = arith.constant 5 : i32
      %dma_start3A_218 = arith.constant 0 : i32
      %dma_start3A_219 = tpu.memref_slice %arg10[%add3A_216, %dma_start3A_218] : memref<256x32xf32, #tpu.memory_space<vmem>> -> memref<1x32xf32, #tpu.memory_space<vmem>>
      %dma_start3A_220 = arith.constant 0 : i32
      %dma_start3A_221 = tpu.memref_slice %arg4[%squeeze3A_212, %dma_start3A_220] : memref<1000000x32xf32, #tpu.memory_space<hbm>> -> memref<1x32xf32, #tpu.memory_space<hbm>>
      %dma_start3A_222 = tpu.memref_slice %arg12[%dma_start3A_217] : memref<8x!tpu.dma_semaphore, #tpu.memory_space<semaphore_mem>> -> memref<1x!tpu.dma_semaphore, #tpu.memory_space<semaphore_mem>>
      %dma_start3A_223 = tpu.memref_squeeze %dma_start3A_222 : memref<1x!tpu.dma_semaphore, #tpu.memory_space<semaphore_mem>> -> memref<!tpu.dma_semaphore, #tpu.memory_space<semaphore_mem>>
      %dma_start3A_224 = arith.constant 0 : i32
      %dma_start3A_225 = tpu.memref_slice %arg10[%add3A_216, %dma_start3A_224] : memref<256x32xf32, #tpu.memory_space<vmem>> -> memref<1x32xf32, #tpu.memory_space<vmem>>
      %dma_start3A_226 = arith.constant 0 : i32
      %dma_start3A_227 = tpu.memref_slice %arg4[%squeeze3A_212, %dma_start3A_226] : memref<1000000x32xf32, #tpu.memory_space<hbm>> -> memref<1x32xf32, #tpu.memory_space<hbm>>
      tpu.enqueue_dma source(%dma_start3A_227 : memref<1x32xf32, #tpu.memory_space<hbm>>) target(%dma_start3A_225 : memref<1x32xf32, #tpu.memory_space<vmem>>) target_semaphore(%dma_start3A_223 : memref<!tpu.dma_semaphore, #tpu.memory_space<semaphore_mem>>)
      %slice3A_228 = vector.extract_strided_slice %get3A_43 {offsets = [5], sizes = [1], strides = [1]} : vector<16xi32> to vector<1xi32>
      %squeeze3A_229 = vector.extract %slice3A_228[0] : i32 from vector<1xi32>
      %mul3A_230 = arith.constant 16 : i32
      %mul3A_231 = arith.muli %scan3A_30, %mul3A_230 : i32
      %add3A_232 = arith.constant 5 : i32
      %add3A_233 = arith.addi %mul3A_231, %add3A_232 : i32
      %dma_start3A_234 = arith.constant 5 : i32
      %dma_start3A_235 = arith.constant 0 : i32
      %dma_start3A_236 = tpu.memref_slice %arg11[%add3A_233, %dma_start3A_235] : memref<256x14xf32, #tpu.memory_space<vmem>> -> memref<1x14xf32, #tpu.memory_space<vmem>>
      %dma_start3A_237 = arith.constant 0 : i32
      %dma_start3A_238 = tpu.memref_slice %arg5[%squeeze3A_229, %dma_start3A_237] : memref<1000000x14xf32, #tpu.memory_space<hbm>> -> memref<1x14xf32, #tpu.memory_space<hbm>>
      %dma_start3A_239 = tpu.memref_slice %arg13[%dma_start3A_234] : memref<8x!tpu.dma_semaphore, #tpu.memory_space<semaphore_mem>> -> memref<1x!tpu.dma_semaphore, #tpu.memory_space<semaphore_mem>>
      %dma_start3A_240 = tpu.memref_squeeze %dma_start3A_239 : memref<1x!tpu.dma_semaphore, #tpu.memory_space<semaphore_mem>> -> memref<!tpu.dma_semaphore, #tpu.memory_space<semaphore_mem>>
      %dma_start3A_241 = arith.constant 0 : i32
      %dma_start3A_242 = tpu.memref_slice %arg11[%add3A_233, %dma_start3A_241] : memref<256x14xf32, #tpu.memory_space<vmem>> -> memref<1x14xf32, #tpu.memory_space<vmem>>
      %dma_start3A_243 = arith.constant 0 : i32
      %dma_start3A_244 = tpu.memref_slice %arg5[%squeeze3A_229, %dma_start3A_243] : memref<1000000x14xf32, #tpu.memory_space<hbm>> -> memref<1x14xf32, #tpu.memory_space<hbm>>
      tpu.enqueue_dma source(%dma_start3A_244 : memref<1x14xf32, #tpu.memory_space<hbm>>) target(%dma_start3A_242 : memref<1x14xf32, #tpu.memory_space<vmem>>) target_semaphore(%dma_start3A_240 : memref<!tpu.dma_semaphore, #tpu.memory_space<semaphore_mem>>)
      %slice3A_245 = vector.extract_strided_slice %get3A_36 {offsets = [6], sizes = [1], strides = [1]} : vector<16xi32> to vector<1xi32>
      %squeeze3A_246 = vector.extract %slice3A_245[0] : i32 from vector<1xi32>
      %mul3A_247 = arith.constant 16 : i32
      %mul3A_248 = arith.muli %scan3A_30, %mul3A_247 : i32
      %add3A_249 = arith.constant 6 : i32
      %add3A_250 = arith.addi %mul3A_248, %add3A_249 : i32
      %dma_start3A_251 = arith.constant 6 : i32
      %dma_start3A_252 = arith.constant 0 : i32
      %dma_start3A_253 = tpu.memref_slice %arg10[%add3A_250, %dma_start3A_252] : memref<256x32xf32, #tpu.memory_space<vmem>> -> memref<1x32xf32, #tpu.memory_space<vmem>>
      %dma_start3A_254 = arith.constant 0 : i32
      %dma_start3A_255 = tpu.memref_slice %arg4[%squeeze3A_246, %dma_start3A_254] : memref<1000000x32xf32, #tpu.memory_space<hbm>> -> memref<1x32xf32, #tpu.memory_space<hbm>>
      %dma_start3A_256 = tpu.memref_slice %arg12[%dma_start3A_251] : memref<8x!tpu.dma_semaphore, #tpu.memory_space<semaphore_mem>> -> memref<1x!tpu.dma_semaphore, #tpu.memory_space<semaphore_mem>>
      %dma_start3A_257 = tpu.memref_squeeze %dma_start3A_256 : memref<1x!tpu.dma_semaphore, #tpu.memory_space<semaphore_mem>> -> memref<!tpu.dma_semaphore, #tpu.memory_space<semaphore_mem>>
      %dma_start3A_258 = arith.constant 0 : i32
      %dma_start3A_259 = tpu.memref_slice %arg10[%add3A_250, %dma_start3A_258] : memref<256x32xf32, #tpu.memory_space<vmem>> -> memref<1x32xf32, #tpu.memory_space<vmem>>
      %dma_start3A_260 = arith.constant 0 : i32
      %dma_start3A_261 = tpu.memref_slice %arg4[%squeeze3A_246, %dma_start3A_260] : memref<1000000x32xf32, #tpu.memory_space<hbm>> -> memref<1x32xf32, #tpu.memory_space<hbm>>
      tpu.enqueue_dma source(%dma_start3A_261 : memref<1x32xf32, #tpu.memory_space<hbm>>) target(%dma_start3A_259 : memref<1x32xf32, #tpu.memory_space<vmem>>) target_semaphore(%dma_start3A_257 : memref<!tpu.dma_semaphore, #tpu.memory_space<semaphore_mem>>)
      %slice3A_262 = vector.extract_strided_slice %get3A_43 {offsets = [6], sizes = [1], strides = [1]} : vector<16xi32> to vector<1xi32>
      %squeeze3A_263 = vector.extract %slice3A_262[0] : i32 from vector<1xi32>
      %mul3A_264 = arith.constant 16 : i32
      %mul3A_265 = arith.muli %scan3A_30, %mul3A_264 : i32
      %add3A_266 = arith.constant 6 : i32
      %add3A_267 = arith.addi %mul3A_265, %add3A_266 : i32
      %dma_start3A_268 = arith.constant 6 : i32
      %dma_start3A_269 = arith.constant 0 : i32
      %dma_start3A_270 = tpu.memref_slice %arg11[%add3A_267, %dma_start3A_269] : memref<256x14xf32, #tpu.memory_space<vmem>> -> memref<1x14xf32, #tpu.memory_space<vmem>>
      %dma_start3A_271 = arith.constant 0 : i32
      %dma_start3A_272 = tpu.memref_slice %arg5[%squeeze3A_263, %dma_start3A_271] : memref<1000000x14xf32, #tpu.memory_space<hbm>> -> memref<1x14xf32, #tpu.memory_space<hbm>>
      %dma_start3A_273 = tpu.memref_slice %arg13[%dma_start3A_268] : memref<8x!tpu.dma_semaphore, #tpu.memory_space<semaphore_mem>> -> memref<1x!tpu.dma_semaphore, #tpu.memory_space<semaphore_mem>>
      %dma_start3A_274 = tpu.memref_squeeze %dma_start3A_273 : memref<1x!tpu.dma_semaphore, #tpu.memory_space<semaphore_mem>> -> memref<!tpu.dma_semaphore, #tpu.memory_space<semaphore_mem>>
      %dma_start3A_275 = arith.constant 0 : i32
      %dma_start3A_276 = tpu.memref_slice %arg11[%add3A_267, %dma_start3A_275] : memref<256x14xf32, #tpu.memory_space<vmem>> -> memref<1x14xf32, #tpu.memory_space<vmem>>
      %dma_start3A_277 = arith.constant 0 : i32
      %dma_start3A_278 = tpu.memref_slice %arg5[%squeeze3A_263, %dma_start3A_277] : memref<1000000x14xf32, #tpu.memory_space<hbm>> -> memref<1x14xf32, #tpu.memory_space<hbm>>
      tpu.enqueue_dma source(%dma_start3A_278 : memref<1x14xf32, #tpu.memory_space<hbm>>) target(%dma_start3A_276 : memref<1x14xf32, #tpu.memory_space<vmem>>) target_semaphore(%dma_start3A_274 : memref<!tpu.dma_semaphore, #tpu.memory_space<semaphore_mem>>)
      %slice3A_279 = vector.extract_strided_slice %get3A_36 {offsets = [7], sizes = [1], strides = [1]} : vector<16xi32> to vector<1xi32>
      %squeeze3A_280 = vector.extract %slice3A_279[0] : i32 from vector<1xi32>
      %mul3A_281 = arith.constant 16 : i32
      %mul3A_282 = arith.muli %scan3A_30, %mul3A_281 : i32
      %add3A_283 = arith.constant 7 : i32
      %add3A_284 = arith.addi %mul3A_282, %add3A_283 : i32
      %dma_start3A_285 = arith.constant 7 : i32
      %dma_start3A_286 = arith.constant 0 : i32
      %dma_start3A_287 = tpu.memref_slice %arg10[%add3A_284, %dma_start3A_286] : memref<256x32xf32, #tpu.memory_space<vmem>> -> memref<1x32xf32, #tpu.memory_space<vmem>>
      %dma_start3A_288 = arith.constant 0 : i32
      %dma_start3A_289 = tpu.memref_slice %arg4[%squeeze3A_280, %dma_start3A_288] : memref<1000000x32xf32, #tpu.memory_space<hbm>> -> memref<1x32xf32, #tpu.memory_space<hbm>>
      %dma_start3A_290 = tpu.memref_slice %arg12[%dma_start3A_285] : memref<8x!tpu.dma_semaphore, #tpu.memory_space<semaphore_mem>> -> memref<1x!tpu.dma_semaphore, #tpu.memory_space<semaphore_mem>>
      %dma_start3A_291 = tpu.memref_squeeze %dma_start3A_290 : memref<1x!tpu.dma_semaphore, #tpu.memory_space<semaphore_mem>> -> memref<!tpu.dma_semaphore, #tpu.memory_space<semaphore_mem>>
      %dma_start3A_292 = arith.constant 0 : i32
      %dma_start3A_293 = tpu.memref_slice %arg10[%add3A_284, %dma_start3A_292] : memref<256x32xf32, #tpu.memory_space<vmem>> -> memref<1x32xf32, #tpu.memory_space<vmem>>
      %dma_start3A_294 = arith.constant 0 : i32
      %dma_start3A_295 = tpu.memref_slice %arg4[%squeeze3A_280, %dma_start3A_294] : memref<1000000x32xf32, #tpu.memory_space<hbm>> -> memref<1x32xf32, #tpu.memory_space<hbm>>
      tpu.enqueue_dma source(%dma_start3A_295 : memref<1x32xf32, #tpu.memory_space<hbm>>) target(%dma_start3A_293 : memref<1x32xf32, #tpu.memory_space<vmem>>) target_semaphore(%dma_start3A_291 : memref<!tpu.dma_semaphore, #tpu.memory_space<semaphore_mem>>)
      %slice3A_296 = vector.extract_strided_slice %get3A_43 {offsets = [7], sizes = [1], strides = [1]} : vector<16xi32> to vector<1xi32>
      %squeeze3A_297 = vector.extract %slice3A_296[0] : i32 from vector<1xi32>
      %mul3A_298 = arith.constant 16 : i32
      %mul3A_299 = arith.muli %scan3A_30, %mul3A_298 : i32
      %add3A_300 = arith.constant 7 : i32
      %add3A_301 = arith.addi %mul3A_299, %add3A_300 : i32
      %dma_start3A_302 = arith.constant 7 : i32
      %dma_start3A_303 = arith.constant 0 : i32
      %dma_start3A_304 = tpu.memref_slice %arg11[%add3A_301, %dma_start3A_303] : memref<256x14xf32, #tpu.memory_space<vmem>> -> memref<1x14xf32, #tpu.memory_space<vmem>>
      %dma_start3A_305 = arith.constant 0 : i32
      %dma_start3A_306 = tpu.memref_slice %arg5[%squeeze3A_297, %dma_start3A_305] : memref<1000000x14xf32, #tpu.memory_space<hbm>> -> memref<1x14xf32, #tpu.memory_space<hbm>>
      %dma_start3A_307 = tpu.memref_slice %arg13[%dma_start3A_302] : memref<8x!tpu.dma_semaphore, #tpu.memory_space<semaphore_mem>> -> memref<1x!tpu.dma_semaphore, #tpu.memory_space<semaphore_mem>>
      %dma_start3A_308 = tpu.memref_squeeze %dma_start3A_307 : memref<1x!tpu.dma_semaphore, #tpu.memory_space<semaphore_mem>> -> memref<!tpu.dma_semaphore, #tpu.memory_space<semaphore_mem>>
      %dma_start3A_309 = arith.constant 0 : i32
      %dma_start3A_310 = tpu.memref_slice %arg11[%add3A_301, %dma_start3A_309] : memref<256x14xf32, #tpu.memory_space<vmem>> -> memref<1x14xf32, #tpu.memory_space<vmem>>
      %dma_start3A_311 = arith.constant 0 : i32
      %dma_start3A_312 = tpu.memref_slice %arg5[%squeeze3A_297, %dma_start3A_311] : memref<1000000x14xf32, #tpu.memory_space<hbm>> -> memref<1x14xf32, #tpu.memory_space<hbm>>
      tpu.enqueue_dma source(%dma_start3A_312 : memref<1x14xf32, #tpu.memory_space<hbm>>) target(%dma_start3A_310 : memref<1x14xf32, #tpu.memory_space<vmem>>) target_semaphore(%dma_start3A_308 : memref<!tpu.dma_semaphore, #tpu.memory_space<semaphore_mem>>)
      %slice3A_313 = vector.extract_strided_slice %get3A_36 {offsets = [8], sizes = [1], strides = [1]} : vector<16xi32> to vector<1xi32>
      %squeeze3A_314 = vector.extract %slice3A_313[0] : i32 from vector<1xi32>
      %mul3A_315 = arith.constant 16 : i32
      %mul3A_316 = arith.muli %scan3A_30, %mul3A_315 : i32
      %add3A_317 = arith.constant 8 : i32
      %add3A_318 = arith.addi %mul3A_316, %add3A_317 : i32
      %dma_start3A_319 = arith.constant 0 : i32
      %dma_start3A_320 = arith.constant 0 : i32
      %dma_start3A_321 = tpu.memref_slice %arg10[%add3A_318, %dma_start3A_320] : memref<256x32xf32, #tpu.memory_space<vmem>> -> memref<1x32xf32, #tpu.memory_space<vmem>>
      %dma_start3A_322 = arith.constant 0 : i32
      %dma_start3A_323 = tpu.memref_slice %arg4[%squeeze3A_314, %dma_start3A_322] : memref<1000000x32xf32, #tpu.memory_space<hbm>> -> memref<1x32xf32, #tpu.memory_space<hbm>>
      %dma_start3A_324 = tpu.memref_slice %arg12[%dma_start3A_319] : memref<8x!tpu.dma_semaphore, #tpu.memory_space<semaphore_mem>> -> memref<1x!tpu.dma_semaphore, #tpu.memory_space<semaphore_mem>>
      %dma_start3A_325 = tpu.memref_squeeze %dma_start3A_324 : memref<1x!tpu.dma_semaphore, #tpu.memory_space<semaphore_mem>> -> memref<!tpu.dma_semaphore, #tpu.memory_space<semaphore_mem>>
      %dma_start3A_326 = arith.constant 0 : i32
      %dma_start3A_327 = tpu.memref_slice %arg10[%add3A_318, %dma_start3A_326] : memref<256x32xf32, #tpu.memory_space<vmem>> -> memref<1x32xf32, #tpu.memory_space<vmem>>
      %dma_start3A_328 = arith.constant 0 : i32
      %dma_start3A_329 = tpu.memref_slice %arg4[%squeeze3A_314, %dma_start3A_328] : memref<1000000x32xf32, #tpu.memory_space<hbm>> -> memref<1x32xf32, #tpu.memory_space<hbm>>
      tpu.enqueue_dma source(%dma_start3A_329 : memref<1x32xf32, #tpu.memory_space<hbm>>) target(%dma_start3A_327 : memref<1x32xf32, #tpu.memory_space<vmem>>) target_semaphore(%dma_start3A_325 : memref<!tpu.dma_semaphore, #tpu.memory_space<semaphore_mem>>)
      %slice3A_330 = vector.extract_strided_slice %get3A_43 {offsets = [8], sizes = [1], strides = [1]} : vector<16xi32> to vector<1xi32>
      %squeeze3A_331 = vector.extract %slice3A_330[0] : i32 from vector<1xi32>
      %mul3A_332 = arith.constant 16 : i32
      %mul3A_333 = arith.muli %scan3A_30, %mul3A_332 : i32
      %add3A_334 = arith.constant 8 : i32
      %add3A_335 = arith.addi %mul3A_333, %add3A_334 : i32
      %dma_start3A_336 = arith.constant 0 : i32
      %dma_start3A_337 = arith.constant 0 : i32
      %dma_start3A_338 = tpu.memref_slice %arg11[%add3A_335, %dma_start3A_337] : memref<256x14xf32, #tpu.memory_space<vmem>> -> memref<1x14xf32, #tpu.memory_space<vmem>>
      %dma_start3A_339 = arith.constant 0 : i32
      %dma_start3A_340 = tpu.memref_slice %arg5[%squeeze3A_331, %dma_start3A_339] : memref<1000000x14xf32, #tpu.memory_space<hbm>> -> memref<1x14xf32, #tpu.memory_space<hbm>>
      %dma_start3A_341 = tpu.memref_slice %arg13[%dma_start3A_336] : memref<8x!tpu.dma_semaphore, #tpu.memory_space<semaphore_mem>> -> memref<1x!tpu.dma_semaphore, #tpu.memory_space<semaphore_mem>>
      %dma_start3A_342 = tpu.memref_squeeze %dma_start3A_341 : memref<1x!tpu.dma_semaphore, #tpu.memory_space<semaphore_mem>> -> memref<!tpu.dma_semaphore, #tpu.memory_space<semaphore_mem>>
      %dma_start3A_343 = arith.constant 0 : i32
      %dma_start3A_344 = tpu.memref_slice %arg11[%add3A_335, %dma_start3A_343] : memref<256x14xf32, #tpu.memory_space<vmem>> -> memref<1x14xf32, #tpu.memory_space<vmem>>
      %dma_start3A_345 = arith.constant 0 : i32
      %dma_start3A_346 = tpu.memref_slice %arg5[%squeeze3A_331, %dma_start3A_345] : memref<1000000x14xf32, #tpu.memory_space<hbm>> -> memref<1x14xf32, #tpu.memory_space<hbm>>
      tpu.enqueue_dma source(%dma_start3A_346 : memref<1x14xf32, #tpu.memory_space<hbm>>) target(%dma_start3A_344 : memref<1x14xf32, #tpu.memory_space<vmem>>) target_semaphore(%dma_start3A_342 : memref<!tpu.dma_semaphore, #tpu.memory_space<semaphore_mem>>)
      %slice3A_347 = vector.extract_strided_slice %get3A_36 {offsets = [9], sizes = [1], strides = [1]} : vector<16xi32> to vector<1xi32>
      %squeeze3A_348 = vector.extract %slice3A_347[0] : i32 from vector<1xi32>
      %mul3A_349 = arith.constant 16 : i32
      %mul3A_350 = arith.muli %scan3A_30, %mul3A_349 : i32
      %add3A_351 = arith.constant 9 : i32
      %add3A_352 = arith.addi %mul3A_350, %add3A_351 : i32
      %dma_start3A_353 = arith.constant 1 : i32
      %dma_start3A_354 = arith.constant 0 : i32
      %dma_start3A_355 = tpu.memref_slice %arg10[%add3A_352, %dma_start3A_354] : memref<256x32xf32, #tpu.memory_space<vmem>> -> memref<1x32xf32, #tpu.memory_space<vmem>>
      %dma_start3A_356 = arith.constant 0 : i32
      %dma_start3A_357 = tpu.memref_slice %arg4[%squeeze3A_348, %dma_start3A_356] : memref<1000000x32xf32, #tpu.memory_space<hbm>> -> memref<1x32xf32, #tpu.memory_space<hbm>>
      %dma_start3A_358 = tpu.memref_slice %arg12[%dma_start3A_353] : memref<8x!tpu.dma_semaphore, #tpu.memory_space<semaphore_mem>> -> memref<1x!tpu.dma_semaphore, #tpu.memory_space<semaphore_mem>>
      %dma_start3A_359 = tpu.memref_squeeze %dma_start3A_358 : memref<1x!tpu.dma_semaphore, #tpu.memory_space<semaphore_mem>> -> memref<!tpu.dma_semaphore, #tpu.memory_space<semaphore_mem>>
      %dma_start3A_360 = arith.constant 0 : i32
      %dma_start3A_361 = tpu.memref_slice %arg10[%add3A_352, %dma_start3A_360] : memref<256x32xf32, #tpu.memory_space<vmem>> -> memref<1x32xf32, #tpu.memory_space<vmem>>
      %dma_start3A_362 = arith.constant 0 : i32
      %dma_start3A_363 = tpu.memref_slice %arg4[%squeeze3A_348, %dma_start3A_362] : memref<1000000x32xf32, #tpu.memory_space<hbm>> -> memref<1x32xf32, #tpu.memory_space<hbm>>
      tpu.enqueue_dma source(%dma_start3A_363 : memref<1x32xf32, #tpu.memory_space<hbm>>) target(%dma_start3A_361 : memref<1x32xf32, #tpu.memory_space<vmem>>) target_semaphore(%dma_start3A_359 : memref<!tpu.dma_semaphore, #tpu.memory_space<semaphore_mem>>)
      %slice3A_364 = vector.extract_strided_slice %get3A_43 {offsets = [9], sizes = [1], strides = [1]} : vector<16xi32> to vector<1xi32>
      %squeeze3A_365 = vector.extract %slice3A_364[0] : i32 from vector<1xi32>
      %mul3A_366 = arith.constant 16 : i32
      %mul3A_367 = arith.muli %scan3A_30, %mul3A_366 : i32
      %add3A_368 = arith.constant 9 : i32
      %add3A_369 = arith.addi %mul3A_367, %add3A_368 : i32
      %dma_start3A_370 = arith.constant 1 : i32
      %dma_start3A_371 = arith.constant 0 : i32
      %dma_start3A_372 = tpu.memref_slice %arg11[%add3A_369, %dma_start3A_371] : memref<256x14xf32, #tpu.memory_space<vmem>> -> memref<1x14xf32, #tpu.memory_space<vmem>>
      %dma_start3A_373 = arith.constant 0 : i32
      %dma_start3A_374 = tpu.memref_slice %arg5[%squeeze3A_365, %dma_start3A_373] : memref<1000000x14xf32, #tpu.memory_space<hbm>> -> memref<1x14xf32, #tpu.memory_space<hbm>>
      %dma_start3A_375 = tpu.memref_slice %arg13[%dma_start3A_370] : memref<8x!tpu.dma_semaphore, #tpu.memory_space<semaphore_mem>> -> memref<1x!tpu.dma_semaphore, #tpu.memory_space<semaphore_mem>>
      %dma_start3A_376 = tpu.memref_squeeze %dma_start3A_375 : memref<1x!tpu.dma_semaphore, #tpu.memory_space<semaphore_mem>> -> memref<!tpu.dma_semaphore, #tpu.memory_space<semaphore_mem>>
      %dma_start3A_377 = arith.constant 0 : i32
      %dma_start3A_378 = tpu.memref_slice %arg11[%add3A_369, %dma_start3A_377] : memref<256x14xf32, #tpu.memory_space<vmem>> -> memref<1x14xf32, #tpu.memory_space<vmem>>
      %dma_start3A_379 = arith.constant 0 : i32
      %dma_start3A_380 = tpu.memref_slice %arg5[%squeeze3A_365, %dma_start3A_379] : memref<1000000x14xf32, #tpu.memory_space<hbm>> -> memref<1x14xf32, #tpu.memory_space<hbm>>
      tpu.enqueue_dma source(%dma_start3A_380 : memref<1x14xf32, #tpu.memory_space<hbm>>) target(%dma_start3A_378 : memref<1x14xf32, #tpu.memory_space<vmem>>) target_semaphore(%dma_start3A_376 : memref<!tpu.dma_semaphore, #tpu.memory_space<semaphore_mem>>)
      %slice3A_381 = vector.extract_strided_slice %get3A_36 {offsets = [10], sizes = [1], strides = [1]} : vector<16xi32> to vector<1xi32>
      %squeeze3A_382 = vector.extract %slice3A_381[0] : i32 from vector<1xi32>
      %mul3A_383 = arith.constant 16 : i32
      %mul3A_384 = arith.muli %scan3A_30, %mul3A_383 : i32
      %add3A_385 = arith.constant 10 : i32
      %add3A_386 = arith.addi %mul3A_384, %add3A_385 : i32
      %dma_start3A_387 = arith.constant 2 : i32
      %dma_start3A_388 = arith.constant 0 : i32
      %dma_start3A_389 = tpu.memref_slice %arg10[%add3A_386, %dma_start3A_388] : memref<256x32xf32, #tpu.memory_space<vmem>> -> memref<1x32xf32, #tpu.memory_space<vmem>>
      %dma_start3A_390 = arith.constant 0 : i32
      %dma_start3A_391 = tpu.memref_slice %arg4[%squeeze3A_382, %dma_start3A_390] : memref<1000000x32xf32, #tpu.memory_space<hbm>> -> memref<1x32xf32, #tpu.memory_space<hbm>>
      %dma_start3A_392 = tpu.memref_slice %arg12[%dma_start3A_387] : memref<8x!tpu.dma_semaphore, #tpu.memory_space<semaphore_mem>> -> memref<1x!tpu.dma_semaphore, #tpu.memory_space<semaphore_mem>>
      %dma_start3A_393 = tpu.memref_squeeze %dma_start3A_392 : memref<1x!tpu.dma_semaphore, #tpu.memory_space<semaphore_mem>> -> memref<!tpu.dma_semaphore, #tpu.memory_space<semaphore_mem>>
      %dma_start3A_394 = arith.constant 0 : i32
      %dma_start3A_395 = tpu.memref_slice %arg10[%add3A_386, %dma_start3A_394] : memref<256x32xf32, #tpu.memory_space<vmem>> -> memref<1x32xf32, #tpu.memory_space<vmem>>
      %dma_start3A_396 = arith.constant 0 : i32
      %dma_start3A_397 = tpu.memref_slice %arg4[%squeeze3A_382, %dma_start3A_396] : memref<1000000x32xf32, #tpu.memory_space<hbm>> -> memref<1x32xf32, #tpu.memory_space<hbm>>
      tpu.enqueue_dma source(%dma_start3A_397 : memref<1x32xf32, #tpu.memory_space<hbm>>) target(%dma_start3A_395 : memref<1x32xf32, #tpu.memory_space<vmem>>) target_semaphore(%dma_start3A_393 : memref<!tpu.dma_semaphore, #tpu.memory_space<semaphore_mem>>)
      %slice3A_398 = vector.extract_strided_slice %get3A_43 {offsets = [10], sizes = [1], strides = [1]} : vector<16xi32> to vector<1xi32>
      %squeeze3A_399 = vector.extract %slice3A_398[0] : i32 from vector<1xi32>
      %mul3A_400 = arith.constant 16 : i32
      %mul3A_401 = arith.muli %scan3A_30, %mul3A_400 : i32
      %add3A_402 = arith.constant 10 : i32
      %add3A_403 = arith.addi %mul3A_401, %add3A_402 : i32
      %dma_start3A_404 = arith.constant 2 : i32
      %dma_start3A_405 = arith.constant 0 : i32
      %dma_start3A_406 = tpu.memref_slice %arg11[%add3A_403, %dma_start3A_405] : memref<256x14xf32, #tpu.memory_space<vmem>> -> memref<1x14xf32, #tpu.memory_space<vmem>>
      %dma_start3A_407 = arith.constant 0 : i32
      %dma_start3A_408 = tpu.memref_slice %arg5[%squeeze3A_399, %dma_start3A_407] : memref<1000000x14xf32, #tpu.memory_space<hbm>> -> memref<1x14xf32, #tpu.memory_space<hbm>>
      %dma_start3A_409 = tpu.memref_slice %arg13[%dma_start3A_404] : memref<8x!tpu.dma_semaphore, #tpu.memory_space<semaphore_mem>> -> memref<1x!tpu.dma_semaphore, #tpu.memory_space<semaphore_mem>>
      %dma_start3A_410 = tpu.memref_squeeze %dma_start3A_409 : memref<1x!tpu.dma_semaphore, #tpu.memory_space<semaphore_mem>> -> memref<!tpu.dma_semaphore, #tpu.memory_space<semaphore_mem>>
      %dma_start3A_411 = arith.constant 0 : i32
      %dma_start3A_412 = tpu.memref_slice %arg11[%add3A_403, %dma_start3A_411] : memref<256x14xf32, #tpu.memory_space<vmem>> -> memref<1x14xf32, #tpu.memory_space<vmem>>
      %dma_start3A_413 = arith.constant 0 : i32
      %dma_start3A_414 = tpu.memref_slice %arg5[%squeeze3A_399, %dma_start3A_413] : memref<1000000x14xf32, #tpu.memory_space<hbm>> -> memref<1x14xf32, #tpu.memory_space<hbm>>
      tpu.enqueue_dma source(%dma_start3A_414 : memref<1x14xf32, #tpu.memory_space<hbm>>) target(%dma_start3A_412 : memref<1x14xf32, #tpu.memory_space<vmem>>) target_semaphore(%dma_start3A_410 : memref<!tpu.dma_semaphore, #tpu.memory_space<semaphore_mem>>)
      %slice3A_415 = vector.extract_strided_slice %get3A_36 {offsets = [11], sizes = [1], strides = [1]} : vector<16xi32> to vector<1xi32>
      %squeeze3A_416 = vector.extract %slice3A_415[0] : i32 from vector<1xi32>
      %mul3A_417 = arith.constant 16 : i32
      %mul3A_418 = arith.muli %scan3A_30, %mul3A_417 : i32
      %add3A_419 = arith.constant 11 : i32
      %add3A_420 = arith.addi %mul3A_418, %add3A_419 : i32
      %dma_start3A_421 = arith.constant 3 : i32
      %dma_start3A_422 = arith.constant 0 : i32
      %dma_start3A_423 = tpu.memref_slice %arg10[%add3A_420, %dma_start3A_422] : memref<256x32xf32, #tpu.memory_space<vmem>> -> memref<1x32xf32, #tpu.memory_space<vmem>>
      %dma_start3A_424 = arith.constant 0 : i32
      %dma_start3A_425 = tpu.memref_slice %arg4[%squeeze3A_416, %dma_start3A_424] : memref<1000000x32xf32, #tpu.memory_space<hbm>> -> memref<1x32xf32, #tpu.memory_space<hbm>>
      %dma_start3A_426 = tpu.memref_slice %arg12[%dma_start3A_421] : memref<8x!tpu.dma_semaphore, #tpu.memory_space<semaphore_mem>> -> memref<1x!tpu.dma_semaphore, #tpu.memory_space<semaphore_mem>>
      %dma_start3A_427 = tpu.memref_squeeze %dma_start3A_426 : memref<1x!tpu.dma_semaphore, #tpu.memory_space<semaphore_mem>> -> memref<!tpu.dma_semaphore, #tpu.memory_space<semaphore_mem>>
      %dma_start3A_428 = arith.constant 0 : i32
      %dma_start3A_429 = tpu.memref_slice %arg10[%add3A_420, %dma_start3A_428] : memref<256x32xf32, #tpu.memory_space<vmem>> -> memref<1x32xf32, #tpu.memory_space<vmem>>
      %dma_start3A_430 = arith.constant 0 : i32
      %dma_start3A_431 = tpu.memref_slice %arg4[%squeeze3A_416, %dma_start3A_430] : memref<1000000x32xf32, #tpu.memory_space<hbm>> -> memref<1x32xf32, #tpu.memory_space<hbm>>
      tpu.enqueue_dma source(%dma_start3A_431 : memref<1x32xf32, #tpu.memory_space<hbm>>) target(%dma_start3A_429 : memref<1x32xf32, #tpu.memory_space<vmem>>) target_semaphore(%dma_start3A_427 : memref<!tpu.dma_semaphore, #tpu.memory_space<semaphore_mem>>)
      %slice3A_432 = vector.extract_strided_slice %get3A_43 {offsets = [11], sizes = [1], strides = [1]} : vector<16xi32> to vector<1xi32>
      %squeeze3A_433 = vector.extract %slice3A_432[0] : i32 from vector<1xi32>
      %mul3A_434 = arith.constant 16 : i32
      %mul3A_435 = arith.muli %scan3A_30, %mul3A_434 : i32
      %add3A_436 = arith.constant 11 : i32
      %add3A_437 = arith.addi %mul3A_435, %add3A_436 : i32
      %dma_start3A_438 = arith.constant 3 : i32
      %dma_start3A_439 = arith.constant 0 : i32
      %dma_start3A_440 = tpu.memref_slice %arg11[%add3A_437, %dma_start3A_439] : memref<256x14xf32, #tpu.memory_space<vmem>> -> memref<1x14xf32, #tpu.memory_space<vmem>>
      %dma_start3A_441 = arith.constant 0 : i32
      %dma_start3A_442 = tpu.memref_slice %arg5[%squeeze3A_433, %dma_start3A_441] : memref<1000000x14xf32, #tpu.memory_space<hbm>> -> memref<1x14xf32, #tpu.memory_space<hbm>>
      %dma_start3A_443 = tpu.memref_slice %arg13[%dma_start3A_438] : memref<8x!tpu.dma_semaphore, #tpu.memory_space<semaphore_mem>> -> memref<1x!tpu.dma_semaphore, #tpu.memory_space<semaphore_mem>>
      %dma_start3A_444 = tpu.memref_squeeze %dma_start3A_443 : memref<1x!tpu.dma_semaphore, #tpu.memory_space<semaphore_mem>> -> memref<!tpu.dma_semaphore, #tpu.memory_space<semaphore_mem>>
      %dma_start3A_445 = arith.constant 0 : i32
      %dma_start3A_446 = tpu.memref_slice %arg11[%add3A_437, %dma_start3A_445] : memref<256x14xf32, #tpu.memory_space<vmem>> -> memref<1x14xf32, #tpu.memory_space<vmem>>
      %dma_start3A_447 = arith.constant 0 : i32
      %dma_start3A_448 = tpu.memref_slice %arg5[%squeeze3A_433, %dma_start3A_447] : memref<1000000x14xf32, #tpu.memory_space<hbm>> -> memref<1x14xf32, #tpu.memory_space<hbm>>
      tpu.enqueue_dma source(%dma_start3A_448 : memref<1x14xf32, #tpu.memory_space<hbm>>) target(%dma_start3A_446 : memref<1x14xf32, #tpu.memory_space<vmem>>) target_semaphore(%dma_start3A_444 : memref<!tpu.dma_semaphore, #tpu.memory_space<semaphore_mem>>)
      %slice3A_449 = vector.extract_strided_slice %get3A_36 {offsets = [12], sizes = [1], strides = [1]} : vector<16xi32> to vector<1xi32>
      %squeeze3A_450 = vector.extract %slice3A_449[0] : i32 from vector<1xi32>
      %mul3A_451 = arith.constant 16 : i32
      %mul3A_452 = arith.muli %scan3A_30, %mul3A_451 : i32
      %add3A_453 = arith.constant 12 : i32
      %add3A_454 = arith.addi %mul3A_452, %add3A_453 : i32
      %dma_start3A_455 = arith.constant 4 : i32
      %dma_start3A_456 = arith.constant 0 : i32
      %dma_start3A_457 = tpu.memref_slice %arg10[%add3A_454, %dma_start3A_456] : memref<256x32xf32, #tpu.memory_space<vmem>> -> memref<1x32xf32, #tpu.memory_space<vmem>>
      %dma_start3A_458 = arith.constant 0 : i32
      %dma_start3A_459 = tpu.memref_slice %arg4[%squeeze3A_450, %dma_start3A_458] : memref<1000000x32xf32, #tpu.memory_space<hbm>> -> memref<1x32xf32, #tpu.memory_space<hbm>>
      %dma_start3A_460 = tpu.memref_slice %arg12[%dma_start3A_455] : memref<8x!tpu.dma_semaphore, #tpu.memory_space<semaphore_mem>> -> memref<1x!tpu.dma_semaphore, #tpu.memory_space<semaphore_mem>>
      %dma_start3A_461 = tpu.memref_squeeze %dma_start3A_460 : memref<1x!tpu.dma_semaphore, #tpu.memory_space<semaphore_mem>> -> memref<!tpu.dma_semaphore, #tpu.memory_space<semaphore_mem>>
      %dma_start3A_462 = arith.constant 0 : i32
      %dma_start3A_463 = tpu.memref_slice %arg10[%add3A_454, %dma_start3A_462] : memref<256x32xf32, #tpu.memory_space<vmem>> -> memref<1x32xf32, #tpu.memory_space<vmem>>
      %dma_start3A_464 = arith.constant 0 : i32
      %dma_start3A_465 = tpu.memref_slice %arg4[%squeeze3A_450, %dma_start3A_464] : memref<1000000x32xf32, #tpu.memory_space<hbm>> -> memref<1x32xf32, #tpu.memory_space<hbm>>
      tpu.enqueue_dma source(%dma_start3A_465 : memref<1x32xf32, #tpu.memory_space<hbm>>) target(%dma_start3A_463 : memref<1x32xf32, #tpu.memory_space<vmem>>) target_semaphore(%dma_start3A_461 : memref<!tpu.dma_semaphore, #tpu.memory_space<semaphore_mem>>)
      %slice3A_466 = vector.extract_strided_slice %get3A_43 {offsets = [12], sizes = [1], strides = [1]} : vector<16xi32> to vector<1xi32>
      %squeeze3A_467 = vector.extract %slice3A_466[0] : i32 from vector<1xi32>
      %mul3A_468 = arith.constant 16 : i32
      %mul3A_469 = arith.muli %scan3A_30, %mul3A_468 : i32
      %add3A_470 = arith.constant 12 : i32
      %add3A_471 = arith.addi %mul3A_469, %add3A_470 : i32
      %dma_start3A_472 = arith.constant 4 : i32
      %dma_start3A_473 = arith.constant 0 : i32
      %dma_start3A_474 = tpu.memref_slice %arg11[%add3A_471, %dma_start3A_473] : memref<256x14xf32, #tpu.memory_space<vmem>> -> memref<1x14xf32, #tpu.memory_space<vmem>>
      %dma_start3A_475 = arith.constant 0 : i32
      %dma_start3A_476 = tpu.memref_slice %arg5[%squeeze3A_467, %dma_start3A_475] : memref<1000000x14xf32, #tpu.memory_space<hbm>> -> memref<1x14xf32, #tpu.memory_space<hbm>>
      %dma_start3A_477 = tpu.memref_slice %arg13[%dma_start3A_472] : memref<8x!tpu.dma_semaphore, #tpu.memory_space<semaphore_mem>> -> memref<1x!tpu.dma_semaphore, #tpu.memory_space<semaphore_mem>>
      %dma_start3A_478 = tpu.memref_squeeze %dma_start3A_477 : memref<1x!tpu.dma_semaphore, #tpu.memory_space<semaphore_mem>> -> memref<!tpu.dma_semaphore, #tpu.memory_space<semaphore_mem>>
      %dma_start3A_479 = arith.constant 0 : i32
      %dma_start3A_480 = tpu.memref_slice %arg11[%add3A_471, %dma_start3A_479] : memref<256x14xf32, #tpu.memory_space<vmem>> -> memref<1x14xf32, #tpu.memory_space<vmem>>
      %dma_start3A_481 = arith.constant 0 : i32
      %dma_start3A_482 = tpu.memref_slice %arg5[%squeeze3A_467, %dma_start3A_481] : memref<1000000x14xf32, #tpu.memory_space<hbm>> -> memref<1x14xf32, #tpu.memory_space<hbm>>
      tpu.enqueue_dma source(%dma_start3A_482 : memref<1x14xf32, #tpu.memory_space<hbm>>) target(%dma_start3A_480 : memref<1x14xf32, #tpu.memory_space<vmem>>) target_semaphore(%dma_start3A_478 : memref<!tpu.dma_semaphore, #tpu.memory_space<semaphore_mem>>)
      %slice3A_483 = vector.extract_strided_slice %get3A_36 {offsets = [13], sizes = [1], strides = [1]} : vector<16xi32> to vector<1xi32>
      %squeeze3A_484 = vector.extract %slice3A_483[0] : i32 from vector<1xi32>
      %mul3A_485 = arith.constant 16 : i32
      %mul3A_486 = arith.muli %scan3A_30, %mul3A_485 : i32
      %add3A_487 = arith.constant 13 : i32
      %add3A_488 = arith.addi %mul3A_486, %add3A_487 : i32
      %dma_start3A_489 = arith.constant 5 : i32
      %dma_start3A_490 = arith.constant 0 : i32
      %dma_start3A_491 = tpu.memref_slice %arg10[%add3A_488, %dma_start3A_490] : memref<256x32xf32, #tpu.memory_space<vmem>> -> memref<1x32xf32, #tpu.memory_space<vmem>>
      %dma_start3A_492 = arith.constant 0 : i32
      %dma_start3A_493 = tpu.memref_slice %arg4[%squeeze3A_484, %dma_start3A_492] : memref<1000000x32xf32, #tpu.memory_space<hbm>> -> memref<1x32xf32, #tpu.memory_space<hbm>>
      %dma_start3A_494 = tpu.memref_slice %arg12[%dma_start3A_489] : memref<8x!tpu.dma_semaphore, #tpu.memory_space<semaphore_mem>> -> memref<1x!tpu.dma_semaphore, #tpu.memory_space<semaphore_mem>>
      %dma_start3A_495 = tpu.memref_squeeze %dma_start3A_494 : memref<1x!tpu.dma_semaphore, #tpu.memory_space<semaphore_mem>> -> memref<!tpu.dma_semaphore, #tpu.memory_space<semaphore_mem>>
      %dma_start3A_496 = arith.constant 0 : i32
      %dma_start3A_497 = tpu.memref_slice %arg10[%add3A_488, %dma_start3A_496] : memref<256x32xf32, #tpu.memory_space<vmem>> -> memref<1x32xf32, #tpu.memory_space<vmem>>
      %dma_start3A_498 = arith.constant 0 : i32
      %dma_start3A_499 = tpu.memref_slice %arg4[%squeeze3A_484, %dma_start3A_498] : memref<1000000x32xf32, #tpu.memory_space<hbm>> -> memref<1x32xf32, #tpu.memory_space<hbm>>
      tpu.enqueue_dma source(%dma_start3A_499 : memref<1x32xf32, #tpu.memory_space<hbm>>) target(%dma_start3A_497 : memref<1x32xf32, #tpu.memory_space<vmem>>) target_semaphore(%dma_start3A_495 : memref<!tpu.dma_semaphore, #tpu.memory_space<semaphore_mem>>)
      %slice3A_500 = vector.extract_strided_slice %get3A_43 {offsets = [13], sizes = [1], strides = [1]} : vector<16xi32> to vector<1xi32>
      %squeeze3A_501 = vector.extract %slice3A_500[0] : i32 from vector<1xi32>
      %mul3A_502 = arith.constant 16 : i32
      %mul3A_503 = arith.muli %scan3A_30, %mul3A_502 : i32
      %add3A_504 = arith.constant 13 : i32
      %add3A_505 = arith.addi %mul3A_503, %add3A_504 : i32
      %dma_start3A_506 = arith.constant 5 : i32
      %dma_start3A_507 = arith.constant 0 : i32
      %dma_start3A_508 = tpu.memref_slice %arg11[%add3A_505, %dma_start3A_507] : memref<256x14xf32, #tpu.memory_space<vmem>> -> memref<1x14xf32, #tpu.memory_space<vmem>>
      %dma_start3A_509 = arith.constant 0 : i32
      %dma_start3A_510 = tpu.memref_slice %arg5[%squeeze3A_501, %dma_start3A_509] : memref<1000000x14xf32, #tpu.memory_space<hbm>> -> memref<1x14xf32, #tpu.memory_space<hbm>>
      %dma_start3A_511 = tpu.memref_slice %arg13[%dma_start3A_506] : memref<8x!tpu.dma_semaphore, #tpu.memory_space<semaphore_mem>> -> memref<1x!tpu.dma_semaphore, #tpu.memory_space<semaphore_mem>>
      %dma_start3A_512 = tpu.memref_squeeze %dma_start3A_511 : memref<1x!tpu.dma_semaphore, #tpu.memory_space<semaphore_mem>> -> memref<!tpu.dma_semaphore, #tpu.memory_space<semaphore_mem>>
      %dma_start3A_513 = arith.constant 0 : i32
      %dma_start3A_514 = tpu.memref_slice %arg11[%add3A_505, %dma_start3A_513] : memref<256x14xf32, #tpu.memory_space<vmem>> -> memref<1x14xf32, #tpu.memory_space<vmem>>
      %dma_start3A_515 = arith.constant 0 : i32
      %dma_start3A_516 = tpu.memref_slice %arg5[%squeeze3A_501, %dma_start3A_515] : memref<1000000x14xf32, #tpu.memory_space<hbm>> -> memref<1x14xf32, #tpu.memory_space<hbm>>
      tpu.enqueue_dma source(%dma_start3A_516 : memref<1x14xf32, #tpu.memory_space<hbm>>) target(%dma_start3A_514 : memref<1x14xf32, #tpu.memory_space<vmem>>) target_semaphore(%dma_start3A_512 : memref<!tpu.dma_semaphore, #tpu.memory_space<semaphore_mem>>)
      %slice3A_517 = vector.extract_strided_slice %get3A_36 {offsets = [14], sizes = [1], strides = [1]} : vector<16xi32> to vector<1xi32>
      %squeeze3A_518 = vector.extract %slice3A_517[0] : i32 from vector<1xi32>
      %mul3A_519 = arith.constant 16 : i32
      %mul3A_520 = arith.muli %scan3A_30, %mul3A_519 : i32
      %add3A_521 = arith.constant 14 : i32
      %add3A_522 = arith.addi %mul3A_520, %add3A_521 : i32
      %dma_start3A_523 = arith.constant 6 : i32
      %dma_start3A_524 = arith.constant 0 : i32
      %dma_start3A_525 = tpu.memref_slice %arg10[%add3A_522, %dma_start3A_524] : memref<256x32xf32, #tpu.memory_space<vmem>> -> memref<1x32xf32, #tpu.memory_space<vmem>>
      %dma_start3A_526 = arith.constant 0 : i32
      %dma_start3A_527 = tpu.memref_slice %arg4[%squeeze3A_518, %dma_start3A_526] : memref<1000000x32xf32, #tpu.memory_space<hbm>> -> memref<1x32xf32, #tpu.memory_space<hbm>>
      %dma_start3A_528 = tpu.memref_slice %arg12[%dma_start3A_523] : memref<8x!tpu.dma_semaphore, #tpu.memory_space<semaphore_mem>> -> memref<1x!tpu.dma_semaphore, #tpu.memory_space<semaphore_mem>>
      %dma_start3A_529 = tpu.memref_squeeze %dma_start3A_528 : memref<1x!tpu.dma_semaphore, #tpu.memory_space<semaphore_mem>> -> memref<!tpu.dma_semaphore, #tpu.memory_space<semaphore_mem>>
      %dma_start3A_530 = arith.constant 0 : i32
      %dma_start3A_531 = tpu.memref_slice %arg10[%add3A_522, %dma_start3A_530] : memref<256x32xf32, #tpu.memory_space<vmem>> -> memref<1x32xf32, #tpu.memory_space<vmem>>
      %dma_start3A_532 = arith.constant 0 : i32
      %dma_start3A_533 = tpu.memref_slice %arg4[%squeeze3A_518, %dma_start3A_532] : memref<1000000x32xf32, #tpu.memory_space<hbm>> -> memref<1x32xf32, #tpu.memory_space<hbm>>
      tpu.enqueue_dma source(%dma_start3A_533 : memref<1x32xf32, #tpu.memory_space<hbm>>) target(%dma_start3A_531 : memref<1x32xf32, #tpu.memory_space<vmem>>) target_semaphore(%dma_start3A_529 : memref<!tpu.dma_semaphore, #tpu.memory_space<semaphore_mem>>)
      %slice3A_534 = vector.extract_strided_slice %get3A_43 {offsets = [14], sizes = [1], strides = [1]} : vector<16xi32> to vector<1xi32>
      %squeeze3A_535 = vector.extract %slice3A_534[0] : i32 from vector<1xi32>
      %mul3A_536 = arith.constant 16 : i32
      %mul3A_537 = arith.muli %scan3A_30, %mul3A_536 : i32
      %add3A_538 = arith.constant 14 : i32
      %add3A_539 = arith.addi %mul3A_537, %add3A_538 : i32
      %dma_start3A_540 = arith.constant 6 : i32
      %dma_start3A_541 = arith.constant 0 : i32
      %dma_start3A_542 = tpu.memref_slice %arg11[%add3A_539, %dma_start3A_541] : memref<256x14xf32, #tpu.memory_space<vmem>> -> memref<1x14xf32, #tpu.memory_space<vmem>>
      %dma_start3A_543 = arith.constant 0 : i32
      %dma_start3A_544 = tpu.memref_slice %arg5[%squeeze3A_535, %dma_start3A_543] : memref<1000000x14xf32, #tpu.memory_space<hbm>> -> memref<1x14xf32, #tpu.memory_space<hbm>>
      %dma_start3A_545 = tpu.memref_slice %arg13[%dma_start3A_540] : memref<8x!tpu.dma_semaphore, #tpu.memory_space<semaphore_mem>> -> memref<1x!tpu.dma_semaphore, #tpu.memory_space<semaphore_mem>>
      %dma_start3A_546 = tpu.memref_squeeze %dma_start3A_545 : memref<1x!tpu.dma_semaphore, #tpu.memory_space<semaphore_mem>> -> memref<!tpu.dma_semaphore, #tpu.memory_space<semaphore_mem>>
      %dma_start3A_547 = arith.constant 0 : i32
      %dma_start3A_548 = tpu.memref_slice %arg11[%add3A_539, %dma_start3A_547] : memref<256x14xf32, #tpu.memory_space<vmem>> -> memref<1x14xf32, #tpu.memory_space<vmem>>
      %dma_start3A_549 = arith.constant 0 : i32
      %dma_start3A_550 = tpu.memref_slice %arg5[%squeeze3A_535, %dma_start3A_549] : memref<1000000x14xf32, #tpu.memory_space<hbm>> -> memref<1x14xf32, #tpu.memory_space<hbm>>
      tpu.enqueue_dma source(%dma_start3A_550 : memref<1x14xf32, #tpu.memory_space<hbm>>) target(%dma_start3A_548 : memref<1x14xf32, #tpu.memory_space<vmem>>) target_semaphore(%dma_start3A_546 : memref<!tpu.dma_semaphore, #tpu.memory_space<semaphore_mem>>)
      %slice3A_551 = vector.extract_strided_slice %get3A_36 {offsets = [15], sizes = [1], strides = [1]} : vector<16xi32> to vector<1xi32>
      %squeeze3A_552 = vector.extract %slice3A_551[0] : i32 from vector<1xi32>
      %mul3A_553 = arith.constant 16 : i32
      %mul3A_554 = arith.muli %scan3A_30, %mul3A_553 : i32
      %add3A_555 = arith.constant 15 : i32
      %add3A_556 = arith.addi %mul3A_554, %add3A_555 : i32
      %dma_start3A_557 = arith.constant 7 : i32
      %dma_start3A_558 = arith.constant 0 : i32
      %dma_start3A_559 = tpu.memref_slice %arg10[%add3A_556, %dma_start3A_558] : memref<256x32xf32, #tpu.memory_space<vmem>> -> memref<1x32xf32, #tpu.memory_space<vmem>>
      %dma_start3A_560 = arith.constant 0 : i32
      %dma_start3A_561 = tpu.memref_slice %arg4[%squeeze3A_552, %dma_start3A_560] : memref<1000000x32xf32, #tpu.memory_space<hbm>> -> memref<1x32xf32, #tpu.memory_space<hbm>>
      %dma_start3A_562 = tpu.memref_slice %arg12[%dma_start3A_557] : memref<8x!tpu.dma_semaphore, #tpu.memory_space<semaphore_mem>> -> memref<1x!tpu.dma_semaphore, #tpu.memory_space<semaphore_mem>>
      %dma_start3A_563 = tpu.memref_squeeze %dma_start3A_562 : memref<1x!tpu.dma_semaphore, #tpu.memory_space<semaphore_mem>> -> memref<!tpu.dma_semaphore, #tpu.memory_space<semaphore_mem>>
      %dma_start3A_564 = arith.constant 0 : i32
      %dma_start3A_565 = tpu.memref_slice %arg10[%add3A_556, %dma_start3A_564] : memref<256x32xf32, #tpu.memory_space<vmem>> -> memref<1x32xf32, #tpu.memory_space<vmem>>
      %dma_start3A_566 = arith.constant 0 : i32
      %dma_start3A_567 = tpu.memref_slice %arg4[%squeeze3A_552, %dma_start3A_566] : memref<1000000x32xf32, #tpu.memory_space<hbm>> -> memref<1x32xf32, #tpu.memory_space<hbm>>
      tpu.enqueue_dma source(%dma_start3A_567 : memref<1x32xf32, #tpu.memory_space<hbm>>) target(%dma_start3A_565 : memref<1x32xf32, #tpu.memory_space<vmem>>) target_semaphore(%dma_start3A_563 : memref<!tpu.dma_semaphore, #tpu.memory_space<semaphore_mem>>)
      %slice3A_568 = vector.extract_strided_slice %get3A_43 {offsets = [15], sizes = [1], strides = [1]} : vector<16xi32> to vector<1xi32>
      %squeeze3A_569 = vector.extract %slice3A_568[0] : i32 from vector<1xi32>
      %mul3A_570 = arith.constant 16 : i32
      %mul3A_571 = arith.muli %scan3A_30, %mul3A_570 : i32
      %add3A_572 = arith.constant 15 : i32
      %add3A_573 = arith.addi %mul3A_571, %add3A_572 : i32
      %dma_start3A_574 = arith.constant 7 : i32
      %dma_start3A_575 = arith.constant 0 : i32
      %dma_start3A_576 = tpu.memref_slice %arg11[%add3A_573, %dma_start3A_575] : memref<256x14xf32, #tpu.memory_space<vmem>> -> memref<1x14xf32, #tpu.memory_space<vmem>>
      %dma_start3A_577 = arith.constant 0 : i32
      %dma_start3A_578 = tpu.memref_slice %arg5[%squeeze3A_569, %dma_start3A_577] : memref<1000000x14xf32, #tpu.memory_space<hbm>> -> memref<1x14xf32, #tpu.memory_space<hbm>>
      %dma_start3A_579 = tpu.memref_slice %arg13[%dma_start3A_574] : memref<8x!tpu.dma_semaphore, #tpu.memory_space<semaphore_mem>> -> memref<1x!tpu.dma_semaphore, #tpu.memory_space<semaphore_mem>>
      %dma_start3A_580 = tpu.memref_squeeze %dma_start3A_579 : memref<1x!tpu.dma_semaphore, #tpu.memory_space<semaphore_mem>> -> memref<!tpu.dma_semaphore, #tpu.memory_space<semaphore_mem>>
      %dma_start3A_581 = arith.constant 0 : i32
      %dma_start3A_582 = tpu.memref_slice %arg11[%add3A_573, %dma_start3A_581] : memref<256x14xf32, #tpu.memory_space<vmem>> -> memref<1x14xf32, #tpu.memory_space<vmem>>
      %dma_start3A_583 = arith.constant 0 : i32
      %dma_start3A_584 = tpu.memref_slice %arg5[%squeeze3A_569, %dma_start3A_583] : memref<1000000x14xf32, #tpu.memory_space<hbm>> -> memref<1x14xf32, #tpu.memory_space<hbm>>
      tpu.enqueue_dma source(%dma_start3A_584 : memref<1x14xf32, #tpu.memory_space<hbm>>) target(%dma_start3A_582 : memref<1x14xf32, #tpu.memory_space<vmem>>) target_semaphore(%dma_start3A_580 : memref<!tpu.dma_semaphore, #tpu.memory_space<semaphore_mem>>)
    }
    %scan3A_6 = arith.constant 16 : i32
    %scan3A_7 = arith.constant 0 : i32
    %scan3A_8 = arith.constant 32 : i32
    %scan3A_9 = arith.addi %scan3A_7, %scan3A_8 : i32
    %scan3A_10 = arith.constant 1 : i32
    scf.for %scan3A_30 = %scan3A_7 to %scan3A_9 step %scan3A_10  : i32 {
      %dma_wait3A = arith.constant 0 : i32
      %dma_wait3A_31 = arith.constant 0 : i32
      %dma_wait3A_32 = arith.constant 0 : i32
      %dma_wait3A_33 = tpu.memref_slice %arg10[%dma_wait3A_31, %dma_wait3A_32] : memref<256x32xf32, #tpu.memory_space<vmem>> -> memref<1x32xf32, #tpu.memory_space<vmem>>
      %dma_wait3A_34 = arith.constant 0 : i32
      %dma_wait3A_35 = arith.constant 0 : i32
      %dma_wait3A_36 = tpu.memref_slice %arg4[%dma_wait3A_34, %dma_wait3A_35] : memref<1000000x32xf32, #tpu.memory_space<hbm>> -> memref<1x32xf32, #tpu.memory_space<hbm>>
      %dma_wait3A_37 = tpu.memref_slice %arg12[%dma_wait3A] : memref<8x!tpu.dma_semaphore, #tpu.memory_space<semaphore_mem>> -> memref<1x!tpu.dma_semaphore, #tpu.memory_space<semaphore_mem>>
      %dma_wait3A_38 = tpu.memref_squeeze %dma_wait3A_37 : memref<1x!tpu.dma_semaphore, #tpu.memory_space<semaphore_mem>> -> memref<!tpu.dma_semaphore, #tpu.memory_space<semaphore_mem>>
      %dma_wait3A_39 = arith.constant 0 : i32
      %dma_wait3A_40 = arith.constant 0 : i32
      %dma_wait3A_41 = tpu.memref_slice %arg10[%dma_wait3A_39, %dma_wait3A_40] : memref<256x32xf32, #tpu.memory_space<vmem>> -> memref<1x32xf32, #tpu.memory_space<vmem>>
      %dma_wait3A_42 = arith.constant 0 : i32
      %dma_wait3A_43 = arith.constant 0 : i32
      %dma_wait3A_44 = tpu.memref_slice %arg4[%dma_wait3A_42, %dma_wait3A_43] : memref<1000000x32xf32, #tpu.memory_space<hbm>> -> memref<1x32xf32, #tpu.memory_space<hbm>>
      tpu.wait_dma2 semaphore(%dma_wait3A_38 : memref<!tpu.dma_semaphore, #tpu.memory_space<semaphore_mem>>) src(%dma_wait3A_44 : memref<1x32xf32, #tpu.memory_space<hbm>>) dst(%dma_wait3A_41 : memref<1x32xf32, #tpu.memory_space<vmem>>)
      %dma_wait3A_45 = arith.constant 0 : i32
      %dma_wait3A_46 = arith.constant 0 : i32
      %dma_wait3A_47 = arith.constant 0 : i32
      %dma_wait3A_48 = tpu.memref_slice %arg11[%dma_wait3A_46, %dma_wait3A_47] : memref<256x14xf32, #tpu.memory_space<vmem>> -> memref<1x14xf32, #tpu.memory_space<vmem>>
      %dma_wait3A_49 = arith.constant 0 : i32
      %dma_wait3A_50 = arith.constant 0 : i32
      %dma_wait3A_51 = tpu.memref_slice %arg5[%dma_wait3A_49, %dma_wait3A_50] : memref<1000000x14xf32, #tpu.memory_space<hbm>> -> memref<1x14xf32, #tpu.memory_space<hbm>>
      %dma_wait3A_52 = tpu.memref_slice %arg13[%dma_wait3A_45] : memref<8x!tpu.dma_semaphore, #tpu.memory_space<semaphore_mem>> -> memref<1x!tpu.dma_semaphore, #tpu.memory_space<semaphore_mem>>
      %dma_wait3A_53 = tpu.memref_squeeze %dma_wait3A_52 : memref<1x!tpu.dma_semaphore, #tpu.memory_space<semaphore_mem>> -> memref<!tpu.dma_semaphore, #tpu.memory_space<semaphore_mem>>
      %dma_wait3A_54 = arith.constant 0 : i32
      %dma_wait3A_55 = arith.constant 0 : i32
      %dma_wait3A_56 = tpu.memref_slice %arg11[%dma_wait3A_54, %dma_wait3A_55] : memref<256x14xf32, #tpu.memory_space<vmem>> -> memref<1x14xf32, #tpu.memory_space<vmem>>
      %dma_wait3A_57 = arith.constant 0 : i32
      %dma_wait3A_58 = arith.constant 0 : i32
      %dma_wait3A_59 = tpu.memref_slice %arg5[%dma_wait3A_57, %dma_wait3A_58] : memref<1000000x14xf32, #tpu.memory_space<hbm>> -> memref<1x14xf32, #tpu.memory_space<hbm>>
      tpu.wait_dma2 semaphore(%dma_wait3A_53 : memref<!tpu.dma_semaphore, #tpu.memory_space<semaphore_mem>>) src(%dma_wait3A_59 : memref<1x14xf32, #tpu.memory_space<hbm>>) dst(%dma_wait3A_56 : memref<1x14xf32, #tpu.memory_space<vmem>>)
      %dma_wait3A_60 = arith.constant 1 : i32
      %dma_wait3A_61 = arith.constant 0 : i32
      %dma_wait3A_62 = arith.constant 0 : i32
      %dma_wait3A_63 = tpu.memref_slice %arg10[%dma_wait3A_61, %dma_wait3A_62] : memref<256x32xf32, #tpu.memory_space<vmem>> -> memref<1x32xf32, #tpu.memory_space<vmem>>
      %dma_wait3A_64 = arith.constant 0 : i32
      %dma_wait3A_65 = arith.constant 0 : i32
      %dma_wait3A_66 = tpu.memref_slice %arg4[%dma_wait3A_64, %dma_wait3A_65] : memref<1000000x32xf32, #tpu.memory_space<hbm>> -> memref<1x32xf32, #tpu.memory_space<hbm>>
      %dma_wait3A_67 = tpu.memref_slice %arg12[%dma_wait3A_60] : memref<8x!tpu.dma_semaphore, #tpu.memory_space<semaphore_mem>> -> memref<1x!tpu.dma_semaphore, #tpu.memory_space<semaphore_mem>>
      %dma_wait3A_68 = tpu.memref_squeeze %dma_wait3A_67 : memref<1x!tpu.dma_semaphore, #tpu.memory_space<semaphore_mem>> -> memref<!tpu.dma_semaphore, #tpu.memory_space<semaphore_mem>>
      %dma_wait3A_69 = arith.constant 0 : i32
      %dma_wait3A_70 = arith.constant 0 : i32
      %dma_wait3A_71 = tpu.memref_slice %arg10[%dma_wait3A_69, %dma_wait3A_70] : memref<256x32xf32, #tpu.memory_space<vmem>> -> memref<1x32xf32, #tpu.memory_space<vmem>>
      %dma_wait3A_72 = arith.constant 0 : i32
      %dma_wait3A_73 = arith.constant 0 : i32
      %dma_wait3A_74 = tpu.memref_slice %arg4[%dma_wait3A_72, %dma_wait3A_73] : memref<1000000x32xf32, #tpu.memory_space<hbm>> -> memref<1x32xf32, #tpu.memory_space<hbm>>
      tpu.wait_dma2 semaphore(%dma_wait3A_68 : memref<!tpu.dma_semaphore, #tpu.memory_space<semaphore_mem>>) src(%dma_wait3A_74 : memref<1x32xf32, #tpu.memory_space<hbm>>) dst(%dma_wait3A_71 : memref<1x32xf32, #tpu.memory_space<vmem>>)
      %dma_wait3A_75 = arith.constant 1 : i32
      %dma_wait3A_76 = arith.constant 0 : i32
      %dma_wait3A_77 = arith.constant 0 : i32
      %dma_wait3A_78 = tpu.memref_slice %arg11[%dma_wait3A_76, %dma_wait3A_77] : memref<256x14xf32, #tpu.memory_space<vmem>> -> memref<1x14xf32, #tpu.memory_space<vmem>>
      %dma_wait3A_79 = arith.constant 0 : i32
      %dma_wait3A_80 = arith.constant 0 : i32
      %dma_wait3A_81 = tpu.memref_slice %arg5[%dma_wait3A_79, %dma_wait3A_80] : memref<1000000x14xf32, #tpu.memory_space<hbm>> -> memref<1x14xf32, #tpu.memory_space<hbm>>
      %dma_wait3A_82 = tpu.memref_slice %arg13[%dma_wait3A_75] : memref<8x!tpu.dma_semaphore, #tpu.memory_space<semaphore_mem>> -> memref<1x!tpu.dma_semaphore, #tpu.memory_space<semaphore_mem>>
      %dma_wait3A_83 = tpu.memref_squeeze %dma_wait3A_82 : memref<1x!tpu.dma_semaphore, #tpu.memory_space<semaphore_mem>> -> memref<!tpu.dma_semaphore, #tpu.memory_space<semaphore_mem>>
      %dma_wait3A_84 = arith.constant 0 : i32
      %dma_wait3A_85 = arith.constant 0 : i32
      %dma_wait3A_86 = tpu.memref_slice %arg11[%dma_wait3A_84, %dma_wait3A_85] : memref<256x14xf32, #tpu.memory_space<vmem>> -> memref<1x14xf32, #tpu.memory_space<vmem>>
      %dma_wait3A_87 = arith.constant 0 : i32
      %dma_wait3A_88 = arith.constant 0 : i32
      %dma_wait3A_89 = tpu.memref_slice %arg5[%dma_wait3A_87, %dma_wait3A_88] : memref<1000000x14xf32, #tpu.memory_space<hbm>> -> memref<1x14xf32, #tpu.memory_space<hbm>>
      tpu.wait_dma2 semaphore(%dma_wait3A_83 : memref<!tpu.dma_semaphore, #tpu.memory_space<semaphore_mem>>) src(%dma_wait3A_89 : memref<1x14xf32, #tpu.memory_space<hbm>>) dst(%dma_wait3A_86 : memref<1x14xf32, #tpu.memory_space<vmem>>)
      %dma_wait3A_90 = arith.constant 2 : i32
      %dma_wait3A_91 = arith.constant 0 : i32
      %dma_wait3A_92 = arith.constant 0 : i32
      %dma_wait3A_93 = tpu.memref_slice %arg10[%dma_wait3A_91, %dma_wait3A_92] : memref<256x32xf32, #tpu.memory_space<vmem>> -> memref<1x32xf32, #tpu.memory_space<vmem>>
      %dma_wait3A_94 = arith.constant 0 : i32
      %dma_wait3A_95 = arith.constant 0 : i32
      %dma_wait3A_96 = tpu.memref_slice %arg4[%dma_wait3A_94, %dma_wait3A_95] : memref<1000000x32xf32, #tpu.memory_space<hbm>> -> memref<1x32xf32, #tpu.memory_space<hbm>>
      %dma_wait3A_97 = tpu.memref_slice %arg12[%dma_wait3A_90] : memref<8x!tpu.dma_semaphore, #tpu.memory_space<semaphore_mem>> -> memref<1x!tpu.dma_semaphore, #tpu.memory_space<semaphore_mem>>
      %dma_wait3A_98 = tpu.memref_squeeze %dma_wait3A_97 : memref<1x!tpu.dma_semaphore, #tpu.memory_space<semaphore_mem>> -> memref<!tpu.dma_semaphore, #tpu.memory_space<semaphore_mem>>
      %dma_wait3A_99 = arith.constant 0 : i32
      %dma_wait3A_100 = arith.constant 0 : i32
      %dma_wait3A_101 = tpu.memref_slice %arg10[%dma_wait3A_99, %dma_wait3A_100] : memref<256x32xf32, #tpu.memory_space<vmem>> -> memref<1x32xf32, #tpu.memory_space<vmem>>
      %dma_wait3A_102 = arith.constant 0 : i32
      %dma_wait3A_103 = arith.constant 0 : i32
      %dma_wait3A_104 = tpu.memref_slice %arg4[%dma_wait3A_102, %dma_wait3A_103] : memref<1000000x32xf32, #tpu.memory_space<hbm>> -> memref<1x32xf32, #tpu.memory_space<hbm>>
      tpu.wait_dma2 semaphore(%dma_wait3A_98 : memref<!tpu.dma_semaphore, #tpu.memory_space<semaphore_mem>>) src(%dma_wait3A_104 : memref<1x32xf32, #tpu.memory_space<hbm>>) dst(%dma_wait3A_101 : memref<1x32xf32, #tpu.memory_space<vmem>>)
      %dma_wait3A_105 = arith.constant 2 : i32
      %dma_wait3A_106 = arith.constant 0 : i32
      %dma_wait3A_107 = arith.constant 0 : i32
      %dma_wait3A_108 = tpu.memref_slice %arg11[%dma_wait3A_106, %dma_wait3A_107] : memref<256x14xf32, #tpu.memory_space<vmem>> -> memref<1x14xf32, #tpu.memory_space<vmem>>
      %dma_wait3A_109 = arith.constant 0 : i32
      %dma_wait3A_110 = arith.constant 0 : i32
      %dma_wait3A_111 = tpu.memref_slice %arg5[%dma_wait3A_109, %dma_wait3A_110] : memref<1000000x14xf32, #tpu.memory_space<hbm>> -> memref<1x14xf32, #tpu.memory_space<hbm>>
      %dma_wait3A_112 = tpu.memref_slice %arg13[%dma_wait3A_105] : memref<8x!tpu.dma_semaphore, #tpu.memory_space<semaphore_mem>> -> memref<1x!tpu.dma_semaphore, #tpu.memory_space<semaphore_mem>>
      %dma_wait3A_113 = tpu.memref_squeeze %dma_wait3A_112 : memref<1x!tpu.dma_semaphore, #tpu.memory_space<semaphore_mem>> -> memref<!tpu.dma_semaphore, #tpu.memory_space<semaphore_mem>>
      %dma_wait3A_114 = arith.constant 0 : i32
      %dma_wait3A_115 = arith.constant 0 : i32
      %dma_wait3A_116 = tpu.memref_slice %arg11[%dma_wait3A_114, %dma_wait3A_115] : memref<256x14xf32, #tpu.memory_space<vmem>> -> memref<1x14xf32, #tpu.memory_space<vmem>>
      %dma_wait3A_117 = arith.constant 0 : i32
      %dma_wait3A_118 = arith.constant 0 : i32
      %dma_wait3A_119 = tpu.memref_slice %arg5[%dma_wait3A_117, %dma_wait3A_118] : memref<1000000x14xf32, #tpu.memory_space<hbm>> -> memref<1x14xf32, #tpu.memory_space<hbm>>
      tpu.wait_dma2 semaphore(%dma_wait3A_113 : memref<!tpu.dma_semaphore, #tpu.memory_space<semaphore_mem>>) src(%dma_wait3A_119 : memref<1x14xf32, #tpu.memory_space<hbm>>) dst(%dma_wait3A_116 : memref<1x14xf32, #tpu.memory_space<vmem>>)
      %dma_wait3A_120 = arith.constant 3 : i32
      %dma_wait3A_121 = arith.constant 0 : i32
      %dma_wait3A_122 = arith.constant 0 : i32
      %dma_wait3A_123 = tpu.memref_slice %arg10[%dma_wait3A_121, %dma_wait3A_122] : memref<256x32xf32, #tpu.memory_space<vmem>> -> memref<1x32xf32, #tpu.memory_space<vmem>>
      %dma_wait3A_124 = arith.constant 0 : i32
      %dma_wait3A_125 = arith.constant 0 : i32
      %dma_wait3A_126 = tpu.memref_slice %arg4[%dma_wait3A_124, %dma_wait3A_125] : memref<1000000x32xf32, #tpu.memory_space<hbm>> -> memref<1x32xf32, #tpu.memory_space<hbm>>
      %dma_wait3A_127 = tpu.memref_slice %arg12[%dma_wait3A_120] : memref<8x!tpu.dma_semaphore, #tpu.memory_space<semaphore_mem>> -> memref<1x!tpu.dma_semaphore, #tpu.memory_space<semaphore_mem>>
      %dma_wait3A_128 = tpu.memref_squeeze %dma_wait3A_127 : memref<1x!tpu.dma_semaphore, #tpu.memory_space<semaphore_mem>> -> memref<!tpu.dma_semaphore, #tpu.memory_space<semaphore_mem>>
      %dma_wait3A_129 = arith.constant 0 : i32
      %dma_wait3A_130 = arith.constant 0 : i32
      %dma_wait3A_131 = tpu.memref_slice %arg10[%dma_wait3A_129, %dma_wait3A_130] : memref<256x32xf32, #tpu.memory_space<vmem>> -> memref<1x32xf32, #tpu.memory_space<vmem>>
      %dma_wait3A_132 = arith.constant 0 : i32
      %dma_wait3A_133 = arith.constant 0 : i32
      %dma_wait3A_134 = tpu.memref_slice %arg4[%dma_wait3A_132, %dma_wait3A_133] : memref<1000000x32xf32, #tpu.memory_space<hbm>> -> memref<1x32xf32, #tpu.memory_space<hbm>>
      tpu.wait_dma2 semaphore(%dma_wait3A_128 : memref<!tpu.dma_semaphore, #tpu.memory_space<semaphore_mem>>) src(%dma_wait3A_134 : memref<1x32xf32, #tpu.memory_space<hbm>>) dst(%dma_wait3A_131 : memref<1x32xf32, #tpu.memory_space<vmem>>)
      %dma_wait3A_135 = arith.constant 3 : i32
      %dma_wait3A_136 = arith.constant 0 : i32
      %dma_wait3A_137 = arith.constant 0 : i32
      %dma_wait3A_138 = tpu.memref_slice %arg11[%dma_wait3A_136, %dma_wait3A_137] : memref<256x14xf32, #tpu.memory_space<vmem>> -> memref<1x14xf32, #tpu.memory_space<vmem>>
      %dma_wait3A_139 = arith.constant 0 : i32
      %dma_wait3A_140 = arith.constant 0 : i32
      %dma_wait3A_141 = tpu.memref_slice %arg5[%dma_wait3A_139, %dma_wait3A_140] : memref<1000000x14xf32, #tpu.memory_space<hbm>> -> memref<1x14xf32, #tpu.memory_space<hbm>>
      %dma_wait3A_142 = tpu.memref_slice %arg13[%dma_wait3A_135] : memref<8x!tpu.dma_semaphore, #tpu.memory_space<semaphore_mem>> -> memref<1x!tpu.dma_semaphore, #tpu.memory_space<semaphore_mem>>
      %dma_wait3A_143 = tpu.memref_squeeze %dma_wait3A_142 : memref<1x!tpu.dma_semaphore, #tpu.memory_space<semaphore_mem>> -> memref<!tpu.dma_semaphore, #tpu.memory_space<semaphore_mem>>
      %dma_wait3A_144 = arith.constant 0 : i32
      %dma_wait3A_145 = arith.constant 0 : i32
      %dma_wait3A_146 = tpu.memref_slice %arg11[%dma_wait3A_144, %dma_wait3A_145] : memref<256x14xf32, #tpu.memory_space<vmem>> -> memref<1x14xf32, #tpu.memory_space<vmem>>
      %dma_wait3A_147 = arith.constant 0 : i32
      %dma_wait3A_148 = arith.constant 0 : i32
      %dma_wait3A_149 = tpu.memref_slice %arg5[%dma_wait3A_147, %dma_wait3A_148] : memref<1000000x14xf32, #tpu.memory_space<hbm>> -> memref<1x14xf32, #tpu.memory_space<hbm>>
      tpu.wait_dma2 semaphore(%dma_wait3A_143 : memref<!tpu.dma_semaphore, #tpu.memory_space<semaphore_mem>>) src(%dma_wait3A_149 : memref<1x14xf32, #tpu.memory_space<hbm>>) dst(%dma_wait3A_146 : memref<1x14xf32, #tpu.memory_space<vmem>>)
      %dma_wait3A_150 = arith.constant 4 : i32
      %dma_wait3A_151 = arith.constant 0 : i32
      %dma_wait3A_152 = arith.constant 0 : i32
      %dma_wait3A_153 = tpu.memref_slice %arg10[%dma_wait3A_151, %dma_wait3A_152] : memref<256x32xf32, #tpu.memory_space<vmem>> -> memref<1x32xf32, #tpu.memory_space<vmem>>
      %dma_wait3A_154 = arith.constant 0 : i32
      %dma_wait3A_155 = arith.constant 0 : i32
      %dma_wait3A_156 = tpu.memref_slice %arg4[%dma_wait3A_154, %dma_wait3A_155] : memref<1000000x32xf32, #tpu.memory_space<hbm>> -> memref<1x32xf32, #tpu.memory_space<hbm>>
      %dma_wait3A_157 = tpu.memref_slice %arg12[%dma_wait3A_150] : memref<8x!tpu.dma_semaphore, #tpu.memory_space<semaphore_mem>> -> memref<1x!tpu.dma_semaphore, #tpu.memory_space<semaphore_mem>>
      %dma_wait3A_158 = tpu.memref_squeeze %dma_wait3A_157 : memref<1x!tpu.dma_semaphore, #tpu.memory_space<semaphore_mem>> -> memref<!tpu.dma_semaphore, #tpu.memory_space<semaphore_mem>>
      %dma_wait3A_159 = arith.constant 0 : i32
      %dma_wait3A_160 = arith.constant 0 : i32
      %dma_wait3A_161 = tpu.memref_slice %arg10[%dma_wait3A_159, %dma_wait3A_160] : memref<256x32xf32, #tpu.memory_space<vmem>> -> memref<1x32xf32, #tpu.memory_space<vmem>>
      %dma_wait3A_162 = arith.constant 0 : i32
      %dma_wait3A_163 = arith.constant 0 : i32
      %dma_wait3A_164 = tpu.memref_slice %arg4[%dma_wait3A_162, %dma_wait3A_163] : memref<1000000x32xf32, #tpu.memory_space<hbm>> -> memref<1x32xf32, #tpu.memory_space<hbm>>
      tpu.wait_dma2 semaphore(%dma_wait3A_158 : memref<!tpu.dma_semaphore, #tpu.memory_space<semaphore_mem>>) src(%dma_wait3A_164 : memref<1x32xf32, #tpu.memory_space<hbm>>) dst(%dma_wait3A_161 : memref<1x32xf32, #tpu.memory_space<vmem>>)
      %dma_wait3A_165 = arith.constant 4 : i32
      %dma_wait3A_166 = arith.constant 0 : i32
      %dma_wait3A_167 = arith.constant 0 : i32
      %dma_wait3A_168 = tpu.memref_slice %arg11[%dma_wait3A_166, %dma_wait3A_167] : memref<256x14xf32, #tpu.memory_space<vmem>> -> memref<1x14xf32, #tpu.memory_space<vmem>>
      %dma_wait3A_169 = arith.constant 0 : i32
      %dma_wait3A_170 = arith.constant 0 : i32
      %dma_wait3A_171 = tpu.memref_slice %arg5[%dma_wait3A_169, %dma_wait3A_170] : memref<1000000x14xf32, #tpu.memory_space<hbm>> -> memref<1x14xf32, #tpu.memory_space<hbm>>
      %dma_wait3A_172 = tpu.memref_slice %arg13[%dma_wait3A_165] : memref<8x!tpu.dma_semaphore, #tpu.memory_space<semaphore_mem>> -> memref<1x!tpu.dma_semaphore, #tpu.memory_space<semaphore_mem>>
      %dma_wait3A_173 = tpu.memref_squeeze %dma_wait3A_172 : memref<1x!tpu.dma_semaphore, #tpu.memory_space<semaphore_mem>> -> memref<!tpu.dma_semaphore, #tpu.memory_space<semaphore_mem>>
      %dma_wait3A_174 = arith.constant 0 : i32
      %dma_wait3A_175 = arith.constant 0 : i32
      %dma_wait3A_176 = tpu.memref_slice %arg11[%dma_wait3A_174, %dma_wait3A_175] : memref<256x14xf32, #tpu.memory_space<vmem>> -> memref<1x14xf32, #tpu.memory_space<vmem>>
      %dma_wait3A_177 = arith.constant 0 : i32
      %dma_wait3A_178 = arith.constant 0 : i32
      %dma_wait3A_179 = tpu.memref_slice %arg5[%dma_wait3A_177, %dma_wait3A_178] : memref<1000000x14xf32, #tpu.memory_space<hbm>> -> memref<1x14xf32, #tpu.memory_space<hbm>>
      tpu.wait_dma2 semaphore(%dma_wait3A_173 : memref<!tpu.dma_semaphore, #tpu.memory_space<semaphore_mem>>) src(%dma_wait3A_179 : memref<1x14xf32, #tpu.memory_space<hbm>>) dst(%dma_wait3A_176 : memref<1x14xf32, #tpu.memory_space<vmem>>)
      %dma_wait3A_180 = arith.constant 5 : i32
      %dma_wait3A_181 = arith.constant 0 : i32
      %dma_wait3A_182 = arith.constant 0 : i32
      %dma_wait3A_183 = tpu.memref_slice %arg10[%dma_wait3A_181, %dma_wait3A_182] : memref<256x32xf32, #tpu.memory_space<vmem>> -> memref<1x32xf32, #tpu.memory_space<vmem>>
      %dma_wait3A_184 = arith.constant 0 : i32
      %dma_wait3A_185 = arith.constant 0 : i32
      %dma_wait3A_186 = tpu.memref_slice %arg4[%dma_wait3A_184, %dma_wait3A_185] : memref<1000000x32xf32, #tpu.memory_space<hbm>> -> memref<1x32xf32, #tpu.memory_space<hbm>>
      %dma_wait3A_187 = tpu.memref_slice %arg12[%dma_wait3A_180] : memref<8x!tpu.dma_semaphore, #tpu.memory_space<semaphore_mem>> -> memref<1x!tpu.dma_semaphore, #tpu.memory_space<semaphore_mem>>
      %dma_wait3A_188 = tpu.memref_squeeze %dma_wait3A_187 : memref<1x!tpu.dma_semaphore, #tpu.memory_space<semaphore_mem>> -> memref<!tpu.dma_semaphore, #tpu.memory_space<semaphore_mem>>
      %dma_wait3A_189 = arith.constant 0 : i32
      %dma_wait3A_190 = arith.constant 0 : i32
      %dma_wait3A_191 = tpu.memref_slice %arg10[%dma_wait3A_189, %dma_wait3A_190] : memref<256x32xf32, #tpu.memory_space<vmem>> -> memref<1x32xf32, #tpu.memory_space<vmem>>
      %dma_wait3A_192 = arith.constant 0 : i32
      %dma_wait3A_193 = arith.constant 0 : i32
      %dma_wait3A_194 = tpu.memref_slice %arg4[%dma_wait3A_192, %dma_wait3A_193] : memref<1000000x32xf32, #tpu.memory_space<hbm>> -> memref<1x32xf32, #tpu.memory_space<hbm>>
      tpu.wait_dma2 semaphore(%dma_wait3A_188 : memref<!tpu.dma_semaphore, #tpu.memory_space<semaphore_mem>>) src(%dma_wait3A_194 : memref<1x32xf32, #tpu.memory_space<hbm>>) dst(%dma_wait3A_191 : memref<1x32xf32, #tpu.memory_space<vmem>>)
      %dma_wait3A_195 = arith.constant 5 : i32
      %dma_wait3A_196 = arith.constant 0 : i32
      %dma_wait3A_197 = arith.constant 0 : i32
      %dma_wait3A_198 = tpu.memref_slice %arg11[%dma_wait3A_196, %dma_wait3A_197] : memref<256x14xf32, #tpu.memory_space<vmem>> -> memref<1x14xf32, #tpu.memory_space<vmem>>
      %dma_wait3A_199 = arith.constant 0 : i32
      %dma_wait3A_200 = arith.constant 0 : i32
      %dma_wait3A_201 = tpu.memref_slice %arg5[%dma_wait3A_199, %dma_wait3A_200] : memref<1000000x14xf32, #tpu.memory_space<hbm>> -> memref<1x14xf32, #tpu.memory_space<hbm>>
      %dma_wait3A_202 = tpu.memref_slice %arg13[%dma_wait3A_195] : memref<8x!tpu.dma_semaphore, #tpu.memory_space<semaphore_mem>> -> memref<1x!tpu.dma_semaphore, #tpu.memory_space<semaphore_mem>>
      %dma_wait3A_203 = tpu.memref_squeeze %dma_wait3A_202 : memref<1x!tpu.dma_semaphore, #tpu.memory_space<semaphore_mem>> -> memref<!tpu.dma_semaphore, #tpu.memory_space<semaphore_mem>>
      %dma_wait3A_204 = arith.constant 0 : i32
      %dma_wait3A_205 = arith.constant 0 : i32
      %dma_wait3A_206 = tpu.memref_slice %arg11[%dma_wait3A_204, %dma_wait3A_205] : memref<256x14xf32, #tpu.memory_space<vmem>> -> memref<1x14xf32, #tpu.memory_space<vmem>>
      %dma_wait3A_207 = arith.constant 0 : i32
      %dma_wait3A_208 = arith.constant 0 : i32
      %dma_wait3A_209 = tpu.memref_slice %arg5[%dma_wait3A_207, %dma_wait3A_208] : memref<1000000x14xf32, #tpu.memory_space<hbm>> -> memref<1x14xf32, #tpu.memory_space<hbm>>
      tpu.wait_dma2 semaphore(%dma_wait3A_203 : memref<!tpu.dma_semaphore, #tpu.memory_space<semaphore_mem>>) src(%dma_wait3A_209 : memref<1x14xf32, #tpu.memory_space<hbm>>) dst(%dma_wait3A_206 : memref<1x14xf32, #tpu.memory_space<vmem>>)
      %dma_wait3A_210 = arith.constant 6 : i32
      %dma_wait3A_211 = arith.constant 0 : i32
      %dma_wait3A_212 = arith.constant 0 : i32
      %dma_wait3A_213 = tpu.memref_slice %arg10[%dma_wait3A_211, %dma_wait3A_212] : memref<256x32xf32, #tpu.memory_space<vmem>> -> memref<1x32xf32, #tpu.memory_space<vmem>>
      %dma_wait3A_214 = arith.constant 0 : i32
      %dma_wait3A_215 = arith.constant 0 : i32
      %dma_wait3A_216 = tpu.memref_slice %arg4[%dma_wait3A_214, %dma_wait3A_215] : memref<1000000x32xf32, #tpu.memory_space<hbm>> -> memref<1x32xf32, #tpu.memory_space<hbm>>
      %dma_wait3A_217 = tpu.memref_slice %arg12[%dma_wait3A_210] : memref<8x!tpu.dma_semaphore, #tpu.memory_space<semaphore_mem>> -> memref<1x!tpu.dma_semaphore, #tpu.memory_space<semaphore_mem>>
      %dma_wait3A_218 = tpu.memref_squeeze %dma_wait3A_217 : memref<1x!tpu.dma_semaphore, #tpu.memory_space<semaphore_mem>> -> memref<!tpu.dma_semaphore, #tpu.memory_space<semaphore_mem>>
      %dma_wait3A_219 = arith.constant 0 : i32
      %dma_wait3A_220 = arith.constant 0 : i32
      %dma_wait3A_221 = tpu.memref_slice %arg10[%dma_wait3A_219, %dma_wait3A_220] : memref<256x32xf32, #tpu.memory_space<vmem>> -> memref<1x32xf32, #tpu.memory_space<vmem>>
      %dma_wait3A_222 = arith.constant 0 : i32
      %dma_wait3A_223 = arith.constant 0 : i32
      %dma_wait3A_224 = tpu.memref_slice %arg4[%dma_wait3A_222, %dma_wait3A_223] : memref<1000000x32xf32, #tpu.memory_space<hbm>> -> memref<1x32xf32, #tpu.memory_space<hbm>>
      tpu.wait_dma2 semaphore(%dma_wait3A_218 : memref<!tpu.dma_semaphore, #tpu.memory_space<semaphore_mem>>) src(%dma_wait3A_224 : memref<1x32xf32, #tpu.memory_space<hbm>>) dst(%dma_wait3A_221 : memref<1x32xf32, #tpu.memory_space<vmem>>)
      %dma_wait3A_225 = arith.constant 6 : i32
      %dma_wait3A_226 = arith.constant 0 : i32
      %dma_wait3A_227 = arith.constant 0 : i32
      %dma_wait3A_228 = tpu.memref_slice %arg11[%dma_wait3A_226, %dma_wait3A_227] : memref<256x14xf32, #tpu.memory_space<vmem>> -> memref<1x14xf32, #tpu.memory_space<vmem>>
      %dma_wait3A_229 = arith.constant 0 : i32
      %dma_wait3A_230 = arith.constant 0 : i32
      %dma_wait3A_231 = tpu.memref_slice %arg5[%dma_wait3A_229, %dma_wait3A_230] : memref<1000000x14xf32, #tpu.memory_space<hbm>> -> memref<1x14xf32, #tpu.memory_space<hbm>>
      %dma_wait3A_232 = tpu.memref_slice %arg13[%dma_wait3A_225] : memref<8x!tpu.dma_semaphore, #tpu.memory_space<semaphore_mem>> -> memref<1x!tpu.dma_semaphore, #tpu.memory_space<semaphore_mem>>
      %dma_wait3A_233 = tpu.memref_squeeze %dma_wait3A_232 : memref<1x!tpu.dma_semaphore, #tpu.memory_space<semaphore_mem>> -> memref<!tpu.dma_semaphore, #tpu.memory_space<semaphore_mem>>
      %dma_wait3A_234 = arith.constant 0 : i32
      %dma_wait3A_235 = arith.constant 0 : i32
      %dma_wait3A_236 = tpu.memref_slice %arg11[%dma_wait3A_234, %dma_wait3A_235] : memref<256x14xf32, #tpu.memory_space<vmem>> -> memref<1x14xf32, #tpu.memory_space<vmem>>
      %dma_wait3A_237 = arith.constant 0 : i32
      %dma_wait3A_238 = arith.constant 0 : i32
      %dma_wait3A_239 = tpu.memref_slice %arg5[%dma_wait3A_237, %dma_wait3A_238] : memref<1000000x14xf32, #tpu.memory_space<hbm>> -> memref<1x14xf32, #tpu.memory_space<hbm>>
      tpu.wait_dma2 semaphore(%dma_wait3A_233 : memref<!tpu.dma_semaphore, #tpu.memory_space<semaphore_mem>>) src(%dma_wait3A_239 : memref<1x14xf32, #tpu.memory_space<hbm>>) dst(%dma_wait3A_236 : memref<1x14xf32, #tpu.memory_space<vmem>>)
      %dma_wait3A_240 = arith.constant 7 : i32
      %dma_wait3A_241 = arith.constant 0 : i32
      %dma_wait3A_242 = arith.constant 0 : i32
      %dma_wait3A_243 = tpu.memref_slice %arg10[%dma_wait3A_241, %dma_wait3A_242] : memref<256x32xf32, #tpu.memory_space<vmem>> -> memref<1x32xf32, #tpu.memory_space<vmem>>
      %dma_wait3A_244 = arith.constant 0 : i32
      %dma_wait3A_245 = arith.constant 0 : i32
      %dma_wait3A_246 = tpu.memref_slice %arg4[%dma_wait3A_244, %dma_wait3A_245] : memref<1000000x32xf32, #tpu.memory_space<hbm>> -> memref<1x32xf32, #tpu.memory_space<hbm>>
      %dma_wait3A_247 = tpu.memref_slice %arg12[%dma_wait3A_240] : memref<8x!tpu.dma_semaphore, #tpu.memory_space<semaphore_mem>> -> memref<1x!tpu.dma_semaphore, #tpu.memory_space<semaphore_mem>>
      %dma_wait3A_248 = tpu.memref_squeeze %dma_wait3A_247 : memref<1x!tpu.dma_semaphore, #tpu.memory_space<semaphore_mem>> -> memref<!tpu.dma_semaphore, #tpu.memory_space<semaphore_mem>>
      %dma_wait3A_249 = arith.constant 0 : i32
      %dma_wait3A_250 = arith.constant 0 : i32
      %dma_wait3A_251 = tpu.memref_slice %arg10[%dma_wait3A_249, %dma_wait3A_250] : memref<256x32xf32, #tpu.memory_space<vmem>> -> memref<1x32xf32, #tpu.memory_space<vmem>>
      %dma_wait3A_252 = arith.constant 0 : i32
      %dma_wait3A_253 = arith.constant 0 : i32
      %dma_wait3A_254 = tpu.memref_slice %arg4[%dma_wait3A_252, %dma_wait3A_253] : memref<1000000x32xf32, #tpu.memory_space<hbm>> -> memref<1x32xf32, #tpu.memory_space<hbm>>
      tpu.wait_dma2 semaphore(%dma_wait3A_248 : memref<!tpu.dma_semaphore, #tpu.memory_space<semaphore_mem>>) src(%dma_wait3A_254 : memref<1x32xf32, #tpu.memory_space<hbm>>) dst(%dma_wait3A_251 : memref<1x32xf32, #tpu.memory_space<vmem>>)
      %dma_wait3A_255 = arith.constant 7 : i32
      %dma_wait3A_256 = arith.constant 0 : i32
      %dma_wait3A_257 = arith.constant 0 : i32
      %dma_wait3A_258 = tpu.memref_slice %arg11[%dma_wait3A_256, %dma_wait3A_257] : memref<256x14xf32, #tpu.memory_space<vmem>> -> memref<1x14xf32, #tpu.memory_space<vmem>>
      %dma_wait3A_259 = arith.constant 0 : i32
      %dma_wait3A_260 = arith.constant 0 : i32
      %dma_wait3A_261 = tpu.memref_slice %arg5[%dma_wait3A_259, %dma_wait3A_260] : memref<1000000x14xf32, #tpu.memory_space<hbm>> -> memref<1x14xf32, #tpu.memory_space<hbm>>
      %dma_wait3A_262 = tpu.memref_slice %arg13[%dma_wait3A_255] : memref<8x!tpu.dma_semaphore, #tpu.memory_space<semaphore_mem>> -> memref<1x!tpu.dma_semaphore, #tpu.memory_space<semaphore_mem>>
      %dma_wait3A_263 = tpu.memref_squeeze %dma_wait3A_262 : memref<1x!tpu.dma_semaphore, #tpu.memory_space<semaphore_mem>> -> memref<!tpu.dma_semaphore, #tpu.memory_space<semaphore_mem>>
      %dma_wait3A_264 = arith.constant 0 : i32
      %dma_wait3A_265 = arith.constant 0 : i32
      %dma_wait3A_266 = tpu.memref_slice %arg11[%dma_wait3A_264, %dma_wait3A_265] : memref<256x14xf32, #tpu.memory_space<vmem>> -> memref<1x14xf32, #tpu.memory_space<vmem>>
      %dma_wait3A_267 = arith.constant 0 : i32
      %dma_wait3A_268 = arith.constant 0 : i32
      %dma_wait3A_269 = tpu.memref_slice %arg5[%dma_wait3A_267, %dma_wait3A_268] : memref<1000000x14xf32, #tpu.memory_space<hbm>> -> memref<1x14xf32, #tpu.memory_space<hbm>>
      tpu.wait_dma2 semaphore(%dma_wait3A_263 : memref<!tpu.dma_semaphore, #tpu.memory_space<semaphore_mem>>) src(%dma_wait3A_269 : memref<1x14xf32, #tpu.memory_space<hbm>>) dst(%dma_wait3A_266 : memref<1x14xf32, #tpu.memory_space<vmem>>)
    }
    %scan3A_11 = arith.constant 32 : i32
    %add3A_12 = arith.constant 0 : i32
    %add3A_13 = arith.addi %mul3A_2, %add3A_12 : i32
    "tpu.region"() ({
      %run_scoped3A = tpu.sem_alloc : memref<!tpu.dma_semaphore, #tpu.memory_space<semaphore_mem>>
      %dma_start3A = arith.constant 0 : i32
      %dma_start3A_30 = tpu.memref_slice %arg6[%add3A_13, %dma_start3A] : memref<16384x32xf32, #tpu.memory_space<hbm>> -> memref<256x32xf32, #tpu.memory_space<hbm>>
      %dma_start3A_31 = arith.constant 0 : i32
      %dma_start3A_32 = tpu.memref_slice %arg6[%add3A_13, %dma_start3A_31] : memref<16384x32xf32, #tpu.memory_space<hbm>> -> memref<256x32xf32, #tpu.memory_space<hbm>>
      tpu.enqueue_dma source(%arg10 : memref<256x32xf32, #tpu.memory_space<vmem>>) target(%dma_start3A_32 : memref<256x32xf32, #tpu.memory_space<hbm>>) target_semaphore(%run_scoped3A : memref<!tpu.dma_semaphore, #tpu.memory_space<semaphore_mem>>)
      %dma_wait3A = arith.constant 0 : i32
      %dma_wait3A_33 = tpu.memref_slice %arg6[%add3A_13, %dma_wait3A] : memref<16384x32xf32, #tpu.memory_space<hbm>> -> memref<256x32xf32, #tpu.memory_space<hbm>>
      %dma_wait3A_34 = arith.constant 0 : i32
      %dma_wait3A_35 = tpu.memref_slice %arg6[%add3A_13, %dma_wait3A_34] : memref<16384x32xf32, #tpu.memory_space<hbm>> -> memref<256x32xf32, #tpu.memory_space<hbm>>
      tpu.wait_dma2 semaphore(%run_scoped3A : memref<!tpu.dma_semaphore, #tpu.memory_space<semaphore_mem>>) src(%arg10 : memref<256x32xf32, #tpu.memory_space<vmem>>) dst(%dma_wait3A_35 : memref<256x32xf32, #tpu.memory_space<hbm>>)
      tpu.yield
    }) : () -> ()
    %add3A_14 = arith.constant 0 : i32
    %add3A_15 = arith.addi %mul3A_2, %add3A_14 : i32
    "tpu.region"() ({
      %run_scoped3A = tpu.sem_alloc : memref<!tpu.dma_semaphore, #tpu.memory_space<semaphore_mem>>
      %dma_start3A = arith.constant 0 : i32
      %dma_start3A_30 = tpu.memref_slice %arg7[%add3A_15, %dma_start3A] : memref<16384x14xf32, #tpu.memory_space<hbm>> -> memref<256x14xf32, #tpu.memory_space<hbm>>
      %dma_start3A_31 = arith.constant 0 : i32
      %dma_start3A_32 = tpu.memref_slice %arg7[%add3A_15, %dma_start3A_31] : memref<16384x14xf32, #tpu.memory_space<hbm>> -> memref<256x14xf32, #tpu.memory_space<hbm>>
      tpu.enqueue_dma source(%arg11 : memref<256x14xf32, #tpu.memory_space<vmem>>) target(%dma_start3A_32 : memref<256x14xf32, #tpu.memory_space<hbm>>) target_semaphore(%run_scoped3A : memref<!tpu.dma_semaphore, #tpu.memory_space<semaphore_mem>>)
      %dma_wait3A = arith.constant 0 : i32
      %dma_wait3A_33 = tpu.memref_slice %arg7[%add3A_15, %dma_wait3A] : memref<16384x14xf32, #tpu.memory_space<hbm>> -> memref<256x14xf32, #tpu.memory_space<hbm>>
      %dma_wait3A_34 = arith.constant 0 : i32
      %dma_wait3A_35 = tpu.memref_slice %arg7[%add3A_15, %dma_wait3A_34] : memref<16384x14xf32, #tpu.memory_space<hbm>> -> memref<256x14xf32, #tpu.memory_space<hbm>>
      tpu.wait_dma2 semaphore(%run_scoped3A : memref<!tpu.dma_semaphore, #tpu.memory_space<semaphore_mem>>) src(%arg11 : memref<256x14xf32, #tpu.memory_space<vmem>>) dst(%dma_wait3A_35 : memref<256x14xf32, #tpu.memory_space<hbm>>)
      tpu.yield
    }) : () -> ()
    %scan3A_16 = arith.constant 0 : i32
    %scan3A_17 = arith.constant 16 : i32
    %scan3A_18 = arith.addi %scan3A_16, %scan3A_17 : i32
    %scan3A_19 = arith.constant 1 : i32
    scf.for %scan3A_30 = %scan3A_16 to %scan3A_18 step %scan3A_19  : i32 {
      %mul3A_31 = arith.constant 16 : i32
      %mul3A_32 = arith.muli %scan3A_30, %mul3A_31 : i32
      %add3A_33 = arith.constant 256 : i32
      %add3A_34 = arith.addi %add3A_33, %mul3A_32 : i32
      %get3A = arith.index_cast %add3A_34 : i32 to index
      %get3A_35 = tpu.vector_load %arg8[%get3A] {strides = array<i32>} : memref<512xi32, #tpu.memory_space<vmem>>, vector<16xi32>,
      %get3A_36 = vector.shape_cast %get3A_35 : vector<16xi32> to vector<16xi32>
      %mul3A_37 = arith.constant 16 : i32
      %mul3A_38 = arith.muli %scan3A_30, %mul3A_37 : i32
      %add3A_39 = arith.constant 256 : i32
      %add3A_40 = arith.addi %add3A_39, %mul3A_38 : i32
      %get3A_41 = arith.index_cast %add3A_40 : i32 to index
      %get3A_42 = tpu.vector_load %arg9[%get3A_41] {strides = array<i32>} : memref<512xi32, #tpu.memory_space<vmem>>, vector<16xi32>,
      %get3A_43 = vector.shape_cast %get3A_42 : vector<16xi32> to vector<16xi32>
      %slice3A = vector.extract_strided_slice %get3A_36 {offsets = [0], sizes = [1], strides = [1]} : vector<16xi32> to vector<1xi32>
      %squeeze3A = vector.extract %slice3A[0] : i32 from vector<1xi32>
      %mul3A_44 = arith.constant 16 : i32
      %mul3A_45 = arith.muli %scan3A_30, %mul3A_44 : i32
      %add3A_46 = arith.constant 0 : i32
      %add3A_47 = arith.addi %mul3A_45, %add3A_46 : i32
      %dma_start3A = arith.constant 0 : i32
      %dma_start3A_48 = arith.constant 0 : i32
      %dma_start3A_49 = tpu.memref_slice %arg10[%add3A_47, %dma_start3A_48] : memref<256x32xf32, #tpu.memory_space<vmem>> -> memref<1x32xf32, #tpu.memory_space<vmem>>
      %dma_start3A_50 = arith.constant 0 : i32
      %dma_start3A_51 = tpu.memref_slice %arg4[%squeeze3A, %dma_start3A_50] : memref<1000000x32xf32, #tpu.memory_space<hbm>> -> memref<1x32xf32, #tpu.memory_space<hbm>>
      %dma_start3A_52 = tpu.memref_slice %arg12[%dma_start3A] : memref<8x!tpu.dma_semaphore, #tpu.memory_space<semaphore_mem>> -> memref<1x!tpu.dma_semaphore, #tpu.memory_space<semaphore_mem>>
      %dma_start3A_53 = tpu.memref_squeeze %dma_start3A_52 : memref<1x!tpu.dma_semaphore, #tpu.memory_space<semaphore_mem>> -> memref<!tpu.dma_semaphore, #tpu.memory_space<semaphore_mem>>
      %dma_start3A_54 = arith.constant 0 : i32
      %dma_start3A_55 = tpu.memref_slice %arg10[%add3A_47, %dma_start3A_54] : memref<256x32xf32, #tpu.memory_space<vmem>> -> memref<1x32xf32, #tpu.memory_space<vmem>>
      %dma_start3A_56 = arith.constant 0 : i32
      %dma_start3A_57 = tpu.memref_slice %arg4[%squeeze3A, %dma_start3A_56] : memref<1000000x32xf32, #tpu.memory_space<hbm>> -> memref<1x32xf32, #tpu.memory_space<hbm>>
      tpu.enqueue_dma source(%dma_start3A_57 : memref<1x32xf32, #tpu.memory_space<hbm>>) target(%dma_start3A_55 : memref<1x32xf32, #tpu.memory_space<vmem>>) target_semaphore(%dma_start3A_53 : memref<!tpu.dma_semaphore, #tpu.memory_space<semaphore_mem>>)
      %slice3A_58 = vector.extract_strided_slice %get3A_43 {offsets = [0], sizes = [1], strides = [1]} : vector<16xi32> to vector<1xi32>
      %squeeze3A_59 = vector.extract %slice3A_58[0] : i32 from vector<1xi32>
      %mul3A_60 = arith.constant 16 : i32
      %mul3A_61 = arith.muli %scan3A_30, %mul3A_60 : i32
      %add3A_62 = arith.constant 0 : i32
      %add3A_63 = arith.addi %mul3A_61, %add3A_62 : i32
      %dma_start3A_64 = arith.constant 0 : i32
      %dma_start3A_65 = arith.constant 0 : i32
      %dma_start3A_66 = tpu.memref_slice %arg11[%add3A_63, %dma_start3A_65] : memref<256x14xf32, #tpu.memory_space<vmem>> -> memref<1x14xf32, #tpu.memory_space<vmem>>
      %dma_start3A_67 = arith.constant 0 : i32
      %dma_start3A_68 = tpu.memref_slice %arg5[%squeeze3A_59, %dma_start3A_67] : memref<1000000x14xf32, #tpu.memory_space<hbm>> -> memref<1x14xf32, #tpu.memory_space<hbm>>
      %dma_start3A_69 = tpu.memref_slice %arg13[%dma_start3A_64] : memref<8x!tpu.dma_semaphore, #tpu.memory_space<semaphore_mem>> -> memref<1x!tpu.dma_semaphore, #tpu.memory_space<semaphore_mem>>
      %dma_start3A_70 = tpu.memref_squeeze %dma_start3A_69 : memref<1x!tpu.dma_semaphore, #tpu.memory_space<semaphore_mem>> -> memref<!tpu.dma_semaphore, #tpu.memory_space<semaphore_mem>>
      %dma_start3A_71 = arith.constant 0 : i32
      %dma_start3A_72 = tpu.memref_slice %arg11[%add3A_63, %dma_start3A_71] : memref<256x14xf32, #tpu.memory_space<vmem>> -> memref<1x14xf32, #tpu.memory_space<vmem>>
      %dma_start3A_73 = arith.constant 0 : i32
      %dma_start3A_74 = tpu.memref_slice %arg5[%squeeze3A_59, %dma_start3A_73] : memref<1000000x14xf32, #tpu.memory_space<hbm>> -> memref<1x14xf32, #tpu.memory_space<hbm>>
      tpu.enqueue_dma source(%dma_start3A_74 : memref<1x14xf32, #tpu.memory_space<hbm>>) target(%dma_start3A_72 : memref<1x14xf32, #tpu.memory_space<vmem>>) target_semaphore(%dma_start3A_70 : memref<!tpu.dma_semaphore, #tpu.memory_space<semaphore_mem>>)
      %slice3A_75 = vector.extract_strided_slice %get3A_36 {offsets = [1], sizes = [1], strides = [1]} : vector<16xi32> to vector<1xi32>
      %squeeze3A_76 = vector.extract %slice3A_75[0] : i32 from vector<1xi32>
      %mul3A_77 = arith.constant 16 : i32
      %mul3A_78 = arith.muli %scan3A_30, %mul3A_77 : i32
      %add3A_79 = arith.constant 1 : i32
      %add3A_80 = arith.addi %mul3A_78, %add3A_79 : i32
      %dma_start3A_81 = arith.constant 1 : i32
      %dma_start3A_82 = arith.constant 0 : i32
      %dma_start3A_83 = tpu.memref_slice %arg10[%add3A_80, %dma_start3A_82] : memref<256x32xf32, #tpu.memory_space<vmem>> -> memref<1x32xf32, #tpu.memory_space<vmem>>
      %dma_start3A_84 = arith.constant 0 : i32
      %dma_start3A_85 = tpu.memref_slice %arg4[%squeeze3A_76, %dma_start3A_84] : memref<1000000x32xf32, #tpu.memory_space<hbm>> -> memref<1x32xf32, #tpu.memory_space<hbm>>
      %dma_start3A_86 = tpu.memref_slice %arg12[%dma_start3A_81] : memref<8x!tpu.dma_semaphore, #tpu.memory_space<semaphore_mem>> -> memref<1x!tpu.dma_semaphore, #tpu.memory_space<semaphore_mem>>
      %dma_start3A_87 = tpu.memref_squeeze %dma_start3A_86 : memref<1x!tpu.dma_semaphore, #tpu.memory_space<semaphore_mem>> -> memref<!tpu.dma_semaphore, #tpu.memory_space<semaphore_mem>>
      %dma_start3A_88 = arith.constant 0 : i32
      %dma_start3A_89 = tpu.memref_slice %arg10[%add3A_80, %dma_start3A_88] : memref<256x32xf32, #tpu.memory_space<vmem>> -> memref<1x32xf32, #tpu.memory_space<vmem>>
      %dma_start3A_90 = arith.constant 0 : i32
      %dma_start3A_91 = tpu.memref_slice %arg4[%squeeze3A_76, %dma_start3A_90] : memref<1000000x32xf32, #tpu.memory_space<hbm>> -> memref<1x32xf32, #tpu.memory_space<hbm>>
      tpu.enqueue_dma source(%dma_start3A_91 : memref<1x32xf32, #tpu.memory_space<hbm>>) target(%dma_start3A_89 : memref<1x32xf32, #tpu.memory_space<vmem>>) target_semaphore(%dma_start3A_87 : memref<!tpu.dma_semaphore, #tpu.memory_space<semaphore_mem>>)
      %slice3A_92 = vector.extract_strided_slice %get3A_43 {offsets = [1], sizes = [1], strides = [1]} : vector<16xi32> to vector<1xi32>
      %squeeze3A_93 = vector.extract %slice3A_92[0] : i32 from vector<1xi32>
      %mul3A_94 = arith.constant 16 : i32
      %mul3A_95 = arith.muli %scan3A_30, %mul3A_94 : i32
      %add3A_96 = arith.constant 1 : i32
      %add3A_97 = arith.addi %mul3A_95, %add3A_96 : i32
      %dma_start3A_98 = arith.constant 1 : i32
      %dma_start3A_99 = arith.constant 0 : i32
      %dma_start3A_100 = tpu.memref_slice %arg11[%add3A_97, %dma_start3A_99] : memref<256x14xf32, #tpu.memory_space<vmem>> -> memref<1x14xf32, #tpu.memory_space<vmem>>
      %dma_start3A_101 = arith.constant 0 : i32
      %dma_start3A_102 = tpu.memref_slice %arg5[%squeeze3A_93, %dma_start3A_101] : memref<1000000x14xf32, #tpu.memory_space<hbm>> -> memref<1x14xf32, #tpu.memory_space<hbm>>
      %dma_start3A_103 = tpu.memref_slice %arg13[%dma_start3A_98] : memref<8x!tpu.dma_semaphore, #tpu.memory_space<semaphore_mem>> -> memref<1x!tpu.dma_semaphore, #tpu.memory_space<semaphore_mem>>
      %dma_start3A_104 = tpu.memref_squeeze %dma_start3A_103 : memref<1x!tpu.dma_semaphore, #tpu.memory_space<semaphore_mem>> -> memref<!tpu.dma_semaphore, #tpu.memory_space<semaphore_mem>>
      %dma_start3A_105 = arith.constant 0 : i32
      %dma_start3A_106 = tpu.memref_slice %arg11[%add3A_97, %dma_start3A_105] : memref<256x14xf32, #tpu.memory_space<vmem>> -> memref<1x14xf32, #tpu.memory_space<vmem>>
      %dma_start3A_107 = arith.constant 0 : i32
      %dma_start3A_108 = tpu.memref_slice %arg5[%squeeze3A_93, %dma_start3A_107] : memref<1000000x14xf32, #tpu.memory_space<hbm>> -> memref<1x14xf32, #tpu.memory_space<hbm>>
      tpu.enqueue_dma source(%dma_start3A_108 : memref<1x14xf32, #tpu.memory_space<hbm>>) target(%dma_start3A_106 : memref<1x14xf32, #tpu.memory_space<vmem>>) target_semaphore(%dma_start3A_104 : memref<!tpu.dma_semaphore, #tpu.memory_space<semaphore_mem>>)
      %slice3A_109 = vector.extract_strided_slice %get3A_36 {offsets = [2], sizes = [1], strides = [1]} : vector<16xi32> to vector<1xi32>
      %squeeze3A_110 = vector.extract %slice3A_109[0] : i32 from vector<1xi32>
      %mul3A_111 = arith.constant 16 : i32
      %mul3A_112 = arith.muli %scan3A_30, %mul3A_111 : i32
      %add3A_113 = arith.constant 2 : i32
      %add3A_114 = arith.addi %mul3A_112, %add3A_113 : i32
      %dma_start3A_115 = arith.constant 2 : i32
      %dma_start3A_116 = arith.constant 0 : i32
      %dma_start3A_117 = tpu.memref_slice %arg10[%add3A_114, %dma_start3A_116] : memref<256x32xf32, #tpu.memory_space<vmem>> -> memref<1x32xf32, #tpu.memory_space<vmem>>
      %dma_start3A_118 = arith.constant 0 : i32
      %dma_start3A_119 = tpu.memref_slice %arg4[%squeeze3A_110, %dma_start3A_118] : memref<1000000x32xf32, #tpu.memory_space<hbm>> -> memref<1x32xf32, #tpu.memory_space<hbm>>
      %dma_start3A_120 = tpu.memref_slice %arg12[%dma_start3A_115] : memref<8x!tpu.dma_semaphore, #tpu.memory_space<semaphore_mem>> -> memref<1x!tpu.dma_semaphore, #tpu.memory_space<semaphore_mem>>
      %dma_start3A_121 = tpu.memref_squeeze %dma_start3A_120 : memref<1x!tpu.dma_semaphore, #tpu.memory_space<semaphore_mem>> -> memref<!tpu.dma_semaphore, #tpu.memory_space<semaphore_mem>>
      %dma_start3A_122 = arith.constant 0 : i32
      %dma_start3A_123 = tpu.memref_slice %arg10[%add3A_114, %dma_start3A_122] : memref<256x32xf32, #tpu.memory_space<vmem>> -> memref<1x32xf32, #tpu.memory_space<vmem>>
      %dma_start3A_124 = arith.constant 0 : i32
      %dma_start3A_125 = tpu.memref_slice %arg4[%squeeze3A_110, %dma_start3A_124] : memref<1000000x32xf32, #tpu.memory_space<hbm>> -> memref<1x32xf32, #tpu.memory_space<hbm>>
      tpu.enqueue_dma source(%dma_start3A_125 : memref<1x32xf32, #tpu.memory_space<hbm>>) target(%dma_start3A_123 : memref<1x32xf32, #tpu.memory_space<vmem>>) target_semaphore(%dma_start3A_121 : memref<!tpu.dma_semaphore, #tpu.memory_space<semaphore_mem>>)
      %slice3A_126 = vector.extract_strided_slice %get3A_43 {offsets = [2], sizes = [1], strides = [1]} : vector<16xi32> to vector<1xi32>
      %squeeze3A_127 = vector.extract %slice3A_126[0] : i32 from vector<1xi32>
      %mul3A_128 = arith.constant 16 : i32
      %mul3A_129 = arith.muli %scan3A_30, %mul3A_128 : i32
      %add3A_130 = arith.constant 2 : i32
      %add3A_131 = arith.addi %mul3A_129, %add3A_130 : i32
      %dma_start3A_132 = arith.constant 2 : i32
      %dma_start3A_133 = arith.constant 0 : i32
      %dma_start3A_134 = tpu.memref_slice %arg11[%add3A_131, %dma_start3A_133] : memref<256x14xf32, #tpu.memory_space<vmem>> -> memref<1x14xf32, #tpu.memory_space<vmem>>
      %dma_start3A_135 = arith.constant 0 : i32
      %dma_start3A_136 = tpu.memref_slice %arg5[%squeeze3A_127, %dma_start3A_135] : memref<1000000x14xf32, #tpu.memory_space<hbm>> -> memref<1x14xf32, #tpu.memory_space<hbm>>
      %dma_start3A_137 = tpu.memref_slice %arg13[%dma_start3A_132] : memref<8x!tpu.dma_semaphore, #tpu.memory_space<semaphore_mem>> -> memref<1x!tpu.dma_semaphore, #tpu.memory_space<semaphore_mem>>
      %dma_start3A_138 = tpu.memref_squeeze %dma_start3A_137 : memref<1x!tpu.dma_semaphore, #tpu.memory_space<semaphore_mem>> -> memref<!tpu.dma_semaphore, #tpu.memory_space<semaphore_mem>>
      %dma_start3A_139 = arith.constant 0 : i32
      %dma_start3A_140 = tpu.memref_slice %arg11[%add3A_131, %dma_start3A_139] : memref<256x14xf32, #tpu.memory_space<vmem>> -> memref<1x14xf32, #tpu.memory_space<vmem>>
      %dma_start3A_141 = arith.constant 0 : i32
      %dma_start3A_142 = tpu.memref_slice %arg5[%squeeze3A_127, %dma_start3A_141] : memref<1000000x14xf32, #tpu.memory_space<hbm>> -> memref<1x14xf32, #tpu.memory_space<hbm>>
      tpu.enqueue_dma source(%dma_start3A_142 : memref<1x14xf32, #tpu.memory_space<hbm>>) target(%dma_start3A_140 : memref<1x14xf32, #tpu.memory_space<vmem>>) target_semaphore(%dma_start3A_138 : memref<!tpu.dma_semaphore, #tpu.memory_space<semaphore_mem>>)
      %slice3A_143 = vector.extract_strided_slice %get3A_36 {offsets = [3], sizes = [1], strides = [1]} : vector<16xi32> to vector<1xi32>
      %squeeze3A_144 = vector.extract %slice3A_143[0] : i32 from vector<1xi32>
      %mul3A_145 = arith.constant 16 : i32
      %mul3A_146 = arith.muli %scan3A_30, %mul3A_145 : i32
      %add3A_147 = arith.constant 3 : i32
      %add3A_148 = arith.addi %mul3A_146, %add3A_147 : i32
      %dma_start3A_149 = arith.constant 3 : i32
      %dma_start3A_150 = arith.constant 0 : i32
      %dma_start3A_151 = tpu.memref_slice %arg10[%add3A_148, %dma_start3A_150] : memref<256x32xf32, #tpu.memory_space<vmem>> -> memref<1x32xf32, #tpu.memory_space<vmem>>
      %dma_start3A_152 = arith.constant 0 : i32
      %dma_start3A_153 = tpu.memref_slice %arg4[%squeeze3A_144, %dma_start3A_152] : memref<1000000x32xf32, #tpu.memory_space<hbm>> -> memref<1x32xf32, #tpu.memory_space<hbm>>
      %dma_start3A_154 = tpu.memref_slice %arg12[%dma_start3A_149] : memref<8x!tpu.dma_semaphore, #tpu.memory_space<semaphore_mem>> -> memref<1x!tpu.dma_semaphore, #tpu.memory_space<semaphore_mem>>
      %dma_start3A_155 = tpu.memref_squeeze %dma_start3A_154 : memref<1x!tpu.dma_semaphore, #tpu.memory_space<semaphore_mem>> -> memref<!tpu.dma_semaphore, #tpu.memory_space<semaphore_mem>>
      %dma_start3A_156 = arith.constant 0 : i32
      %dma_start3A_157 = tpu.memref_slice %arg10[%add3A_148, %dma_start3A_156] : memref<256x32xf32, #tpu.memory_space<vmem>> -> memref<1x32xf32, #tpu.memory_space<vmem>>
      %dma_start3A_158 = arith.constant 0 : i32
      %dma_start3A_159 = tpu.memref_slice %arg4[%squeeze3A_144, %dma_start3A_158] : memref<1000000x32xf32, #tpu.memory_space<hbm>> -> memref<1x32xf32, #tpu.memory_space<hbm>>
      tpu.enqueue_dma source(%dma_start3A_159 : memref<1x32xf32, #tpu.memory_space<hbm>>) target(%dma_start3A_157 : memref<1x32xf32, #tpu.memory_space<vmem>>) target_semaphore(%dma_start3A_155 : memref<!tpu.dma_semaphore, #tpu.memory_space<semaphore_mem>>)
      %slice3A_160 = vector.extract_strided_slice %get3A_43 {offsets = [3], sizes = [1], strides = [1]} : vector<16xi32> to vector<1xi32>
      %squeeze3A_161 = vector.extract %slice3A_160[0] : i32 from vector<1xi32>
      %mul3A_162 = arith.constant 16 : i32
      %mul3A_163 = arith.muli %scan3A_30, %mul3A_162 : i32
      %add3A_164 = arith.constant 3 : i32
      %add3A_165 = arith.addi %mul3A_163, %add3A_164 : i32
      %dma_start3A_166 = arith.constant 3 : i32
      %dma_start3A_167 = arith.constant 0 : i32
      %dma_start3A_168 = tpu.memref_slice %arg11[%add3A_165, %dma_start3A_167] : memref<256x14xf32, #tpu.memory_space<vmem>> -> memref<1x14xf32, #tpu.memory_space<vmem>>
      %dma_start3A_169 = arith.constant 0 : i32
      %dma_start3A_170 = tpu.memref_slice %arg5[%squeeze3A_161, %dma_start3A_169] : memref<1000000x14xf32, #tpu.memory_space<hbm>> -> memref<1x14xf32, #tpu.memory_space<hbm>>
      %dma_start3A_171 = tpu.memref_slice %arg13[%dma_start3A_166] : memref<8x!tpu.dma_semaphore, #tpu.memory_space<semaphore_mem>> -> memref<1x!tpu.dma_semaphore, #tpu.memory_space<semaphore_mem>>
      %dma_start3A_172 = tpu.memref_squeeze %dma_start3A_171 : memref<1x!tpu.dma_semaphore, #tpu.memory_space<semaphore_mem>> -> memref<!tpu.dma_semaphore, #tpu.memory_space<semaphore_mem>>
      %dma_start3A_173 = arith.constant 0 : i32
      %dma_start3A_174 = tpu.memref_slice %arg11[%add3A_165, %dma_start3A_173] : memref<256x14xf32, #tpu.memory_space<vmem>> -> memref<1x14xf32, #tpu.memory_space<vmem>>
      %dma_start3A_175 = arith.constant 0 : i32
      %dma_start3A_176 = tpu.memref_slice %arg5[%squeeze3A_161, %dma_start3A_175] : memref<1000000x14xf32, #tpu.memory_space<hbm>> -> memref<1x14xf32, #tpu.memory_space<hbm>>
      tpu.enqueue_dma source(%dma_start3A_176 : memref<1x14xf32, #tpu.memory_space<hbm>>) target(%dma_start3A_174 : memref<1x14xf32, #tpu.memory_space<vmem>>) target_semaphore(%dma_start3A_172 : memref<!tpu.dma_semaphore, #tpu.memory_space<semaphore_mem>>)
      %slice3A_177 = vector.extract_strided_slice %get3A_36 {offsets = [4], sizes = [1], strides = [1]} : vector<16xi32> to vector<1xi32>
      %squeeze3A_178 = vector.extract %slice3A_177[0] : i32 from vector<1xi32>
      %mul3A_179 = arith.constant 16 : i32
      %mul3A_180 = arith.muli %scan3A_30, %mul3A_179 : i32
      %add3A_181 = arith.constant 4 : i32
      %add3A_182 = arith.addi %mul3A_180, %add3A_181 : i32
      %dma_start3A_183 = arith.constant 4 : i32
      %dma_start3A_184 = arith.constant 0 : i32
      %dma_start3A_185 = tpu.memref_slice %arg10[%add3A_182, %dma_start3A_184] : memref<256x32xf32, #tpu.memory_space<vmem>> -> memref<1x32xf32, #tpu.memory_space<vmem>>
      %dma_start3A_186 = arith.constant 0 : i32
      %dma_start3A_187 = tpu.memref_slice %arg4[%squeeze3A_178, %dma_start3A_186] : memref<1000000x32xf32, #tpu.memory_space<hbm>> -> memref<1x32xf32, #tpu.memory_space<hbm>>
      %dma_start3A_188 = tpu.memref_slice %arg12[%dma_start3A_183] : memref<8x!tpu.dma_semaphore, #tpu.memory_space<semaphore_mem>> -> memref<1x!tpu.dma_semaphore, #tpu.memory_space<semaphore_mem>>
      %dma_start3A_189 = tpu.memref_squeeze %dma_start3A_188 : memref<1x!tpu.dma_semaphore, #tpu.memory_space<semaphore_mem>> -> memref<!tpu.dma_semaphore, #tpu.memory_space<semaphore_mem>>
      %dma_start3A_190 = arith.constant 0 : i32
      %dma_start3A_191 = tpu.memref_slice %arg10[%add3A_182, %dma_start3A_190] : memref<256x32xf32, #tpu.memory_space<vmem>> -> memref<1x32xf32, #tpu.memory_space<vmem>>
      %dma_start3A_192 = arith.constant 0 : i32
      %dma_start3A_193 = tpu.memref_slice %arg4[%squeeze3A_178, %dma_start3A_192] : memref<1000000x32xf32, #tpu.memory_space<hbm>> -> memref<1x32xf32, #tpu.memory_space<hbm>>
      tpu.enqueue_dma source(%dma_start3A_193 : memref<1x32xf32, #tpu.memory_space<hbm>>) target(%dma_start3A_191 : memref<1x32xf32, #tpu.memory_space<vmem>>) target_semaphore(%dma_start3A_189 : memref<!tpu.dma_semaphore, #tpu.memory_space<semaphore_mem>>)
      %slice3A_194 = vector.extract_strided_slice %get3A_43 {offsets = [4], sizes = [1], strides = [1]} : vector<16xi32> to vector<1xi32>
      %squeeze3A_195 = vector.extract %slice3A_194[0] : i32 from vector<1xi32>
      %mul3A_196 = arith.constant 16 : i32
      %mul3A_197 = arith.muli %scan3A_30, %mul3A_196 : i32
      %add3A_198 = arith.constant 4 : i32
      %add3A_199 = arith.addi %mul3A_197, %add3A_198 : i32
      %dma_start3A_200 = arith.constant 4 : i32
      %dma_start3A_201 = arith.constant 0 : i32
      %dma_start3A_202 = tpu.memref_slice %arg11[%add3A_199, %dma_start3A_201] : memref<256x14xf32, #tpu.memory_space<vmem>> -> memref<1x14xf32, #tpu.memory_space<vmem>>
      %dma_start3A_203 = arith.constant 0 : i32
      %dma_start3A_204 = tpu.memref_slice %arg5[%squeeze3A_195, %dma_start3A_203] : memref<1000000x14xf32, #tpu.memory_space<hbm>> -> memref<1x14xf32, #tpu.memory_space<hbm>>
      %dma_start3A_205 = tpu.memref_slice %arg13[%dma_start3A_200] : memref<8x!tpu.dma_semaphore, #tpu.memory_space<semaphore_mem>> -> memref<1x!tpu.dma_semaphore, #tpu.memory_space<semaphore_mem>>
      %dma_start3A_206 = tpu.memref_squeeze %dma_start3A_205 : memref<1x!tpu.dma_semaphore, #tpu.memory_space<semaphore_mem>> -> memref<!tpu.dma_semaphore, #tpu.memory_space<semaphore_mem>>
      %dma_start3A_207 = arith.constant 0 : i32
      %dma_start3A_208 = tpu.memref_slice %arg11[%add3A_199, %dma_start3A_207] : memref<256x14xf32, #tpu.memory_space<vmem>> -> memref<1x14xf32, #tpu.memory_space<vmem>>
      %dma_start3A_209 = arith.constant 0 : i32
      %dma_start3A_210 = tpu.memref_slice %arg5[%squeeze3A_195, %dma_start3A_209] : memref<1000000x14xf32, #tpu.memory_space<hbm>> -> memref<1x14xf32, #tpu.memory_space<hbm>>
      tpu.enqueue_dma source(%dma_start3A_210 : memref<1x14xf32, #tpu.memory_space<hbm>>) target(%dma_start3A_208 : memref<1x14xf32, #tpu.memory_space<vmem>>) target_semaphore(%dma_start3A_206 : memref<!tpu.dma_semaphore, #tpu.memory_space<semaphore_mem>>)
      %slice3A_211 = vector.extract_strided_slice %get3A_36 {offsets = [5], sizes = [1], strides = [1]} : vector<16xi32> to vector<1xi32>
      %squeeze3A_212 = vector.extract %slice3A_211[0] : i32 from vector<1xi32>
      %mul3A_213 = arith.constant 16 : i32
      %mul3A_214 = arith.muli %scan3A_30, %mul3A_213 : i32
      %add3A_215 = arith.constant 5 : i32
      %add3A_216 = arith.addi %mul3A_214, %add3A_215 : i32
      %dma_start3A_217 = arith.constant 5 : i32
      %dma_start3A_218 = arith.constant 0 : i32
      %dma_start3A_219 = tpu.memref_slice %arg10[%add3A_216, %dma_start3A_218] : memref<256x32xf32, #tpu.memory_space<vmem>> -> memref<1x32xf32, #tpu.memory_space<vmem>>
      %dma_start3A_220 = arith.constant 0 : i32
      %dma_start3A_221 = tpu.memref_slice %arg4[%squeeze3A_212, %dma_start3A_220] : memref<1000000x32xf32, #tpu.memory_space<hbm>> -> memref<1x32xf32, #tpu.memory_space<hbm>>
      %dma_start3A_222 = tpu.memref_slice %arg12[%dma_start3A_217] : memref<8x!tpu.dma_semaphore, #tpu.memory_space<semaphore_mem>> -> memref<1x!tpu.dma_semaphore, #tpu.memory_space<semaphore_mem>>
      %dma_start3A_223 = tpu.memref_squeeze %dma_start3A_222 : memref<1x!tpu.dma_semaphore, #tpu.memory_space<semaphore_mem>> -> memref<!tpu.dma_semaphore, #tpu.memory_space<semaphore_mem>>
      %dma_start3A_224 = arith.constant 0 : i32
      %dma_start3A_225 = tpu.memref_slice %arg10[%add3A_216, %dma_start3A_224] : memref<256x32xf32, #tpu.memory_space<vmem>> -> memref<1x32xf32, #tpu.memory_space<vmem>>
      %dma_start3A_226 = arith.constant 0 : i32
      %dma_start3A_227 = tpu.memref_slice %arg4[%squeeze3A_212, %dma_start3A_226] : memref<1000000x32xf32, #tpu.memory_space<hbm>> -> memref<1x32xf32, #tpu.memory_space<hbm>>
      tpu.enqueue_dma source(%dma_start3A_227 : memref<1x32xf32, #tpu.memory_space<hbm>>) target(%dma_start3A_225 : memref<1x32xf32, #tpu.memory_space<vmem>>) target_semaphore(%dma_start3A_223 : memref<!tpu.dma_semaphore, #tpu.memory_space<semaphore_mem>>)
      %slice3A_228 = vector.extract_strided_slice %get3A_43 {offsets = [5], sizes = [1], strides = [1]} : vector<16xi32> to vector<1xi32>
      %squeeze3A_229 = vector.extract %slice3A_228[0] : i32 from vector<1xi32>
      %mul3A_230 = arith.constant 16 : i32
      %mul3A_231 = arith.muli %scan3A_30, %mul3A_230 : i32
      %add3A_232 = arith.constant 5 : i32
      %add3A_233 = arith.addi %mul3A_231, %add3A_232 : i32
      %dma_start3A_234 = arith.constant 5 : i32
      %dma_start3A_235 = arith.constant 0 : i32
      %dma_start3A_236 = tpu.memref_slice %arg11[%add3A_233, %dma_start3A_235] : memref<256x14xf32, #tpu.memory_space<vmem>> -> memref<1x14xf32, #tpu.memory_space<vmem>>
      %dma_start3A_237 = arith.constant 0 : i32
      %dma_start3A_238 = tpu.memref_slice %arg5[%squeeze3A_229, %dma_start3A_237] : memref<1000000x14xf32, #tpu.memory_space<hbm>> -> memref<1x14xf32, #tpu.memory_space<hbm>>
      %dma_start3A_239 = tpu.memref_slice %arg13[%dma_start3A_234] : memref<8x!tpu.dma_semaphore, #tpu.memory_space<semaphore_mem>> -> memref<1x!tpu.dma_semaphore, #tpu.memory_space<semaphore_mem>>
      %dma_start3A_240 = tpu.memref_squeeze %dma_start3A_239 : memref<1x!tpu.dma_semaphore, #tpu.memory_space<semaphore_mem>> -> memref<!tpu.dma_semaphore, #tpu.memory_space<semaphore_mem>>
      %dma_start3A_241 = arith.constant 0 : i32
      %dma_start3A_242 = tpu.memref_slice %arg11[%add3A_233, %dma_start3A_241] : memref<256x14xf32, #tpu.memory_space<vmem>> -> memref<1x14xf32, #tpu.memory_space<vmem>>
      %dma_start3A_243 = arith.constant 0 : i32
      %dma_start3A_244 = tpu.memref_slice %arg5[%squeeze3A_229, %dma_start3A_243] : memref<1000000x14xf32, #tpu.memory_space<hbm>> -> memref<1x14xf32, #tpu.memory_space<hbm>>
      tpu.enqueue_dma source(%dma_start3A_244 : memref<1x14xf32, #tpu.memory_space<hbm>>) target(%dma_start3A_242 : memref<1x14xf32, #tpu.memory_space<vmem>>) target_semaphore(%dma_start3A_240 : memref<!tpu.dma_semaphore, #tpu.memory_space<semaphore_mem>>)
      %slice3A_245 = vector.extract_strided_slice %get3A_36 {offsets = [6], sizes = [1], strides = [1]} : vector<16xi32> to vector<1xi32>
      %squeeze3A_246 = vector.extract %slice3A_245[0] : i32 from vector<1xi32>
      %mul3A_247 = arith.constant 16 : i32
      %mul3A_248 = arith.muli %scan3A_30, %mul3A_247 : i32
      %add3A_249 = arith.constant 6 : i32
      %add3A_250 = arith.addi %mul3A_248, %add3A_249 : i32
      %dma_start3A_251 = arith.constant 6 : i32
      %dma_start3A_252 = arith.constant 0 : i32
      %dma_start3A_253 = tpu.memref_slice %arg10[%add3A_250, %dma_start3A_252] : memref<256x32xf32, #tpu.memory_space<vmem>> -> memref<1x32xf32, #tpu.memory_space<vmem>>
      %dma_start3A_254 = arith.constant 0 : i32
      %dma_start3A_255 = tpu.memref_slice %arg4[%squeeze3A_246, %dma_start3A_254] : memref<1000000x32xf32, #tpu.memory_space<hbm>> -> memref<1x32xf32, #tpu.memory_space<hbm>>
      %dma_start3A_256 = tpu.memref_slice %arg12[%dma_start3A_251] : memref<8x!tpu.dma_semaphore, #tpu.memory_space<semaphore_mem>> -> memref<1x!tpu.dma_semaphore, #tpu.memory_space<semaphore_mem>>
      %dma_start3A_257 = tpu.memref_squeeze %dma_start3A_256 : memref<1x!tpu.dma_semaphore, #tpu.memory_space<semaphore_mem>> -> memref<!tpu.dma_semaphore, #tpu.memory_space<semaphore_mem>>
      %dma_start3A_258 = arith.constant 0 : i32
      %dma_start3A_259 = tpu.memref_slice %arg10[%add3A_250, %dma_start3A_258] : memref<256x32xf32, #tpu.memory_space<vmem>> -> memref<1x32xf32, #tpu.memory_space<vmem>>
      %dma_start3A_260 = arith.constant 0 : i32
      %dma_start3A_261 = tpu.memref_slice %arg4[%squeeze3A_246, %dma_start3A_260] : memref<1000000x32xf32, #tpu.memory_space<hbm>> -> memref<1x32xf32, #tpu.memory_space<hbm>>
      tpu.enqueue_dma source(%dma_start3A_261 : memref<1x32xf32, #tpu.memory_space<hbm>>) target(%dma_start3A_259 : memref<1x32xf32, #tpu.memory_space<vmem>>) target_semaphore(%dma_start3A_257 : memref<!tpu.dma_semaphore, #tpu.memory_space<semaphore_mem>>)
      %slice3A_262 = vector.extract_strided_slice %get3A_43 {offsets = [6], sizes = [1], strides = [1]} : vector<16xi32> to vector<1xi32>
      %squeeze3A_263 = vector.extract %slice3A_262[0] : i32 from vector<1xi32>
      %mul3A_264 = arith.constant 16 : i32
      %mul3A_265 = arith.muli %scan3A_30, %mul3A_264 : i32
      %add3A_266 = arith.constant 6 : i32
      %add3A_267 = arith.addi %mul3A_265, %add3A_266 : i32
      %dma_start3A_268 = arith.constant 6 : i32
      %dma_start3A_269 = arith.constant 0 : i32
      %dma_start3A_270 = tpu.memref_slice %arg11[%add3A_267, %dma_start3A_269] : memref<256x14xf32, #tpu.memory_space<vmem>> -> memref<1x14xf32, #tpu.memory_space<vmem>>
      %dma_start3A_271 = arith.constant 0 : i32
      %dma_start3A_272 = tpu.memref_slice %arg5[%squeeze3A_263, %dma_start3A_271] : memref<1000000x14xf32, #tpu.memory_space<hbm>> -> memref<1x14xf32, #tpu.memory_space<hbm>>
      %dma_start3A_273 = tpu.memref_slice %arg13[%dma_start3A_268] : memref<8x!tpu.dma_semaphore, #tpu.memory_space<semaphore_mem>> -> memref<1x!tpu.dma_semaphore, #tpu.memory_space<semaphore_mem>>
      %dma_start3A_274 = tpu.memref_squeeze %dma_start3A_273 : memref<1x!tpu.dma_semaphore, #tpu.memory_space<semaphore_mem>> -> memref<!tpu.dma_semaphore, #tpu.memory_space<semaphore_mem>>
      %dma_start3A_275 = arith.constant 0 : i32
      %dma_start3A_276 = tpu.memref_slice %arg11[%add3A_267, %dma_start3A_275] : memref<256x14xf32, #tpu.memory_space<vmem>> -> memref<1x14xf32, #tpu.memory_space<vmem>>
      %dma_start3A_277 = arith.constant 0 : i32
      %dma_start3A_278 = tpu.memref_slice %arg5[%squeeze3A_263, %dma_start3A_277] : memref<1000000x14xf32, #tpu.memory_space<hbm>> -> memref<1x14xf32, #tpu.memory_space<hbm>>
      tpu.enqueue_dma source(%dma_start3A_278 : memref<1x14xf32, #tpu.memory_space<hbm>>) target(%dma_start3A_276 : memref<1x14xf32, #tpu.memory_space<vmem>>) target_semaphore(%dma_start3A_274 : memref<!tpu.dma_semaphore, #tpu.memory_space<semaphore_mem>>)
      %slice3A_279 = vector.extract_strided_slice %get3A_36 {offsets = [7], sizes = [1], strides = [1]} : vector<16xi32> to vector<1xi32>
      %squeeze3A_280 = vector.extract %slice3A_279[0] : i32 from vector<1xi32>
      %mul3A_281 = arith.constant 16 : i32
      %mul3A_282 = arith.muli %scan3A_30, %mul3A_281 : i32
      %add3A_283 = arith.constant 7 : i32
      %add3A_284 = arith.addi %mul3A_282, %add3A_283 : i32
      %dma_start3A_285 = arith.constant 7 : i32
      %dma_start3A_286 = arith.constant 0 : i32
      %dma_start3A_287 = tpu.memref_slice %arg10[%add3A_284, %dma_start3A_286] : memref<256x32xf32, #tpu.memory_space<vmem>> -> memref<1x32xf32, #tpu.memory_space<vmem>>
      %dma_start3A_288 = arith.constant 0 : i32
      %dma_start3A_289 = tpu.memref_slice %arg4[%squeeze3A_280, %dma_start3A_288] : memref<1000000x32xf32, #tpu.memory_space<hbm>> -> memref<1x32xf32, #tpu.memory_space<hbm>>
      %dma_start3A_290 = tpu.memref_slice %arg12[%dma_start3A_285] : memref<8x!tpu.dma_semaphore, #tpu.memory_space<semaphore_mem>> -> memref<1x!tpu.dma_semaphore, #tpu.memory_space<semaphore_mem>>
      %dma_start3A_291 = tpu.memref_squeeze %dma_start3A_290 : memref<1x!tpu.dma_semaphore, #tpu.memory_space<semaphore_mem>> -> memref<!tpu.dma_semaphore, #tpu.memory_space<semaphore_mem>>
      %dma_start3A_292 = arith.constant 0 : i32
      %dma_start3A_293 = tpu.memref_slice %arg10[%add3A_284, %dma_start3A_292] : memref<256x32xf32, #tpu.memory_space<vmem>> -> memref<1x32xf32, #tpu.memory_space<vmem>>
      %dma_start3A_294 = arith.constant 0 : i32
      %dma_start3A_295 = tpu.memref_slice %arg4[%squeeze3A_280, %dma_start3A_294] : memref<1000000x32xf32, #tpu.memory_space<hbm>> -> memref<1x32xf32, #tpu.memory_space<hbm>>
      tpu.enqueue_dma source(%dma_start3A_295 : memref<1x32xf32, #tpu.memory_space<hbm>>) target(%dma_start3A_293 : memref<1x32xf32, #tpu.memory_space<vmem>>) target_semaphore(%dma_start3A_291 : memref<!tpu.dma_semaphore, #tpu.memory_space<semaphore_mem>>)
      %slice3A_296 = vector.extract_strided_slice %get3A_43 {offsets = [7], sizes = [1], strides = [1]} : vector<16xi32> to vector<1xi32>
      %squeeze3A_297 = vector.extract %slice3A_296[0] : i32 from vector<1xi32>
      %mul3A_298 = arith.constant 16 : i32
      %mul3A_299 = arith.muli %scan3A_30, %mul3A_298 : i32
      %add3A_300 = arith.constant 7 : i32
      %add3A_301 = arith.addi %mul3A_299, %add3A_300 : i32
      %dma_start3A_302 = arith.constant 7 : i32
      %dma_start3A_303 = arith.constant 0 : i32
      %dma_start3A_304 = tpu.memref_slice %arg11[%add3A_301, %dma_start3A_303] : memref<256x14xf32, #tpu.memory_space<vmem>> -> memref<1x14xf32, #tpu.memory_space<vmem>>
      %dma_start3A_305 = arith.constant 0 : i32
      %dma_start3A_306 = tpu.memref_slice %arg5[%squeeze3A_297, %dma_start3A_305] : memref<1000000x14xf32, #tpu.memory_space<hbm>> -> memref<1x14xf32, #tpu.memory_space<hbm>>
      %dma_start3A_307 = tpu.memref_slice %arg13[%dma_start3A_302] : memref<8x!tpu.dma_semaphore, #tpu.memory_space<semaphore_mem>> -> memref<1x!tpu.dma_semaphore, #tpu.memory_space<semaphore_mem>>
      %dma_start3A_308 = tpu.memref_squeeze %dma_start3A_307 : memref<1x!tpu.dma_semaphore, #tpu.memory_space<semaphore_mem>> -> memref<!tpu.dma_semaphore, #tpu.memory_space<semaphore_mem>>
      %dma_start3A_309 = arith.constant 0 : i32
      %dma_start3A_310 = tpu.memref_slice %arg11[%add3A_301, %dma_start3A_309] : memref<256x14xf32, #tpu.memory_space<vmem>> -> memref<1x14xf32, #tpu.memory_space<vmem>>
      %dma_start3A_311 = arith.constant 0 : i32
      %dma_start3A_312 = tpu.memref_slice %arg5[%squeeze3A_297, %dma_start3A_311] : memref<1000000x14xf32, #tpu.memory_space<hbm>> -> memref<1x14xf32, #tpu.memory_space<hbm>>
      tpu.enqueue_dma source(%dma_start3A_312 : memref<1x14xf32, #tpu.memory_space<hbm>>) target(%dma_start3A_310 : memref<1x14xf32, #tpu.memory_space<vmem>>) target_semaphore(%dma_start3A_308 : memref<!tpu.dma_semaphore, #tpu.memory_space<semaphore_mem>>)
      %slice3A_313 = vector.extract_strided_slice %get3A_36 {offsets = [8], sizes = [1], strides = [1]} : vector<16xi32> to vector<1xi32>
      %squeeze3A_314 = vector.extract %slice3A_313[0] : i32 from vector<1xi32>
      %mul3A_315 = arith.constant 16 : i32
      %mul3A_316 = arith.muli %scan3A_30, %mul3A_315 : i32
      %add3A_317 = arith.constant 8 : i32
      %add3A_318 = arith.addi %mul3A_316, %add3A_317 : i32
      %dma_start3A_319 = arith.constant 0 : i32
      %dma_start3A_320 = arith.constant 0 : i32
      %dma_start3A_321 = tpu.memref_slice %arg10[%add3A_318, %dma_start3A_320] : memref<256x32xf32, #tpu.memory_space<vmem>> -> memref<1x32xf32, #tpu.memory_space<vmem>>
      %dma_start3A_322 = arith.constant 0 : i32
      %dma_start3A_323 = tpu.memref_slice %arg4[%squeeze3A_314, %dma_start3A_322] : memref<1000000x32xf32, #tpu.memory_space<hbm>> -> memref<1x32xf32, #tpu.memory_space<hbm>>
      %dma_start3A_324 = tpu.memref_slice %arg12[%dma_start3A_319] : memref<8x!tpu.dma_semaphore, #tpu.memory_space<semaphore_mem>> -> memref<1x!tpu.dma_semaphore, #tpu.memory_space<semaphore_mem>>
      %dma_start3A_325 = tpu.memref_squeeze %dma_start3A_324 : memref<1x!tpu.dma_semaphore, #tpu.memory_space<semaphore_mem>> -> memref<!tpu.dma_semaphore, #tpu.memory_space<semaphore_mem>>
      %dma_start3A_326 = arith.constant 0 : i32
      %dma_start3A_327 = tpu.memref_slice %arg10[%add3A_318, %dma_start3A_326] : memref<256x32xf32, #tpu.memory_space<vmem>> -> memref<1x32xf32, #tpu.memory_space<vmem>>
      %dma_start3A_328 = arith.constant 0 : i32
      %dma_start3A_329 = tpu.memref_slice %arg4[%squeeze3A_314, %dma_start3A_328] : memref<1000000x32xf32, #tpu.memory_space<hbm>> -> memref<1x32xf32, #tpu.memory_space<hbm>>
      tpu.enqueue_dma source(%dma_start3A_329 : memref<1x32xf32, #tpu.memory_space<hbm>>) target(%dma_start3A_327 : memref<1x32xf32, #tpu.memory_space<vmem>>) target_semaphore(%dma_start3A_325 : memref<!tpu.dma_semaphore, #tpu.memory_space<semaphore_mem>>)
      %slice3A_330 = vector.extract_strided_slice %get3A_43 {offsets = [8], sizes = [1], strides = [1]} : vector<16xi32> to vector<1xi32>
      %squeeze3A_331 = vector.extract %slice3A_330[0] : i32 from vector<1xi32>
      %mul3A_332 = arith.constant 16 : i32
      %mul3A_333 = arith.muli %scan3A_30, %mul3A_332 : i32
      %add3A_334 = arith.constant 8 : i32
      %add3A_335 = arith.addi %mul3A_333, %add3A_334 : i32
      %dma_start3A_336 = arith.constant 0 : i32
      %dma_start3A_337 = arith.constant 0 : i32
      %dma_start3A_338 = tpu.memref_slice %arg11[%add3A_335, %dma_start3A_337] : memref<256x14xf32, #tpu.memory_space<vmem>> -> memref<1x14xf32, #tpu.memory_space<vmem>>
      %dma_start3A_339 = arith.constant 0 : i32
      %dma_start3A_340 = tpu.memref_slice %arg5[%squeeze3A_331, %dma_start3A_339] : memref<1000000x14xf32, #tpu.memory_space<hbm>> -> memref<1x14xf32, #tpu.memory_space<hbm>>
      %dma_start3A_341 = tpu.memref_slice %arg13[%dma_start3A_336] : memref<8x!tpu.dma_semaphore, #tpu.memory_space<semaphore_mem>> -> memref<1x!tpu.dma_semaphore, #tpu.memory_space<semaphore_mem>>
      %dma_start3A_342 = tpu.memref_squeeze %dma_start3A_341 : memref<1x!tpu.dma_semaphore, #tpu.memory_space<semaphore_mem>> -> memref<!tpu.dma_semaphore, #tpu.memory_space<semaphore_mem>>
      %dma_start3A_343 = arith.constant 0 : i32
      %dma_start3A_344 = tpu.memref_slice %arg11[%add3A_335, %dma_start3A_343] : memref<256x14xf32, #tpu.memory_space<vmem>> -> memref<1x14xf32, #tpu.memory_space<vmem>>
      %dma_start3A_345 = arith.constant 0 : i32
      %dma_start3A_346 = tpu.memref_slice %arg5[%squeeze3A_331, %dma_start3A_345] : memref<1000000x14xf32, #tpu.memory_space<hbm>> -> memref<1x14xf32, #tpu.memory_space<hbm>>
      tpu.enqueue_dma source(%dma_start3A_346 : memref<1x14xf32, #tpu.memory_space<hbm>>) target(%dma_start3A_344 : memref<1x14xf32, #tpu.memory_space<vmem>>) target_semaphore(%dma_start3A_342 : memref<!tpu.dma_semaphore, #tpu.memory_space<semaphore_mem>>)
      %slice3A_347 = vector.extract_strided_slice %get3A_36 {offsets = [9], sizes = [1], strides = [1]} : vector<16xi32> to vector<1xi32>
      %squeeze3A_348 = vector.extract %slice3A_347[0] : i32 from vector<1xi32>
      %mul3A_349 = arith.constant 16 : i32
      %mul3A_350 = arith.muli %scan3A_30, %mul3A_349 : i32
      %add3A_351 = arith.constant 9 : i32
      %add3A_352 = arith.addi %mul3A_350, %add3A_351 : i32
      %dma_start3A_353 = arith.constant 1 : i32
      %dma_start3A_354 = arith.constant 0 : i32
      %dma_start3A_355 = tpu.memref_slice %arg10[%add3A_352, %dma_start3A_354] : memref<256x32xf32, #tpu.memory_space<vmem>> -> memref<1x32xf32, #tpu.memory_space<vmem>>
      %dma_start3A_356 = arith.constant 0 : i32
      %dma_start3A_357 = tpu.memref_slice %arg4[%squeeze3A_348, %dma_start3A_356] : memref<1000000x32xf32, #tpu.memory_space<hbm>> -> memref<1x32xf32, #tpu.memory_space<hbm>>
      %dma_start3A_358 = tpu.memref_slice %arg12[%dma_start3A_353] : memref<8x!tpu.dma_semaphore, #tpu.memory_space<semaphore_mem>> -> memref<1x!tpu.dma_semaphore, #tpu.memory_space<semaphore_mem>>
      %dma_start3A_359 = tpu.memref_squeeze %dma_start3A_358 : memref<1x!tpu.dma_semaphore, #tpu.memory_space<semaphore_mem>> -> memref<!tpu.dma_semaphore, #tpu.memory_space<semaphore_mem>>
      %dma_start3A_360 = arith.constant 0 : i32
      %dma_start3A_361 = tpu.memref_slice %arg10[%add3A_352, %dma_start3A_360] : memref<256x32xf32, #tpu.memory_space<vmem>> -> memref<1x32xf32, #tpu.memory_space<vmem>>
      %dma_start3A_362 = arith.constant 0 : i32
      %dma_start3A_363 = tpu.memref_slice %arg4[%squeeze3A_348, %dma_start3A_362] : memref<1000000x32xf32, #tpu.memory_space<hbm>> -> memref<1x32xf32, #tpu.memory_space<hbm>>
      tpu.enqueue_dma source(%dma_start3A_363 : memref<1x32xf32, #tpu.memory_space<hbm>>) target(%dma_start3A_361 : memref<1x32xf32, #tpu.memory_space<vmem>>) target_semaphore(%dma_start3A_359 : memref<!tpu.dma_semaphore, #tpu.memory_space<semaphore_mem>>)
      %slice3A_364 = vector.extract_strided_slice %get3A_43 {offsets = [9], sizes = [1], strides = [1]} : vector<16xi32> to vector<1xi32>
      %squeeze3A_365 = vector.extract %slice3A_364[0] : i32 from vector<1xi32>
      %mul3A_366 = arith.constant 16 : i32
      %mul3A_367 = arith.muli %scan3A_30, %mul3A_366 : i32
      %add3A_368 = arith.constant 9 : i32
      %add3A_369 = arith.addi %mul3A_367, %add3A_368 : i32
      %dma_start3A_370 = arith.constant 1 : i32
      %dma_start3A_371 = arith.constant 0 : i32
      %dma_start3A_372 = tpu.memref_slice %arg11[%add3A_369, %dma_start3A_371] : memref<256x14xf32, #tpu.memory_space<vmem>> -> memref<1x14xf32, #tpu.memory_space<vmem>>
      %dma_start3A_373 = arith.constant 0 : i32
      %dma_start3A_374 = tpu.memref_slice %arg5[%squeeze3A_365, %dma_start3A_373] : memref<1000000x14xf32, #tpu.memory_space<hbm>> -> memref<1x14xf32, #tpu.memory_space<hbm>>
      %dma_start3A_375 = tpu.memref_slice %arg13[%dma_start3A_370] : memref<8x!tpu.dma_semaphore, #tpu.memory_space<semaphore_mem>> -> memref<1x!tpu.dma_semaphore, #tpu.memory_space<semaphore_mem>>
      %dma_start3A_376 = tpu.memref_squeeze %dma_start3A_375 : memref<1x!tpu.dma_semaphore, #tpu.memory_space<semaphore_mem>> -> memref<!tpu.dma_semaphore, #tpu.memory_space<semaphore_mem>>
      %dma_start3A_377 = arith.constant 0 : i32
      %dma_start3A_378 = tpu.memref_slice %arg11[%add3A_369, %dma_start3A_377] : memref<256x14xf32, #tpu.memory_space<vmem>> -> memref<1x14xf32, #tpu.memory_space<vmem>>
      %dma_start3A_379 = arith.constant 0 : i32
      %dma_start3A_380 = tpu.memref_slice %arg5[%squeeze3A_365, %dma_start3A_379] : memref<1000000x14xf32, #tpu.memory_space<hbm>> -> memref<1x14xf32, #tpu.memory_space<hbm>>
      tpu.enqueue_dma source(%dma_start3A_380 : memref<1x14xf32, #tpu.memory_space<hbm>>) target(%dma_start3A_378 : memref<1x14xf32, #tpu.memory_space<vmem>>) target_semaphore(%dma_start3A_376 : memref<!tpu.dma_semaphore, #tpu.memory_space<semaphore_mem>>)
      %slice3A_381 = vector.extract_strided_slice %get3A_36 {offsets = [10], sizes = [1], strides = [1]} : vector<16xi32> to vector<1xi32>
      %squeeze3A_382 = vector.extract %slice3A_381[0] : i32 from vector<1xi32>
      %mul3A_383 = arith.constant 16 : i32
      %mul3A_384 = arith.muli %scan3A_30, %mul3A_383 : i32
      %add3A_385 = arith.constant 10 : i32
      %add3A_386 = arith.addi %mul3A_384, %add3A_385 : i32
      %dma_start3A_387 = arith.constant 2 : i32
      %dma_start3A_388 = arith.constant 0 : i32
      %dma_start3A_389 = tpu.memref_slice %arg10[%add3A_386, %dma_start3A_388] : memref<256x32xf32, #tpu.memory_space<vmem>> -> memref<1x32xf32, #tpu.memory_space<vmem>>
      %dma_start3A_390 = arith.constant 0 : i32
      %dma_start3A_391 = tpu.memref_slice %arg4[%squeeze3A_382, %dma_start3A_390] : memref<1000000x32xf32, #tpu.memory_space<hbm>> -> memref<1x32xf32, #tpu.memory_space<hbm>>
      %dma_start3A_392 = tpu.memref_slice %arg12[%dma_start3A_387] : memref<8x!tpu.dma_semaphore, #tpu.memory_space<semaphore_mem>> -> memref<1x!tpu.dma_semaphore, #tpu.memory_space<semaphore_mem>>
      %dma_start3A_393 = tpu.memref_squeeze %dma_start3A_392 : memref<1x!tpu.dma_semaphore, #tpu.memory_space<semaphore_mem>> -> memref<!tpu.dma_semaphore, #tpu.memory_space<semaphore_mem>>
      %dma_start3A_394 = arith.constant 0 : i32
      %dma_start3A_395 = tpu.memref_slice %arg10[%add3A_386, %dma_start3A_394] : memref<256x32xf32, #tpu.memory_space<vmem>> -> memref<1x32xf32, #tpu.memory_space<vmem>>
      %dma_start3A_396 = arith.constant 0 : i32
      %dma_start3A_397 = tpu.memref_slice %arg4[%squeeze3A_382, %dma_start3A_396] : memref<1000000x32xf32, #tpu.memory_space<hbm>> -> memref<1x32xf32, #tpu.memory_space<hbm>>
      tpu.enqueue_dma source(%dma_start3A_397 : memref<1x32xf32, #tpu.memory_space<hbm>>) target(%dma_start3A_395 : memref<1x32xf32, #tpu.memory_space<vmem>>) target_semaphore(%dma_start3A_393 : memref<!tpu.dma_semaphore, #tpu.memory_space<semaphore_mem>>)
      %slice3A_398 = vector.extract_strided_slice %get3A_43 {offsets = [10], sizes = [1], strides = [1]} : vector<16xi32> to vector<1xi32>
      %squeeze3A_399 = vector.extract %slice3A_398[0] : i32 from vector<1xi32>
      %mul3A_400 = arith.constant 16 : i32
      %mul3A_401 = arith.muli %scan3A_30, %mul3A_400 : i32
      %add3A_402 = arith.constant 10 : i32
      %add3A_403 = arith.addi %mul3A_401, %add3A_402 : i32
      %dma_start3A_404 = arith.constant 2 : i32
      %dma_start3A_405 = arith.constant 0 : i32
      %dma_start3A_406 = tpu.memref_slice %arg11[%add3A_403, %dma_start3A_405] : memref<256x14xf32, #tpu.memory_space<vmem>> -> memref<1x14xf32, #tpu.memory_space<vmem>>
      %dma_start3A_407 = arith.constant 0 : i32
      %dma_start3A_408 = tpu.memref_slice %arg5[%squeeze3A_399, %dma_start3A_407] : memref<1000000x14xf32, #tpu.memory_space<hbm>> -> memref<1x14xf32, #tpu.memory_space<hbm>>
      %dma_start3A_409 = tpu.memref_slice %arg13[%dma_start3A_404] : memref<8x!tpu.dma_semaphore, #tpu.memory_space<semaphore_mem>> -> memref<1x!tpu.dma_semaphore, #tpu.memory_space<semaphore_mem>>
      %dma_start3A_410 = tpu.memref_squeeze %dma_start3A_409 : memref<1x!tpu.dma_semaphore, #tpu.memory_space<semaphore_mem>> -> memref<!tpu.dma_semaphore, #tpu.memory_space<semaphore_mem>>
      %dma_start3A_411 = arith.constant 0 : i32
      %dma_start3A_412 = tpu.memref_slice %arg11[%add3A_403, %dma_start3A_411] : memref<256x14xf32, #tpu.memory_space<vmem>> -> memref<1x14xf32, #tpu.memory_space<vmem>>
      %dma_start3A_413 = arith.constant 0 : i32
      %dma_start3A_414 = tpu.memref_slice %arg5[%squeeze3A_399, %dma_start3A_413] : memref<1000000x14xf32, #tpu.memory_space<hbm>> -> memref<1x14xf32, #tpu.memory_space<hbm>>
      tpu.enqueue_dma source(%dma_start3A_414 : memref<1x14xf32, #tpu.memory_space<hbm>>) target(%dma_start3A_412 : memref<1x14xf32, #tpu.memory_space<vmem>>) target_semaphore(%dma_start3A_410 : memref<!tpu.dma_semaphore, #tpu.memory_space<semaphore_mem>>)
      %slice3A_415 = vector.extract_strided_slice %get3A_36 {offsets = [11], sizes = [1], strides = [1]} : vector<16xi32> to vector<1xi32>
      %squeeze3A_416 = vector.extract %slice3A_415[0] : i32 from vector<1xi32>
      %mul3A_417 = arith.constant 16 : i32
      %mul3A_418 = arith.muli %scan3A_30, %mul3A_417 : i32
      %add3A_419 = arith.constant 11 : i32
      %add3A_420 = arith.addi %mul3A_418, %add3A_419 : i32
      %dma_start3A_421 = arith.constant 3 : i32
      %dma_start3A_422 = arith.constant 0 : i32
      %dma_start3A_423 = tpu.memref_slice %arg10[%add3A_420, %dma_start3A_422] : memref<256x32xf32, #tpu.memory_space<vmem>> -> memref<1x32xf32, #tpu.memory_space<vmem>>
      %dma_start3A_424 = arith.constant 0 : i32
      %dma_start3A_425 = tpu.memref_slice %arg4[%squeeze3A_416, %dma_start3A_424] : memref<1000000x32xf32, #tpu.memory_space<hbm>> -> memref<1x32xf32, #tpu.memory_space<hbm>>
      %dma_start3A_426 = tpu.memref_slice %arg12[%dma_start3A_421] : memref<8x!tpu.dma_semaphore, #tpu.memory_space<semaphore_mem>> -> memref<1x!tpu.dma_semaphore, #tpu.memory_space<semaphore_mem>>
      %dma_start3A_427 = tpu.memref_squeeze %dma_start3A_426 : memref<1x!tpu.dma_semaphore, #tpu.memory_space<semaphore_mem>> -> memref<!tpu.dma_semaphore, #tpu.memory_space<semaphore_mem>>
      %dma_start3A_428 = arith.constant 0 : i32
      %dma_start3A_429 = tpu.memref_slice %arg10[%add3A_420, %dma_start3A_428] : memref<256x32xf32, #tpu.memory_space<vmem>> -> memref<1x32xf32, #tpu.memory_space<vmem>>
      %dma_start3A_430 = arith.constant 0 : i32
      %dma_start3A_431 = tpu.memref_slice %arg4[%squeeze3A_416, %dma_start3A_430] : memref<1000000x32xf32, #tpu.memory_space<hbm>> -> memref<1x32xf32, #tpu.memory_space<hbm>>
      tpu.enqueue_dma source(%dma_start3A_431 : memref<1x32xf32, #tpu.memory_space<hbm>>) target(%dma_start3A_429 : memref<1x32xf32, #tpu.memory_space<vmem>>) target_semaphore(%dma_start3A_427 : memref<!tpu.dma_semaphore, #tpu.memory_space<semaphore_mem>>)
      %slice3A_432 = vector.extract_strided_slice %get3A_43 {offsets = [11], sizes = [1], strides = [1]} : vector<16xi32> to vector<1xi32>
      %squeeze3A_433 = vector.extract %slice3A_432[0] : i32 from vector<1xi32>
      %mul3A_434 = arith.constant 16 : i32
      %mul3A_435 = arith.muli %scan3A_30, %mul3A_434 : i32
      %add3A_436 = arith.constant 11 : i32
      %add3A_437 = arith.addi %mul3A_435, %add3A_436 : i32
      %dma_start3A_438 = arith.constant 3 : i32
      %dma_start3A_439 = arith.constant 0 : i32
      %dma_start3A_440 = tpu.memref_slice %arg11[%add3A_437, %dma_start3A_439] : memref<256x14xf32, #tpu.memory_space<vmem>> -> memref<1x14xf32, #tpu.memory_space<vmem>>
      %dma_start3A_441 = arith.constant 0 : i32
      %dma_start3A_442 = tpu.memref_slice %arg5[%squeeze3A_433, %dma_start3A_441] : memref<1000000x14xf32, #tpu.memory_space<hbm>> -> memref<1x14xf32, #tpu.memory_space<hbm>>
      %dma_start3A_443 = tpu.memref_slice %arg13[%dma_start3A_438] : memref<8x!tpu.dma_semaphore, #tpu.memory_space<semaphore_mem>> -> memref<1x!tpu.dma_semaphore, #tpu.memory_space<semaphore_mem>>
      %dma_start3A_444 = tpu.memref_squeeze %dma_start3A_443 : memref<1x!tpu.dma_semaphore, #tpu.memory_space<semaphore_mem>> -> memref<!tpu.dma_semaphore, #tpu.memory_space<semaphore_mem>>
      %dma_start3A_445 = arith.constant 0 : i32
      %dma_start3A_446 = tpu.memref_slice %arg11[%add3A_437, %dma_start3A_445] : memref<256x14xf32, #tpu.memory_space<vmem>> -> memref<1x14xf32, #tpu.memory_space<vmem>>
      %dma_start3A_447 = arith.constant 0 : i32
      %dma_start3A_448 = tpu.memref_slice %arg5[%squeeze3A_433, %dma_start3A_447] : memref<1000000x14xf32, #tpu.memory_space<hbm>> -> memref<1x14xf32, #tpu.memory_space<hbm>>
      tpu.enqueue_dma source(%dma_start3A_448 : memref<1x14xf32, #tpu.memory_space<hbm>>) target(%dma_start3A_446 : memref<1x14xf32, #tpu.memory_space<vmem>>) target_semaphore(%dma_start3A_444 : memref<!tpu.dma_semaphore, #tpu.memory_space<semaphore_mem>>)
      %slice3A_449 = vector.extract_strided_slice %get3A_36 {offsets = [12], sizes = [1], strides = [1]} : vector<16xi32> to vector<1xi32>
      %squeeze3A_450 = vector.extract %slice3A_449[0] : i32 from vector<1xi32>
      %mul3A_451 = arith.constant 16 : i32
      %mul3A_452 = arith.muli %scan3A_30, %mul3A_451 : i32
      %add3A_453 = arith.constant 12 : i32
      %add3A_454 = arith.addi %mul3A_452, %add3A_453 : i32
      %dma_start3A_455 = arith.constant 4 : i32
      %dma_start3A_456 = arith.constant 0 : i32
      %dma_start3A_457 = tpu.memref_slice %arg10[%add3A_454, %dma_start3A_456] : memref<256x32xf32, #tpu.memory_space<vmem>> -> memref<1x32xf32, #tpu.memory_space<vmem>>
      %dma_start3A_458 = arith.constant 0 : i32
      %dma_start3A_459 = tpu.memref_slice %arg4[%squeeze3A_450, %dma_start3A_458] : memref<1000000x32xf32, #tpu.memory_space<hbm>> -> memref<1x32xf32, #tpu.memory_space<hbm>>
      %dma_start3A_460 = tpu.memref_slice %arg12[%dma_start3A_455] : memref<8x!tpu.dma_semaphore, #tpu.memory_space<semaphore_mem>> -> memref<1x!tpu.dma_semaphore, #tpu.memory_space<semaphore_mem>>
      %dma_start3A_461 = tpu.memref_squeeze %dma_start3A_460 : memref<1x!tpu.dma_semaphore, #tpu.memory_space<semaphore_mem>> -> memref<!tpu.dma_semaphore, #tpu.memory_space<semaphore_mem>>
      %dma_start3A_462 = arith.constant 0 : i32
      %dma_start3A_463 = tpu.memref_slice %arg10[%add3A_454, %dma_start3A_462] : memref<256x32xf32, #tpu.memory_space<vmem>> -> memref<1x32xf32, #tpu.memory_space<vmem>>
      %dma_start3A_464 = arith.constant 0 : i32
      %dma_start3A_465 = tpu.memref_slice %arg4[%squeeze3A_450, %dma_start3A_464] : memref<1000000x32xf32, #tpu.memory_space<hbm>> -> memref<1x32xf32, #tpu.memory_space<hbm>>
      tpu.enqueue_dma source(%dma_start3A_465 : memref<1x32xf32, #tpu.memory_space<hbm>>) target(%dma_start3A_463 : memref<1x32xf32, #tpu.memory_space<vmem>>) target_semaphore(%dma_start3A_461 : memref<!tpu.dma_semaphore, #tpu.memory_space<semaphore_mem>>)
      %slice3A_466 = vector.extract_strided_slice %get3A_43 {offsets = [12], sizes = [1], strides = [1]} : vector<16xi32> to vector<1xi32>
      %squeeze3A_467 = vector.extract %slice3A_466[0] : i32 from vector<1xi32>
      %mul3A_468 = arith.constant 16 : i32
      %mul3A_469 = arith.muli %scan3A_30, %mul3A_468 : i32
      %add3A_470 = arith.constant 12 : i32
      %add3A_471 = arith.addi %mul3A_469, %add3A_470 : i32
      %dma_start3A_472 = arith.constant 4 : i32
      %dma_start3A_473 = arith.constant 0 : i32
      %dma_start3A_474 = tpu.memref_slice %arg11[%add3A_471, %dma_start3A_473] : memref<256x14xf32, #tpu.memory_space<vmem>> -> memref<1x14xf32, #tpu.memory_space<vmem>>
      %dma_start3A_475 = arith.constant 0 : i32
      %dma_start3A_476 = tpu.memref_slice %arg5[%squeeze3A_467, %dma_start3A_475] : memref<1000000x14xf32, #tpu.memory_space<hbm>> -> memref<1x14xf32, #tpu.memory_space<hbm>>
      %dma_start3A_477 = tpu.memref_slice %arg13[%dma_start3A_472] : memref<8x!tpu.dma_semaphore, #tpu.memory_space<semaphore_mem>> -> memref<1x!tpu.dma_semaphore, #tpu.memory_space<semaphore_mem>>
      %dma_start3A_478 = tpu.memref_squeeze %dma_start3A_477 : memref<1x!tpu.dma_semaphore, #tpu.memory_space<semaphore_mem>> -> memref<!tpu.dma_semaphore, #tpu.memory_space<semaphore_mem>>
      %dma_start3A_479 = arith.constant 0 : i32
      %dma_start3A_480 = tpu.memref_slice %arg11[%add3A_471, %dma_start3A_479] : memref<256x14xf32, #tpu.memory_space<vmem>> -> memref<1x14xf32, #tpu.memory_space<vmem>>
      %dma_start3A_481 = arith.constant 0 : i32
      %dma_start3A_482 = tpu.memref_slice %arg5[%squeeze3A_467, %dma_start3A_481] : memref<1000000x14xf32, #tpu.memory_space<hbm>> -> memref<1x14xf32, #tpu.memory_space<hbm>>
      tpu.enqueue_dma source(%dma_start3A_482 : memref<1x14xf32, #tpu.memory_space<hbm>>) target(%dma_start3A_480 : memref<1x14xf32, #tpu.memory_space<vmem>>) target_semaphore(%dma_start3A_478 : memref<!tpu.dma_semaphore, #tpu.memory_space<semaphore_mem>>)
      %slice3A_483 = vector.extract_strided_slice %get3A_36 {offsets = [13], sizes = [1], strides = [1]} : vector<16xi32> to vector<1xi32>
      %squeeze3A_484 = vector.extract %slice3A_483[0] : i32 from vector<1xi32>
      %mul3A_485 = arith.constant 16 : i32
      %mul3A_486 = arith.muli %scan3A_30, %mul3A_485 : i32
      %add3A_487 = arith.constant 13 : i32
      %add3A_488 = arith.addi %mul3A_486, %add3A_487 : i32
      %dma_start3A_489 = arith.constant 5 : i32
      %dma_start3A_490 = arith.constant 0 : i32
      %dma_start3A_491 = tpu.memref_slice %arg10[%add3A_488, %dma_start3A_490] : memref<256x32xf32, #tpu.memory_space<vmem>> -> memref<1x32xf32, #tpu.memory_space<vmem>>
      %dma_start3A_492 = arith.constant 0 : i32
      %dma_start3A_493 = tpu.memref_slice %arg4[%squeeze3A_484, %dma_start3A_492] : memref<1000000x32xf32, #tpu.memory_space<hbm>> -> memref<1x32xf32, #tpu.memory_space<hbm>>
      %dma_start3A_494 = tpu.memref_slice %arg12[%dma_start3A_489] : memref<8x!tpu.dma_semaphore, #tpu.memory_space<semaphore_mem>> -> memref<1x!tpu.dma_semaphore, #tpu.memory_space<semaphore_mem>>
      %dma_start3A_495 = tpu.memref_squeeze %dma_start3A_494 : memref<1x!tpu.dma_semaphore, #tpu.memory_space<semaphore_mem>> -> memref<!tpu.dma_semaphore, #tpu.memory_space<semaphore_mem>>
      %dma_start3A_496 = arith.constant 0 : i32
      %dma_start3A_497 = tpu.memref_slice %arg10[%add3A_488, %dma_start3A_496] : memref<256x32xf32, #tpu.memory_space<vmem>> -> memref<1x32xf32, #tpu.memory_space<vmem>>
      %dma_start3A_498 = arith.constant 0 : i32
      %dma_start3A_499 = tpu.memref_slice %arg4[%squeeze3A_484, %dma_start3A_498] : memref<1000000x32xf32, #tpu.memory_space<hbm>> -> memref<1x32xf32, #tpu.memory_space<hbm>>
      tpu.enqueue_dma source(%dma_start3A_499 : memref<1x32xf32, #tpu.memory_space<hbm>>) target(%dma_start3A_497 : memref<1x32xf32, #tpu.memory_space<vmem>>) target_semaphore(%dma_start3A_495 : memref<!tpu.dma_semaphore, #tpu.memory_space<semaphore_mem>>)
      %slice3A_500 = vector.extract_strided_slice %get3A_43 {offsets = [13], sizes = [1], strides = [1]} : vector<16xi32> to vector<1xi32>
      %squeeze3A_501 = vector.extract %slice3A_500[0] : i32 from vector<1xi32>
      %mul3A_502 = arith.constant 16 : i32
      %mul3A_503 = arith.muli %scan3A_30, %mul3A_502 : i32
      %add3A_504 = arith.constant 13 : i32
      %add3A_505 = arith.addi %mul3A_503, %add3A_504 : i32
      %dma_start3A_506 = arith.constant 5 : i32
      %dma_start3A_507 = arith.constant 0 : i32
      %dma_start3A_508 = tpu.memref_slice %arg11[%add3A_505, %dma_start3A_507] : memref<256x14xf32, #tpu.memory_space<vmem>> -> memref<1x14xf32, #tpu.memory_space<vmem>>
      %dma_start3A_509 = arith.constant 0 : i32
      %dma_start3A_510 = tpu.memref_slice %arg5[%squeeze3A_501, %dma_start3A_509] : memref<1000000x14xf32, #tpu.memory_space<hbm>> -> memref<1x14xf32, #tpu.memory_space<hbm>>
      %dma_start3A_511 = tpu.memref_slice %arg13[%dma_start3A_506] : memref<8x!tpu.dma_semaphore, #tpu.memory_space<semaphore_mem>> -> memref<1x!tpu.dma_semaphore, #tpu.memory_space<semaphore_mem>>
      %dma_start3A_512 = tpu.memref_squeeze %dma_start3A_511 : memref<1x!tpu.dma_semaphore, #tpu.memory_space<semaphore_mem>> -> memref<!tpu.dma_semaphore, #tpu.memory_space<semaphore_mem>>
      %dma_start3A_513 = arith.constant 0 : i32
      %dma_start3A_514 = tpu.memref_slice %arg11[%add3A_505, %dma_start3A_513] : memref<256x14xf32, #tpu.memory_space<vmem>> -> memref<1x14xf32, #tpu.memory_space<vmem>>
      %dma_start3A_515 = arith.constant 0 : i32
      %dma_start3A_516 = tpu.memref_slice %arg5[%squeeze3A_501, %dma_start3A_515] : memref<1000000x14xf32, #tpu.memory_space<hbm>> -> memref<1x14xf32, #tpu.memory_space<hbm>>
      tpu.enqueue_dma source(%dma_start3A_516 : memref<1x14xf32, #tpu.memory_space<hbm>>) target(%dma_start3A_514 : memref<1x14xf32, #tpu.memory_space<vmem>>) target_semaphore(%dma_start3A_512 : memref<!tpu.dma_semaphore, #tpu.memory_space<semaphore_mem>>)
      %slice3A_517 = vector.extract_strided_slice %get3A_36 {offsets = [14], sizes = [1], strides = [1]} : vector<16xi32> to vector<1xi32>
      %squeeze3A_518 = vector.extract %slice3A_517[0] : i32 from vector<1xi32>
      %mul3A_519 = arith.constant 16 : i32
      %mul3A_520 = arith.muli %scan3A_30, %mul3A_519 : i32
      %add3A_521 = arith.constant 14 : i32
      %add3A_522 = arith.addi %mul3A_520, %add3A_521 : i32
      %dma_start3A_523 = arith.constant 6 : i32
      %dma_start3A_524 = arith.constant 0 : i32
      %dma_start3A_525 = tpu.memref_slice %arg10[%add3A_522, %dma_start3A_524] : memref<256x32xf32, #tpu.memory_space<vmem>> -> memref<1x32xf32, #tpu.memory_space<vmem>>
      %dma_start3A_526 = arith.constant 0 : i32
      %dma_start3A_527 = tpu.memref_slice %arg4[%squeeze3A_518, %dma_start3A_526] : memref<1000000x32xf32, #tpu.memory_space<hbm>> -> memref<1x32xf32, #tpu.memory_space<hbm>>
      %dma_start3A_528 = tpu.memref_slice %arg12[%dma_start3A_523] : memref<8x!tpu.dma_semaphore, #tpu.memory_space<semaphore_mem>> -> memref<1x!tpu.dma_semaphore, #tpu.memory_space<semaphore_mem>>
      %dma_start3A_529 = tpu.memref_squeeze %dma_start3A_528 : memref<1x!tpu.dma_semaphore, #tpu.memory_space<semaphore_mem>> -> memref<!tpu.dma_semaphore, #tpu.memory_space<semaphore_mem>>
      %dma_start3A_530 = arith.constant 0 : i32
      %dma_start3A_531 = tpu.memref_slice %arg10[%add3A_522, %dma_start3A_530] : memref<256x32xf32, #tpu.memory_space<vmem>> -> memref<1x32xf32, #tpu.memory_space<vmem>>
      %dma_start3A_532 = arith.constant 0 : i32
      %dma_start3A_533 = tpu.memref_slice %arg4[%squeeze3A_518, %dma_start3A_532] : memref<1000000x32xf32, #tpu.memory_space<hbm>> -> memref<1x32xf32, #tpu.memory_space<hbm>>
      tpu.enqueue_dma source(%dma_start3A_533 : memref<1x32xf32, #tpu.memory_space<hbm>>) target(%dma_start3A_531 : memref<1x32xf32, #tpu.memory_space<vmem>>) target_semaphore(%dma_start3A_529 : memref<!tpu.dma_semaphore, #tpu.memory_space<semaphore_mem>>)
      %slice3A_534 = vector.extract_strided_slice %get3A_43 {offsets = [14], sizes = [1], strides = [1]} : vector<16xi32> to vector<1xi32>
      %squeeze3A_535 = vector.extract %slice3A_534[0] : i32 from vector<1xi32>
      %mul3A_536 = arith.constant 16 : i32
      %mul3A_537 = arith.muli %scan3A_30, %mul3A_536 : i32
      %add3A_538 = arith.constant 14 : i32
      %add3A_539 = arith.addi %mul3A_537, %add3A_538 : i32
      %dma_start3A_540 = arith.constant 6 : i32
      %dma_start3A_541 = arith.constant 0 : i32
      %dma_start3A_542 = tpu.memref_slice %arg11[%add3A_539, %dma_start3A_541] : memref<256x14xf32, #tpu.memory_space<vmem>> -> memref<1x14xf32, #tpu.memory_space<vmem>>
      %dma_start3A_543 = arith.constant 0 : i32
      %dma_start3A_544 = tpu.memref_slice %arg5[%squeeze3A_535, %dma_start3A_543] : memref<1000000x14xf32, #tpu.memory_space<hbm>> -> memref<1x14xf32, #tpu.memory_space<hbm>>
      %dma_start3A_545 = tpu.memref_slice %arg13[%dma_start3A_540] : memref<8x!tpu.dma_semaphore, #tpu.memory_space<semaphore_mem>> -> memref<1x!tpu.dma_semaphore, #tpu.memory_space<semaphore_mem>>
      %dma_start3A_546 = tpu.memref_squeeze %dma_start3A_545 : memref<1x!tpu.dma_semaphore, #tpu.memory_space<semaphore_mem>> -> memref<!tpu.dma_semaphore, #tpu.memory_space<semaphore_mem>>
      %dma_start3A_547 = arith.constant 0 : i32
      %dma_start3A_548 = tpu.memref_slice %arg11[%add3A_539, %dma_start3A_547] : memref<256x14xf32, #tpu.memory_space<vmem>> -> memref<1x14xf32, #tpu.memory_space<vmem>>
      %dma_start3A_549 = arith.constant 0 : i32
      %dma_start3A_550 = tpu.memref_slice %arg5[%squeeze3A_535, %dma_start3A_549] : memref<1000000x14xf32, #tpu.memory_space<hbm>> -> memref<1x14xf32, #tpu.memory_space<hbm>>
      tpu.enqueue_dma source(%dma_start3A_550 : memref<1x14xf32, #tpu.memory_space<hbm>>) target(%dma_start3A_548 : memref<1x14xf32, #tpu.memory_space<vmem>>) target_semaphore(%dma_start3A_546 : memref<!tpu.dma_semaphore, #tpu.memory_space<semaphore_mem>>)
      %slice3A_551 = vector.extract_strided_slice %get3A_36 {offsets = [15], sizes = [1], strides = [1]} : vector<16xi32> to vector<1xi32>
      %squeeze3A_552 = vector.extract %slice3A_551[0] : i32 from vector<1xi32>
      %mul3A_553 = arith.constant 16 : i32
      %mul3A_554 = arith.muli %scan3A_30, %mul3A_553 : i32
      %add3A_555 = arith.constant 15 : i32
      %add3A_556 = arith.addi %mul3A_554, %add3A_555 : i32
      %dma_start3A_557 = arith.constant 7 : i32
      %dma_start3A_558 = arith.constant 0 : i32
      %dma_start3A_559 = tpu.memref_slice %arg10[%add3A_556, %dma_start3A_558] : memref<256x32xf32, #tpu.memory_space<vmem>> -> memref<1x32xf32, #tpu.memory_space<vmem>>
      %dma_start3A_560 = arith.constant 0 : i32
      %dma_start3A_561 = tpu.memref_slice %arg4[%squeeze3A_552, %dma_start3A_560] : memref<1000000x32xf32, #tpu.memory_space<hbm>> -> memref<1x32xf32, #tpu.memory_space<hbm>>
      %dma_start3A_562 = tpu.memref_slice %arg12[%dma_start3A_557] : memref<8x!tpu.dma_semaphore, #tpu.memory_space<semaphore_mem>> -> memref<1x!tpu.dma_semaphore, #tpu.memory_space<semaphore_mem>>
      %dma_start3A_563 = tpu.memref_squeeze %dma_start3A_562 : memref<1x!tpu.dma_semaphore, #tpu.memory_space<semaphore_mem>> -> memref<!tpu.dma_semaphore, #tpu.memory_space<semaphore_mem>>
      %dma_start3A_564 = arith.constant 0 : i32
      %dma_start3A_565 = tpu.memref_slice %arg10[%add3A_556, %dma_start3A_564] : memref<256x32xf32, #tpu.memory_space<vmem>> -> memref<1x32xf32, #tpu.memory_space<vmem>>
      %dma_start3A_566 = arith.constant 0 : i32
      %dma_start3A_567 = tpu.memref_slice %arg4[%squeeze3A_552, %dma_start3A_566] : memref<1000000x32xf32, #tpu.memory_space<hbm>> -> memref<1x32xf32, #tpu.memory_space<hbm>>
      tpu.enqueue_dma source(%dma_start3A_567 : memref<1x32xf32, #tpu.memory_space<hbm>>) target(%dma_start3A_565 : memref<1x32xf32, #tpu.memory_space<vmem>>) target_semaphore(%dma_start3A_563 : memref<!tpu.dma_semaphore, #tpu.memory_space<semaphore_mem>>)
      %slice3A_568 = vector.extract_strided_slice %get3A_43 {offsets = [15], sizes = [1], strides = [1]} : vector<16xi32> to vector<1xi32>
      %squeeze3A_569 = vector.extract %slice3A_568[0] : i32 from vector<1xi32>
      %mul3A_570 = arith.constant 16 : i32
      %mul3A_571 = arith.muli %scan3A_30, %mul3A_570 : i32
      %add3A_572 = arith.constant 15 : i32
      %add3A_573 = arith.addi %mul3A_571, %add3A_572 : i32
      %dma_start3A_574 = arith.constant 7 : i32
      %dma_start3A_575 = arith.constant 0 : i32
      %dma_start3A_576 = tpu.memref_slice %arg11[%add3A_573, %dma_start3A_575] : memref<256x14xf32, #tpu.memory_space<vmem>> -> memref<1x14xf32, #tpu.memory_space<vmem>>
      %dma_start3A_577 = arith.constant 0 : i32
      %dma_start3A_578 = tpu.memref_slice %arg5[%squeeze3A_569, %dma_start3A_577] : memref<1000000x14xf32, #tpu.memory_space<hbm>> -> memref<1x14xf32, #tpu.memory_space<hbm>>
      %dma_start3A_579 = tpu.memref_slice %arg13[%dma_start3A_574] : memref<8x!tpu.dma_semaphore, #tpu.memory_space<semaphore_mem>> -> memref<1x!tpu.dma_semaphore, #tpu.memory_space<semaphore_mem>>
      %dma_start3A_580 = tpu.memref_squeeze %dma_start3A_579 : memref<1x!tpu.dma_semaphore, #tpu.memory_space<semaphore_mem>> -> memref<!tpu.dma_semaphore, #tpu.memory_space<semaphore_mem>>
      %dma_start3A_581 = arith.constant 0 : i32
      %dma_start3A_582 = tpu.memref_slice %arg11[%add3A_573, %dma_start3A_581] : memref<256x14xf32, #tpu.memory_space<vmem>> -> memref<1x14xf32, #tpu.memory_space<vmem>>
      %dma_start3A_583 = arith.constant 0 : i32
      %dma_start3A_584 = tpu.memref_slice %arg5[%squeeze3A_569, %dma_start3A_583] : memref<1000000x14xf32, #tpu.memory_space<hbm>> -> memref<1x14xf32, #tpu.memory_space<hbm>>
      tpu.enqueue_dma source(%dma_start3A_584 : memref<1x14xf32, #tpu.memory_space<hbm>>) target(%dma_start3A_582 : memref<1x14xf32, #tpu.memory_space<vmem>>) target_semaphore(%dma_start3A_580 : memref<!tpu.dma_semaphore, #tpu.memory_space<semaphore_mem>>)
    }
    %scan3A_20 = arith.constant 16 : i32
    %scan3A_21 = arith.constant 0 : i32
    %scan3A_22 = arith.constant 32 : i32
    %scan3A_23 = arith.addi %scan3A_21, %scan3A_22 : i32
    %scan3A_24 = arith.constant 1 : i32
    scf.for %scan3A_30 = %scan3A_21 to %scan3A_23 step %scan3A_24  : i32 {
      %dma_wait3A = arith.constant 0 : i32
      %dma_wait3A_31 = arith.constant 0 : i32
      %dma_wait3A_32 = arith.constant 0 : i32
      %dma_wait3A_33 = tpu.memref_slice %arg10[%dma_wait3A_31, %dma_wait3A_32] : memref<256x32xf32, #tpu.memory_space<vmem>> -> memref<1x32xf32, #tpu.memory_space<vmem>>
      %dma_wait3A_34 = arith.constant 0 : i32
      %dma_wait3A_35 = arith.constant 0 : i32
      %dma_wait3A_36 = tpu.memref_slice %arg4[%dma_wait3A_34, %dma_wait3A_35] : memref<1000000x32xf32, #tpu.memory_space<hbm>> -> memref<1x32xf32, #tpu.memory_space<hbm>>
      %dma_wait3A_37 = tpu.memref_slice %arg12[%dma_wait3A] : memref<8x!tpu.dma_semaphore, #tpu.memory_space<semaphore_mem>> -> memref<1x!tpu.dma_semaphore, #tpu.memory_space<semaphore_mem>>
      %dma_wait3A_38 = tpu.memref_squeeze %dma_wait3A_37 : memref<1x!tpu.dma_semaphore, #tpu.memory_space<semaphore_mem>> -> memref<!tpu.dma_semaphore, #tpu.memory_space<semaphore_mem>>
      %dma_wait3A_39 = arith.constant 0 : i32
      %dma_wait3A_40 = arith.constant 0 : i32
      %dma_wait3A_41 = tpu.memref_slice %arg10[%dma_wait3A_39, %dma_wait3A_40] : memref<256x32xf32, #tpu.memory_space<vmem>> -> memref<1x32xf32, #tpu.memory_space<vmem>>
      %dma_wait3A_42 = arith.constant 0 : i32
      %dma_wait3A_43 = arith.constant 0 : i32
      %dma_wait3A_44 = tpu.memref_slice %arg4[%dma_wait3A_42, %dma_wait3A_43] : memref<1000000x32xf32, #tpu.memory_space<hbm>> -> memref<1x32xf32, #tpu.memory_space<hbm>>
      tpu.wait_dma2 semaphore(%dma_wait3A_38 : memref<!tpu.dma_semaphore, #tpu.memory_space<semaphore_mem>>) src(%dma_wait3A_44 : memref<1x32xf32, #tpu.memory_space<hbm>>) dst(%dma_wait3A_41 : memref<1x32xf32, #tpu.memory_space<vmem>>)
      %dma_wait3A_45 = arith.constant 0 : i32
      %dma_wait3A_46 = arith.constant 0 : i32
      %dma_wait3A_47 = arith.constant 0 : i32
      %dma_wait3A_48 = tpu.memref_slice %arg11[%dma_wait3A_46, %dma_wait3A_47] : memref<256x14xf32, #tpu.memory_space<vmem>> -> memref<1x14xf32, #tpu.memory_space<vmem>>
      %dma_wait3A_49 = arith.constant 0 : i32
      %dma_wait3A_50 = arith.constant 0 : i32
      %dma_wait3A_51 = tpu.memref_slice %arg5[%dma_wait3A_49, %dma_wait3A_50] : memref<1000000x14xf32, #tpu.memory_space<hbm>> -> memref<1x14xf32, #tpu.memory_space<hbm>>
      %dma_wait3A_52 = tpu.memref_slice %arg13[%dma_wait3A_45] : memref<8x!tpu.dma_semaphore, #tpu.memory_space<semaphore_mem>> -> memref<1x!tpu.dma_semaphore, #tpu.memory_space<semaphore_mem>>
      %dma_wait3A_53 = tpu.memref_squeeze %dma_wait3A_52 : memref<1x!tpu.dma_semaphore, #tpu.memory_space<semaphore_mem>> -> memref<!tpu.dma_semaphore, #tpu.memory_space<semaphore_mem>>
      %dma_wait3A_54 = arith.constant 0 : i32
      %dma_wait3A_55 = arith.constant 0 : i32
      %dma_wait3A_56 = tpu.memref_slice %arg11[%dma_wait3A_54, %dma_wait3A_55] : memref<256x14xf32, #tpu.memory_space<vmem>> -> memref<1x14xf32, #tpu.memory_space<vmem>>
      %dma_wait3A_57 = arith.constant 0 : i32
      %dma_wait3A_58 = arith.constant 0 : i32
      %dma_wait3A_59 = tpu.memref_slice %arg5[%dma_wait3A_57, %dma_wait3A_58] : memref<1000000x14xf32, #tpu.memory_space<hbm>> -> memref<1x14xf32, #tpu.memory_space<hbm>>
      tpu.wait_dma2 semaphore(%dma_wait3A_53 : memref<!tpu.dma_semaphore, #tpu.memory_space<semaphore_mem>>) src(%dma_wait3A_59 : memref<1x14xf32, #tpu.memory_space<hbm>>) dst(%dma_wait3A_56 : memref<1x14xf32, #tpu.memory_space<vmem>>)
      %dma_wait3A_60 = arith.constant 1 : i32
      %dma_wait3A_61 = arith.constant 0 : i32
      %dma_wait3A_62 = arith.constant 0 : i32
      %dma_wait3A_63 = tpu.memref_slice %arg10[%dma_wait3A_61, %dma_wait3A_62] : memref<256x32xf32, #tpu.memory_space<vmem>> -> memref<1x32xf32, #tpu.memory_space<vmem>>
      %dma_wait3A_64 = arith.constant 0 : i32
      %dma_wait3A_65 = arith.constant 0 : i32
      %dma_wait3A_66 = tpu.memref_slice %arg4[%dma_wait3A_64, %dma_wait3A_65] : memref<1000000x32xf32, #tpu.memory_space<hbm>> -> memref<1x32xf32, #tpu.memory_space<hbm>>
      %dma_wait3A_67 = tpu.memref_slice %arg12[%dma_wait3A_60] : memref<8x!tpu.dma_semaphore, #tpu.memory_space<semaphore_mem>> -> memref<1x!tpu.dma_semaphore, #tpu.memory_space<semaphore_mem>>
      %dma_wait3A_68 = tpu.memref_squeeze %dma_wait3A_67 : memref<1x!tpu.dma_semaphore, #tpu.memory_space<semaphore_mem>> -> memref<!tpu.dma_semaphore, #tpu.memory_space<semaphore_mem>>
      %dma_wait3A_69 = arith.constant 0 : i32
      %dma_wait3A_70 = arith.constant 0 : i32
      %dma_wait3A_71 = tpu.memref_slice %arg10[%dma_wait3A_69, %dma_wait3A_70] : memref<256x32xf32, #tpu.memory_space<vmem>> -> memref<1x32xf32, #tpu.memory_space<vmem>>
      %dma_wait3A_72 = arith.constant 0 : i32
      %dma_wait3A_73 = arith.constant 0 : i32
      %dma_wait3A_74 = tpu.memref_slice %arg4[%dma_wait3A_72, %dma_wait3A_73] : memref<1000000x32xf32, #tpu.memory_space<hbm>> -> memref<1x32xf32, #tpu.memory_space<hbm>>
      tpu.wait_dma2 semaphore(%dma_wait3A_68 : memref<!tpu.dma_semaphore, #tpu.memory_space<semaphore_mem>>) src(%dma_wait3A_74 : memref<1x32xf32, #tpu.memory_space<hbm>>) dst(%dma_wait3A_71 : memref<1x32xf32, #tpu.memory_space<vmem>>)
      %dma_wait3A_75 = arith.constant 1 : i32
      %dma_wait3A_76 = arith.constant 0 : i32
      %dma_wait3A_77 = arith.constant 0 : i32
      %dma_wait3A_78 = tpu.memref_slice %arg11[%dma_wait3A_76, %dma_wait3A_77] : memref<256x14xf32, #tpu.memory_space<vmem>> -> memref<1x14xf32, #tpu.memory_space<vmem>>
      %dma_wait3A_79 = arith.constant 0 : i32
      %dma_wait3A_80 = arith.constant 0 : i32
      %dma_wait3A_81 = tpu.memref_slice %arg5[%dma_wait3A_79, %dma_wait3A_80] : memref<1000000x14xf32, #tpu.memory_space<hbm>> -> memref<1x14xf32, #tpu.memory_space<hbm>>
      %dma_wait3A_82 = tpu.memref_slice %arg13[%dma_wait3A_75] : memref<8x!tpu.dma_semaphore, #tpu.memory_space<semaphore_mem>> -> memref<1x!tpu.dma_semaphore, #tpu.memory_space<semaphore_mem>>
      %dma_wait3A_83 = tpu.memref_squeeze %dma_wait3A_82 : memref<1x!tpu.dma_semaphore, #tpu.memory_space<semaphore_mem>> -> memref<!tpu.dma_semaphore, #tpu.memory_space<semaphore_mem>>
      %dma_wait3A_84 = arith.constant 0 : i32
      %dma_wait3A_85 = arith.constant 0 : i32
      %dma_wait3A_86 = tpu.memref_slice %arg11[%dma_wait3A_84, %dma_wait3A_85] : memref<256x14xf32, #tpu.memory_space<vmem>> -> memref<1x14xf32, #tpu.memory_space<vmem>>
      %dma_wait3A_87 = arith.constant 0 : i32
      %dma_wait3A_88 = arith.constant 0 : i32
      %dma_wait3A_89 = tpu.memref_slice %arg5[%dma_wait3A_87, %dma_wait3A_88] : memref<1000000x14xf32, #tpu.memory_space<hbm>> -> memref<1x14xf32, #tpu.memory_space<hbm>>
      tpu.wait_dma2 semaphore(%dma_wait3A_83 : memref<!tpu.dma_semaphore, #tpu.memory_space<semaphore_mem>>) src(%dma_wait3A_89 : memref<1x14xf32, #tpu.memory_space<hbm>>) dst(%dma_wait3A_86 : memref<1x14xf32, #tpu.memory_space<vmem>>)
      %dma_wait3A_90 = arith.constant 2 : i32
      %dma_wait3A_91 = arith.constant 0 : i32
      %dma_wait3A_92 = arith.constant 0 : i32
      %dma_wait3A_93 = tpu.memref_slice %arg10[%dma_wait3A_91, %dma_wait3A_92] : memref<256x32xf32, #tpu.memory_space<vmem>> -> memref<1x32xf32, #tpu.memory_space<vmem>>
      %dma_wait3A_94 = arith.constant 0 : i32
      %dma_wait3A_95 = arith.constant 0 : i32
      %dma_wait3A_96 = tpu.memref_slice %arg4[%dma_wait3A_94, %dma_wait3A_95] : memref<1000000x32xf32, #tpu.memory_space<hbm>> -> memref<1x32xf32, #tpu.memory_space<hbm>>
      %dma_wait3A_97 = tpu.memref_slice %arg12[%dma_wait3A_90] : memref<8x!tpu.dma_semaphore, #tpu.memory_space<semaphore_mem>> -> memref<1x!tpu.dma_semaphore, #tpu.memory_space<semaphore_mem>>
      %dma_wait3A_98 = tpu.memref_squeeze %dma_wait3A_97 : memref<1x!tpu.dma_semaphore, #tpu.memory_space<semaphore_mem>> -> memref<!tpu.dma_semaphore, #tpu.memory_space<semaphore_mem>>
      %dma_wait3A_99 = arith.constant 0 : i32
      %dma_wait3A_100 = arith.constant 0 : i32
      %dma_wait3A_101 = tpu.memref_slice %arg10[%dma_wait3A_99, %dma_wait3A_100] : memref<256x32xf32, #tpu.memory_space<vmem>> -> memref<1x32xf32, #tpu.memory_space<vmem>>
      %dma_wait3A_102 = arith.constant 0 : i32
      %dma_wait3A_103 = arith.constant 0 : i32
      %dma_wait3A_104 = tpu.memref_slice %arg4[%dma_wait3A_102, %dma_wait3A_103] : memref<1000000x32xf32, #tpu.memory_space<hbm>> -> memref<1x32xf32, #tpu.memory_space<hbm>>
      tpu.wait_dma2 semaphore(%dma_wait3A_98 : memref<!tpu.dma_semaphore, #tpu.memory_space<semaphore_mem>>) src(%dma_wait3A_104 : memref<1x32xf32, #tpu.memory_space<hbm>>) dst(%dma_wait3A_101 : memref<1x32xf32, #tpu.memory_space<vmem>>)
      %dma_wait3A_105 = arith.constant 2 : i32
      %dma_wait3A_106 = arith.constant 0 : i32
      %dma_wait3A_107 = arith.constant 0 : i32
      %dma_wait3A_108 = tpu.memref_slice %arg11[%dma_wait3A_106, %dma_wait3A_107] : memref<256x14xf32, #tpu.memory_space<vmem>> -> memref<1x14xf32, #tpu.memory_space<vmem>>
      %dma_wait3A_109 = arith.constant 0 : i32
      %dma_wait3A_110 = arith.constant 0 : i32
      %dma_wait3A_111 = tpu.memref_slice %arg5[%dma_wait3A_109, %dma_wait3A_110] : memref<1000000x14xf32, #tpu.memory_space<hbm>> -> memref<1x14xf32, #tpu.memory_space<hbm>>
      %dma_wait3A_112 = tpu.memref_slice %arg13[%dma_wait3A_105] : memref<8x!tpu.dma_semaphore, #tpu.memory_space<semaphore_mem>> -> memref<1x!tpu.dma_semaphore, #tpu.memory_space<semaphore_mem>>
      %dma_wait3A_113 = tpu.memref_squeeze %dma_wait3A_112 : memref<1x!tpu.dma_semaphore, #tpu.memory_space<semaphore_mem>> -> memref<!tpu.dma_semaphore, #tpu.memory_space<semaphore_mem>>
      %dma_wait3A_114 = arith.constant 0 : i32
      %dma_wait3A_115 = arith.constant 0 : i32
      %dma_wait3A_116 = tpu.memref_slice %arg11[%dma_wait3A_114, %dma_wait3A_115] : memref<256x14xf32, #tpu.memory_space<vmem>> -> memref<1x14xf32, #tpu.memory_space<vmem>>
      %dma_wait3A_117 = arith.constant 0 : i32
      %dma_wait3A_118 = arith.constant 0 : i32
      %dma_wait3A_119 = tpu.memref_slice %arg5[%dma_wait3A_117, %dma_wait3A_118] : memref<1000000x14xf32, #tpu.memory_space<hbm>> -> memref<1x14xf32, #tpu.memory_space<hbm>>
      tpu.wait_dma2 semaphore(%dma_wait3A_113 : memref<!tpu.dma_semaphore, #tpu.memory_space<semaphore_mem>>) src(%dma_wait3A_119 : memref<1x14xf32, #tpu.memory_space<hbm>>) dst(%dma_wait3A_116 : memref<1x14xf32, #tpu.memory_space<vmem>>)
      %dma_wait3A_120 = arith.constant 3 : i32
      %dma_wait3A_121 = arith.constant 0 : i32
      %dma_wait3A_122 = arith.constant 0 : i32
      %dma_wait3A_123 = tpu.memref_slice %arg10[%dma_wait3A_121, %dma_wait3A_122] : memref<256x32xf32, #tpu.memory_space<vmem>> -> memref<1x32xf32, #tpu.memory_space<vmem>>
      %dma_wait3A_124 = arith.constant 0 : i32
      %dma_wait3A_125 = arith.constant 0 : i32
      %dma_wait3A_126 = tpu.memref_slice %arg4[%dma_wait3A_124, %dma_wait3A_125] : memref<1000000x32xf32, #tpu.memory_space<hbm>> -> memref<1x32xf32, #tpu.memory_space<hbm>>
      %dma_wait3A_127 = tpu.memref_slice %arg12[%dma_wait3A_120] : memref<8x!tpu.dma_semaphore, #tpu.memory_space<semaphore_mem>> -> memref<1x!tpu.dma_semaphore, #tpu.memory_space<semaphore_mem>>
      %dma_wait3A_128 = tpu.memref_squeeze %dma_wait3A_127 : memref<1x!tpu.dma_semaphore, #tpu.memory_space<semaphore_mem>> -> memref<!tpu.dma_semaphore, #tpu.memory_space<semaphore_mem>>
      %dma_wait3A_129 = arith.constant 0 : i32
      %dma_wait3A_130 = arith.constant 0 : i32
      %dma_wait3A_131 = tpu.memref_slice %arg10[%dma_wait3A_129, %dma_wait3A_130] : memref<256x32xf32, #tpu.memory_space<vmem>> -> memref<1x32xf32, #tpu.memory_space<vmem>>
      %dma_wait3A_132 = arith.constant 0 : i32
      %dma_wait3A_133 = arith.constant 0 : i32
      %dma_wait3A_134 = tpu.memref_slice %arg4[%dma_wait3A_132, %dma_wait3A_133] : memref<1000000x32xf32, #tpu.memory_space<hbm>> -> memref<1x32xf32, #tpu.memory_space<hbm>>
      tpu.wait_dma2 semaphore(%dma_wait3A_128 : memref<!tpu.dma_semaphore, #tpu.memory_space<semaphore_mem>>) src(%dma_wait3A_134 : memref<1x32xf32, #tpu.memory_space<hbm>>) dst(%dma_wait3A_131 : memref<1x32xf32, #tpu.memory_space<vmem>>)
      %dma_wait3A_135 = arith.constant 3 : i32
      %dma_wait3A_136 = arith.constant 0 : i32
      %dma_wait3A_137 = arith.constant 0 : i32
      %dma_wait3A_138 = tpu.memref_slice %arg11[%dma_wait3A_136, %dma_wait3A_137] : memref<256x14xf32, #tpu.memory_space<vmem>> -> memref<1x14xf32, #tpu.memory_space<vmem>>
      %dma_wait3A_139 = arith.constant 0 : i32
      %dma_wait3A_140 = arith.constant 0 : i32
      %dma_wait3A_141 = tpu.memref_slice %arg5[%dma_wait3A_139, %dma_wait3A_140] : memref<1000000x14xf32, #tpu.memory_space<hbm>> -> memref<1x14xf32, #tpu.memory_space<hbm>>
      %dma_wait3A_142 = tpu.memref_slice %arg13[%dma_wait3A_135] : memref<8x!tpu.dma_semaphore, #tpu.memory_space<semaphore_mem>> -> memref<1x!tpu.dma_semaphore, #tpu.memory_space<semaphore_mem>>
      %dma_wait3A_143 = tpu.memref_squeeze %dma_wait3A_142 : memref<1x!tpu.dma_semaphore, #tpu.memory_space<semaphore_mem>> -> memref<!tpu.dma_semaphore, #tpu.memory_space<semaphore_mem>>
      %dma_wait3A_144 = arith.constant 0 : i32
      %dma_wait3A_145 = arith.constant 0 : i32
      %dma_wait3A_146 = tpu.memref_slice %arg11[%dma_wait3A_144, %dma_wait3A_145] : memref<256x14xf32, #tpu.memory_space<vmem>> -> memref<1x14xf32, #tpu.memory_space<vmem>>
      %dma_wait3A_147 = arith.constant 0 : i32
      %dma_wait3A_148 = arith.constant 0 : i32
      %dma_wait3A_149 = tpu.memref_slice %arg5[%dma_wait3A_147, %dma_wait3A_148] : memref<1000000x14xf32, #tpu.memory_space<hbm>> -> memref<1x14xf32, #tpu.memory_space<hbm>>
      tpu.wait_dma2 semaphore(%dma_wait3A_143 : memref<!tpu.dma_semaphore, #tpu.memory_space<semaphore_mem>>) src(%dma_wait3A_149 : memref<1x14xf32, #tpu.memory_space<hbm>>) dst(%dma_wait3A_146 : memref<1x14xf32, #tpu.memory_space<vmem>>)
      %dma_wait3A_150 = arith.constant 4 : i32
      %dma_wait3A_151 = arith.constant 0 : i32
      %dma_wait3A_152 = arith.constant 0 : i32
      %dma_wait3A_153 = tpu.memref_slice %arg10[%dma_wait3A_151, %dma_wait3A_152] : memref<256x32xf32, #tpu.memory_space<vmem>> -> memref<1x32xf32, #tpu.memory_space<vmem>>
      %dma_wait3A_154 = arith.constant 0 : i32
      %dma_wait3A_155 = arith.constant 0 : i32
      %dma_wait3A_156 = tpu.memref_slice %arg4[%dma_wait3A_154, %dma_wait3A_155] : memref<1000000x32xf32, #tpu.memory_space<hbm>> -> memref<1x32xf32, #tpu.memory_space<hbm>>
      %dma_wait3A_157 = tpu.memref_slice %arg12[%dma_wait3A_150] : memref<8x!tpu.dma_semaphore, #tpu.memory_space<semaphore_mem>> -> memref<1x!tpu.dma_semaphore, #tpu.memory_space<semaphore_mem>>
      %dma_wait3A_158 = tpu.memref_squeeze %dma_wait3A_157 : memref<1x!tpu.dma_semaphore, #tpu.memory_space<semaphore_mem>> -> memref<!tpu.dma_semaphore, #tpu.memory_space<semaphore_mem>>
      %dma_wait3A_159 = arith.constant 0 : i32
      %dma_wait3A_160 = arith.constant 0 : i32
      %dma_wait3A_161 = tpu.memref_slice %arg10[%dma_wait3A_159, %dma_wait3A_160] : memref<256x32xf32, #tpu.memory_space<vmem>> -> memref<1x32xf32, #tpu.memory_space<vmem>>
      %dma_wait3A_162 = arith.constant 0 : i32
      %dma_wait3A_163 = arith.constant 0 : i32
      %dma_wait3A_164 = tpu.memref_slice %arg4[%dma_wait3A_162, %dma_wait3A_163] : memref<1000000x32xf32, #tpu.memory_space<hbm>> -> memref<1x32xf32, #tpu.memory_space<hbm>>
      tpu.wait_dma2 semaphore(%dma_wait3A_158 : memref<!tpu.dma_semaphore, #tpu.memory_space<semaphore_mem>>) src(%dma_wait3A_164 : memref<1x32xf32, #tpu.memory_space<hbm>>) dst(%dma_wait3A_161 : memref<1x32xf32, #tpu.memory_space<vmem>>)
      %dma_wait3A_165 = arith.constant 4 : i32
      %dma_wait3A_166 = arith.constant 0 : i32
      %dma_wait3A_167 = arith.constant 0 : i32
      %dma_wait3A_168 = tpu.memref_slice %arg11[%dma_wait3A_166, %dma_wait3A_167] : memref<256x14xf32, #tpu.memory_space<vmem>> -> memref<1x14xf32, #tpu.memory_space<vmem>>
      %dma_wait3A_169 = arith.constant 0 : i32
      %dma_wait3A_170 = arith.constant 0 : i32
      %dma_wait3A_171 = tpu.memref_slice %arg5[%dma_wait3A_169, %dma_wait3A_170] : memref<1000000x14xf32, #tpu.memory_space<hbm>> -> memref<1x14xf32, #tpu.memory_space<hbm>>
      %dma_wait3A_172 = tpu.memref_slice %arg13[%dma_wait3A_165] : memref<8x!tpu.dma_semaphore, #tpu.memory_space<semaphore_mem>> -> memref<1x!tpu.dma_semaphore, #tpu.memory_space<semaphore_mem>>
      %dma_wait3A_173 = tpu.memref_squeeze %dma_wait3A_172 : memref<1x!tpu.dma_semaphore, #tpu.memory_space<semaphore_mem>> -> memref<!tpu.dma_semaphore, #tpu.memory_space<semaphore_mem>>
      %dma_wait3A_174 = arith.constant 0 : i32
      %dma_wait3A_175 = arith.constant 0 : i32
      %dma_wait3A_176 = tpu.memref_slice %arg11[%dma_wait3A_174, %dma_wait3A_175] : memref<256x14xf32, #tpu.memory_space<vmem>> -> memref<1x14xf32, #tpu.memory_space<vmem>>
      %dma_wait3A_177 = arith.constant 0 : i32
      %dma_wait3A_178 = arith.constant 0 : i32
      %dma_wait3A_179 = tpu.memref_slice %arg5[%dma_wait3A_177, %dma_wait3A_178] : memref<1000000x14xf32, #tpu.memory_space<hbm>> -> memref<1x14xf32, #tpu.memory_space<hbm>>
      tpu.wait_dma2 semaphore(%dma_wait3A_173 : memref<!tpu.dma_semaphore, #tpu.memory_space<semaphore_mem>>) src(%dma_wait3A_179 : memref<1x14xf32, #tpu.memory_space<hbm>>) dst(%dma_wait3A_176 : memref<1x14xf32, #tpu.memory_space<vmem>>)
      %dma_wait3A_180 = arith.constant 5 : i32
      %dma_wait3A_181 = arith.constant 0 : i32
      %dma_wait3A_182 = arith.constant 0 : i32
      %dma_wait3A_183 = tpu.memref_slice %arg10[%dma_wait3A_181, %dma_wait3A_182] : memref<256x32xf32, #tpu.memory_space<vmem>> -> memref<1x32xf32, #tpu.memory_space<vmem>>
      %dma_wait3A_184 = arith.constant 0 : i32
      %dma_wait3A_185 = arith.constant 0 : i32
      %dma_wait3A_186 = tpu.memref_slice %arg4[%dma_wait3A_184, %dma_wait3A_185] : memref<1000000x32xf32, #tpu.memory_space<hbm>> -> memref<1x32xf32, #tpu.memory_space<hbm>>
      %dma_wait3A_187 = tpu.memref_slice %arg12[%dma_wait3A_180] : memref<8x!tpu.dma_semaphore, #tpu.memory_space<semaphore_mem>> -> memref<1x!tpu.dma_semaphore, #tpu.memory_space<semaphore_mem>>
      %dma_wait3A_188 = tpu.memref_squeeze %dma_wait3A_187 : memref<1x!tpu.dma_semaphore, #tpu.memory_space<semaphore_mem>> -> memref<!tpu.dma_semaphore, #tpu.memory_space<semaphore_mem>>
      %dma_wait3A_189 = arith.constant 0 : i32
      %dma_wait3A_190 = arith.constant 0 : i32
      %dma_wait3A_191 = tpu.memref_slice %arg10[%dma_wait3A_189, %dma_wait3A_190] : memref<256x32xf32, #tpu.memory_space<vmem>> -> memref<1x32xf32, #tpu.memory_space<vmem>>
      %dma_wait3A_192 = arith.constant 0 : i32
      %dma_wait3A_193 = arith.constant 0 : i32
      %dma_wait3A_194 = tpu.memref_slice %arg4[%dma_wait3A_192, %dma_wait3A_193] : memref<1000000x32xf32, #tpu.memory_space<hbm>> -> memref<1x32xf32, #tpu.memory_space<hbm>>
      tpu.wait_dma2 semaphore(%dma_wait3A_188 : memref<!tpu.dma_semaphore, #tpu.memory_space<semaphore_mem>>) src(%dma_wait3A_194 : memref<1x32xf32, #tpu.memory_space<hbm>>) dst(%dma_wait3A_191 : memref<1x32xf32, #tpu.memory_space<vmem>>)
      %dma_wait3A_195 = arith.constant 5 : i32
      %dma_wait3A_196 = arith.constant 0 : i32
      %dma_wait3A_197 = arith.constant 0 : i32
      %dma_wait3A_198 = tpu.memref_slice %arg11[%dma_wait3A_196, %dma_wait3A_197] : memref<256x14xf32, #tpu.memory_space<vmem>> -> memref<1x14xf32, #tpu.memory_space<vmem>>
      %dma_wait3A_199 = arith.constant 0 : i32
      %dma_wait3A_200 = arith.constant 0 : i32
      %dma_wait3A_201 = tpu.memref_slice %arg5[%dma_wait3A_199, %dma_wait3A_200] : memref<1000000x14xf32, #tpu.memory_space<hbm>> -> memref<1x14xf32, #tpu.memory_space<hbm>>
      %dma_wait3A_202 = tpu.memref_slice %arg13[%dma_wait3A_195] : memref<8x!tpu.dma_semaphore, #tpu.memory_space<semaphore_mem>> -> memref<1x!tpu.dma_semaphore, #tpu.memory_space<semaphore_mem>>
      %dma_wait3A_203 = tpu.memref_squeeze %dma_wait3A_202 : memref<1x!tpu.dma_semaphore, #tpu.memory_space<semaphore_mem>> -> memref<!tpu.dma_semaphore, #tpu.memory_space<semaphore_mem>>
      %dma_wait3A_204 = arith.constant 0 : i32
      %dma_wait3A_205 = arith.constant 0 : i32
      %dma_wait3A_206 = tpu.memref_slice %arg11[%dma_wait3A_204, %dma_wait3A_205] : memref<256x14xf32, #tpu.memory_space<vmem>> -> memref<1x14xf32, #tpu.memory_space<vmem>>
      %dma_wait3A_207 = arith.constant 0 : i32
      %dma_wait3A_208 = arith.constant 0 : i32
      %dma_wait3A_209 = tpu.memref_slice %arg5[%dma_wait3A_207, %dma_wait3A_208] : memref<1000000x14xf32, #tpu.memory_space<hbm>> -> memref<1x14xf32, #tpu.memory_space<hbm>>
      tpu.wait_dma2 semaphore(%dma_wait3A_203 : memref<!tpu.dma_semaphore, #tpu.memory_space<semaphore_mem>>) src(%dma_wait3A_209 : memref<1x14xf32, #tpu.memory_space<hbm>>) dst(%dma_wait3A_206 : memref<1x14xf32, #tpu.memory_space<vmem>>)
      %dma_wait3A_210 = arith.constant 6 : i32
      %dma_wait3A_211 = arith.constant 0 : i32
      %dma_wait3A_212 = arith.constant 0 : i32
      %dma_wait3A_213 = tpu.memref_slice %arg10[%dma_wait3A_211, %dma_wait3A_212] : memref<256x32xf32, #tpu.memory_space<vmem>> -> memref<1x32xf32, #tpu.memory_space<vmem>>
      %dma_wait3A_214 = arith.constant 0 : i32
      %dma_wait3A_215 = arith.constant 0 : i32
      %dma_wait3A_216 = tpu.memref_slice %arg4[%dma_wait3A_214, %dma_wait3A_215] : memref<1000000x32xf32, #tpu.memory_space<hbm>> -> memref<1x32xf32, #tpu.memory_space<hbm>>
      %dma_wait3A_217 = tpu.memref_slice %arg12[%dma_wait3A_210] : memref<8x!tpu.dma_semaphore, #tpu.memory_space<semaphore_mem>> -> memref<1x!tpu.dma_semaphore, #tpu.memory_space<semaphore_mem>>
      %dma_wait3A_218 = tpu.memref_squeeze %dma_wait3A_217 : memref<1x!tpu.dma_semaphore, #tpu.memory_space<semaphore_mem>> -> memref<!tpu.dma_semaphore, #tpu.memory_space<semaphore_mem>>
      %dma_wait3A_219 = arith.constant 0 : i32
      %dma_wait3A_220 = arith.constant 0 : i32
      %dma_wait3A_221 = tpu.memref_slice %arg10[%dma_wait3A_219, %dma_wait3A_220] : memref<256x32xf32, #tpu.memory_space<vmem>> -> memref<1x32xf32, #tpu.memory_space<vmem>>
      %dma_wait3A_222 = arith.constant 0 : i32
      %dma_wait3A_223 = arith.constant 0 : i32
      %dma_wait3A_224 = tpu.memref_slice %arg4[%dma_wait3A_222, %dma_wait3A_223] : memref<1000000x32xf32, #tpu.memory_space<hbm>> -> memref<1x32xf32, #tpu.memory_space<hbm>>
      tpu.wait_dma2 semaphore(%dma_wait3A_218 : memref<!tpu.dma_semaphore, #tpu.memory_space<semaphore_mem>>) src(%dma_wait3A_224 : memref<1x32xf32, #tpu.memory_space<hbm>>) dst(%dma_wait3A_221 : memref<1x32xf32, #tpu.memory_space<vmem>>)
      %dma_wait3A_225 = arith.constant 6 : i32
      %dma_wait3A_226 = arith.constant 0 : i32
      %dma_wait3A_227 = arith.constant 0 : i32
      %dma_wait3A_228 = tpu.memref_slice %arg11[%dma_wait3A_226, %dma_wait3A_227] : memref<256x14xf32, #tpu.memory_space<vmem>> -> memref<1x14xf32, #tpu.memory_space<vmem>>
      %dma_wait3A_229 = arith.constant 0 : i32
      %dma_wait3A_230 = arith.constant 0 : i32
      %dma_wait3A_231 = tpu.memref_slice %arg5[%dma_wait3A_229, %dma_wait3A_230] : memref<1000000x14xf32, #tpu.memory_space<hbm>> -> memref<1x14xf32, #tpu.memory_space<hbm>>
      %dma_wait3A_232 = tpu.memref_slice %arg13[%dma_wait3A_225] : memref<8x!tpu.dma_semaphore, #tpu.memory_space<semaphore_mem>> -> memref<1x!tpu.dma_semaphore, #tpu.memory_space<semaphore_mem>>
      %dma_wait3A_233 = tpu.memref_squeeze %dma_wait3A_232 : memref<1x!tpu.dma_semaphore, #tpu.memory_space<semaphore_mem>> -> memref<!tpu.dma_semaphore, #tpu.memory_space<semaphore_mem>>
      %dma_wait3A_234 = arith.constant 0 : i32
      %dma_wait3A_235 = arith.constant 0 : i32
      %dma_wait3A_236 = tpu.memref_slice %arg11[%dma_wait3A_234, %dma_wait3A_235] : memref<256x14xf32, #tpu.memory_space<vmem>> -> memref<1x14xf32, #tpu.memory_space<vmem>>
      %dma_wait3A_237 = arith.constant 0 : i32
      %dma_wait3A_238 = arith.constant 0 : i32
      %dma_wait3A_239 = tpu.memref_slice %arg5[%dma_wait3A_237, %dma_wait3A_238] : memref<1000000x14xf32, #tpu.memory_space<hbm>> -> memref<1x14xf32, #tpu.memory_space<hbm>>
      tpu.wait_dma2 semaphore(%dma_wait3A_233 : memref<!tpu.dma_semaphore, #tpu.memory_space<semaphore_mem>>) src(%dma_wait3A_239 : memref<1x14xf32, #tpu.memory_space<hbm>>) dst(%dma_wait3A_236 : memref<1x14xf32, #tpu.memory_space<vmem>>)
      %dma_wait3A_240 = arith.constant 7 : i32
      %dma_wait3A_241 = arith.constant 0 : i32
      %dma_wait3A_242 = arith.constant 0 : i32
      %dma_wait3A_243 = tpu.memref_slice %arg10[%dma_wait3A_241, %dma_wait3A_242] : memref<256x32xf32, #tpu.memory_space<vmem>> -> memref<1x32xf32, #tpu.memory_space<vmem>>
      %dma_wait3A_244 = arith.constant 0 : i32
      %dma_wait3A_245 = arith.constant 0 : i32
      %dma_wait3A_246 = tpu.memref_slice %arg4[%dma_wait3A_244, %dma_wait3A_245] : memref<1000000x32xf32, #tpu.memory_space<hbm>> -> memref<1x32xf32, #tpu.memory_space<hbm>>
      %dma_wait3A_247 = tpu.memref_slice %arg12[%dma_wait3A_240] : memref<8x!tpu.dma_semaphore, #tpu.memory_space<semaphore_mem>> -> memref<1x!tpu.dma_semaphore, #tpu.memory_space<semaphore_mem>>
      %dma_wait3A_248 = tpu.memref_squeeze %dma_wait3A_247 : memref<1x!tpu.dma_semaphore, #tpu.memory_space<semaphore_mem>> -> memref<!tpu.dma_semaphore, #tpu.memory_space<semaphore_mem>>
      %dma_wait3A_249 = arith.constant 0 : i32
      %dma_wait3A_250 = arith.constant 0 : i32
      %dma_wait3A_251 = tpu.memref_slice %arg10[%dma_wait3A_249, %dma_wait3A_250] : memref<256x32xf32, #tpu.memory_space<vmem>> -> memref<1x32xf32, #tpu.memory_space<vmem>>
      %dma_wait3A_252 = arith.constant 0 : i32
      %dma_wait3A_253 = arith.constant 0 : i32
      %dma_wait3A_254 = tpu.memref_slice %arg4[%dma_wait3A_252, %dma_wait3A_253] : memref<1000000x32xf32, #tpu.memory_space<hbm>> -> memref<1x32xf32, #tpu.memory_space<hbm>>
      tpu.wait_dma2 semaphore(%dma_wait3A_248 : memref<!tpu.dma_semaphore, #tpu.memory_space<semaphore_mem>>) src(%dma_wait3A_254 : memref<1x32xf32, #tpu.memory_space<hbm>>) dst(%dma_wait3A_251 : memref<1x32xf32, #tpu.memory_space<vmem>>)
      %dma_wait3A_255 = arith.constant 7 : i32
      %dma_wait3A_256 = arith.constant 0 : i32
      %dma_wait3A_257 = arith.constant 0 : i32
      %dma_wait3A_258 = tpu.memref_slice %arg11[%dma_wait3A_256, %dma_wait3A_257] : memref<256x14xf32, #tpu.memory_space<vmem>> -> memref<1x14xf32, #tpu.memory_space<vmem>>
      %dma_wait3A_259 = arith.constant 0 : i32
      %dma_wait3A_260 = arith.constant 0 : i32
      %dma_wait3A_261 = tpu.memref_slice %arg5[%dma_wait3A_259, %dma_wait3A_260] : memref<1000000x14xf32, #tpu.memory_space<hbm>> -> memref<1x14xf32, #tpu.memory_space<hbm>>
      %dma_wait3A_262 = tpu.memref_slice %arg13[%dma_wait3A_255] : memref<8x!tpu.dma_semaphore, #tpu.memory_space<semaphore_mem>> -> memref<1x!tpu.dma_semaphore, #tpu.memory_space<semaphore_mem>>
      %dma_wait3A_263 = tpu.memref_squeeze %dma_wait3A_262 : memref<1x!tpu.dma_semaphore, #tpu.memory_space<semaphore_mem>> -> memref<!tpu.dma_semaphore, #tpu.memory_space<semaphore_mem>>
      %dma_wait3A_264 = arith.constant 0 : i32
      %dma_wait3A_265 = arith.constant 0 : i32
      %dma_wait3A_266 = tpu.memref_slice %arg11[%dma_wait3A_264, %dma_wait3A_265] : memref<256x14xf32, #tpu.memory_space<vmem>> -> memref<1x14xf32, #tpu.memory_space<vmem>>
      %dma_wait3A_267 = arith.constant 0 : i32
      %dma_wait3A_268 = arith.constant 0 : i32
      %dma_wait3A_269 = tpu.memref_slice %arg5[%dma_wait3A_267, %dma_wait3A_268] : memref<1000000x14xf32, #tpu.memory_space<hbm>> -> memref<1x14xf32, #tpu.memory_space<hbm>>
      tpu.wait_dma2 semaphore(%dma_wait3A_263 : memref<!tpu.dma_semaphore, #tpu.memory_space<semaphore_mem>>) src(%dma_wait3A_269 : memref<1x14xf32, #tpu.memory_space<hbm>>) dst(%dma_wait3A_266 : memref<1x14xf32, #tpu.memory_space<vmem>>)
    }
    %scan3A_25 = arith.constant 32 : i32
    %add3A_26 = arith.constant 256 : i32
    %add3A_27 = arith.addi %mul3A_2, %add3A_26 : i32
    "tpu.region"() ({
      %run_scoped3A = tpu.sem_alloc : memref<!tpu.dma_semaphore, #tpu.memory_space<semaphore_mem>>
      %dma_start3A = arith.constant 0 : i32
      %dma_start3A_30 = tpu.memref_slice %arg6[%add3A_27, %dma_start3A] : memref<16384x32xf32, #tpu.memory_space<hbm>> -> memref<256x32xf32, #tpu.memory_space<hbm>>
      %dma_start3A_31 = arith.constant 0 : i32
      %dma_start3A_32 = tpu.memref_slice %arg6[%add3A_27, %dma_start3A_31] : memref<16384x32xf32, #tpu.memory_space<hbm>> -> memref<256x32xf32, #tpu.memory_space<hbm>>
      tpu.enqueue_dma source(%arg10 : memref<256x32xf32, #tpu.memory_space<vmem>>) target(%dma_start3A_32 : memref<256x32xf32, #tpu.memory_space<hbm>>) target_semaphore(%run_scoped3A : memref<!tpu.dma_semaphore, #tpu.memory_space<semaphore_mem>>)
      %dma_wait3A = arith.constant 0 : i32
      %dma_wait3A_33 = tpu.memref_slice %arg6[%add3A_27, %dma_wait3A] : memref<16384x32xf32, #tpu.memory_space<hbm>> -> memref<256x32xf32, #tpu.memory_space<hbm>>
      %dma_wait3A_34 = arith.constant 0 : i32
      %dma_wait3A_35 = tpu.memref_slice %arg6[%add3A_27, %dma_wait3A_34] : memref<16384x32xf32, #tpu.memory_space<hbm>> -> memref<256x32xf32, #tpu.memory_space<hbm>>
      tpu.wait_dma2 semaphore(%run_scoped3A : memref<!tpu.dma_semaphore, #tpu.memory_space<semaphore_mem>>) src(%arg10 : memref<256x32xf32, #tpu.memory_space<vmem>>) dst(%dma_wait3A_35 : memref<256x32xf32, #tpu.memory_space<hbm>>)
      tpu.yield
    }) : () -> ()
    %add3A_28 = arith.constant 256 : i32
    %add3A_29 = arith.addi %mul3A_2, %add3A_28 : i32
    "tpu.region"() ({
      %run_scoped3A = tpu.sem_alloc : memref<!tpu.dma_semaphore, #tpu.memory_space<semaphore_mem>>
      %dma_start3A = arith.constant 0 : i32
      %dma_start3A_30 = tpu.memref_slice %arg7[%add3A_29, %dma_start3A] : memref<16384x14xf32, #tpu.memory_space<hbm>> -> memref<256x14xf32, #tpu.memory_space<hbm>>
      %dma_start3A_31 = arith.constant 0 : i32
      %dma_start3A_32 = tpu.memref_slice %arg7[%add3A_29, %dma_start3A_31] : memref<16384x14xf32, #tpu.memory_space<hbm>> -> memref<256x14xf32, #tpu.memory_space<hbm>>
      tpu.enqueue_dma source(%arg11 : memref<256x14xf32, #tpu.memory_space<vmem>>) target(%dma_start3A_32 : memref<256x14xf32, #tpu.memory_space<hbm>>) target_semaphore(%run_scoped3A : memref<!tpu.dma_semaphore, #tpu.memory_space<semaphore_mem>>)
      %dma_wait3A = arith.constant 0 : i32
      %dma_wait3A_33 = tpu.memref_slice %arg7[%add3A_29, %dma_wait3A] : memref<16384x14xf32, #tpu.memory_space<hbm>> -> memref<256x14xf32, #tpu.memory_space<hbm>>
      %dma_wait3A_34 = arith.constant 0 : i32
      %dma_wait3A_35 = tpu.memref_slice %arg7[%add3A_29, %dma_wait3A_34] : memref<16384x14xf32, #tpu.memory_space<hbm>> -> memref<256x14xf32, #tpu.memory_space<hbm>>
      tpu.wait_dma2 semaphore(%run_scoped3A : memref<!tpu.dma_semaphore, #tpu.memory_space<semaphore_mem>>) src(%arg11 : memref<256x14xf32, #tpu.memory_space<vmem>>) dst(%dma_wait3A_35 : memref<256x14xf32, #tpu.memory_space<hbm>>)
      tpu.yield
    }) : () -> ()
    return
  }
}

module attributes {stable_mosaic.version = 14 : i64} {
  func.func @_mlp_body(%arg0: i32, %arg1: memref<4096x32xf32, #tpu.memory_space<vmem>>, %arg2: memref<4096x14xf32, #tpu.memory_space<vmem>>, %arg3: memref<96x8xf32, #tpu.memory_space<vmem>>, %arg4: memref<1x8xf32, #tpu.memory_space<vmem>>, %arg5: memref<8x1xf32, #tpu.memory_space<vmem>>, %arg6: memref<1x1xf32, #tpu.memory_space<vmem>>, %arg7: memref<4096x1xf32, #tpu.memory_space<vmem>>) attributes {dimension_semantics = [#tpu.dimension_semantics<arbitrary>], iteration_bounds = array<i64: 4>, scalar_prefetch = 0 : i64, scratch_operands = 0 : i64, tpu.core_type = #tpu.core_type<tc>, window_params = [{transform_indices = @transform_0, window_bounds = array<i64: 4096, 32>}, {transform_indices = @transform_1, window_bounds = array<i64: 4096, 14>}, {pipeline_mode = #tpu.pipeline_mode<synchronous>, transform_indices = @transform_2, window_bounds = array<i64: 96, 8>}, {pipeline_mode = #tpu.pipeline_mode<synchronous>, transform_indices = @transform_3, window_bounds = array<i64: 1, 8>}, {pipeline_mode = #tpu.pipeline_mode<synchronous>, transform_indices = @transform_4, window_bounds = array<i64: 8, 1>}, {pipeline_mode = #tpu.pipeline_mode<synchronous>, transform_indices = @transform_5, window_bounds = array<i64: 1, 1>}, {transform_indices = @transform_6, window_bounds = array<i64: 4096, 1>}]} {
    %get3A = arith.constant 0 : index
    %get3A_0 = arith.constant 0 : index
    %get3A_1 = vector.load %arg1[%get3A, %get3A_0] : memref<4096x32xf32, #tpu.memory_space<vmem>>, vector<4096x32xf32>
    %get3A_2 = arith.constant 0 : index
    %get3A_3 = arith.constant 0 : index
    %get3A_4 = vector.load %arg2[%get3A_2, %get3A_3] : memref<4096x14xf32, #tpu.memory_space<vmem>>, vector<4096x14xf32>
    %get3A_5 = arith.constant 0 : index
    %get3A_6 = arith.constant 0 : index
    %get3A_7 = vector.load %arg3[%get3A_5, %get3A_6] : memref<96x8xf32, #tpu.memory_space<vmem>>, vector<96x8xf32>
    %slice3A = vector.extract_strided_slice %get3A_1 {offsets = [0, 0], sizes = [4096, 14], strides = [1, 1]} : vector<4096x32xf32> to vector<4096x14xf32>
    %mul3A = arith.mulf %slice3A, %get3A_4 : vector<4096x14xf32>
    %slice3A_8 = vector.extract_strided_slice %get3A_7 {offsets = [0, 0], sizes = [14, 8], strides = [1, 1]} : vector<96x8xf32> to vector<14x8xf32>
    %dot_general3A = arith.constant dense<0.000000e+00> : vector<4096x8xf32>
    %dot_general3A_9 = tpu.matmul %mul3A, %slice3A_8, %dot_general3A {dimension_numbers = #tpu.dot_dimension_numbers<[1], [0], [0], [1], [0, 0, 1, 1], [], []>, transpose_lhs_hint = false} : vector<4096x14xf32>, vector<14x8xf32>, vector<4096x8xf32> -> vector<4096x8xf32>
    %slice3A_10 = vector.extract_strided_slice %get3A_7 {offsets = [32, 0], sizes = [32, 8], strides = [1, 1]} : vector<96x8xf32> to vector<32x8xf32>
    %dot_general3A_11 = arith.constant dense<0.000000e+00> : vector<4096x8xf32>
    %dot_general3A_12 = tpu.matmul %get3A_1, %slice3A_10, %dot_general3A_11 {dimension_numbers = #tpu.dot_dimension_numbers<[1], [0], [0], [1], [0, 0, 1, 1], [], []>, transpose_lhs_hint = false} : vector<4096x32xf32>, vector<32x8xf32>, vector<4096x8xf32> -> vector<4096x8xf32>
    %add3A = arith.addf %dot_general3A_9, %dot_general3A_12 : vector<4096x8xf32>
    %slice3A_13 = vector.extract_strided_slice %get3A_7 {offsets = [64, 0], sizes = [14, 8], strides = [1, 1]} : vector<96x8xf32> to vector<14x8xf32>
    %dot_general3A_14 = arith.constant dense<0.000000e+00> : vector<4096x8xf32>
    %dot_general3A_15 = tpu.matmul %get3A_4, %slice3A_13, %dot_general3A_14 {dimension_numbers = #tpu.dot_dimension_numbers<[1], [0], [0], [1], [0, 0, 1, 1], [], []>, transpose_lhs_hint = false} : vector<4096x14xf32>, vector<14x8xf32>, vector<4096x8xf32> -> vector<4096x8xf32>
    %add3A_16 = arith.addf %add3A, %dot_general3A_15 : vector<4096x8xf32>
    %get3A_17 = arith.constant 0 : index
    %get3A_18 = arith.constant 0 : index
    %get3A_19 = vector.load %arg4[%get3A_17, %get3A_18] : memref<1x8xf32, #tpu.memory_space<vmem>>, vector<1x8xf32>
    %add3A_20 = vector.broadcast %get3A_19 : vector<1x8xf32> to vector<4096x8xf32>
    %add3A_21 = arith.addf %add3A_16, %add3A_20 : vector<4096x8xf32>
    %max3A = arith.constant 0.000000e+00 : f32
    %max3A_22 = vector.broadcast %max3A : f32 to vector<4096x8xf32>
    %max3A_23 = arith.maximumf %add3A_21, %max3A_22 : vector<4096x8xf32>
    %get3A_24 = arith.constant 0 : index
    %get3A_25 = arith.constant 0 : index
    %get3A_26 = vector.load %arg5[%get3A_24, %get3A_25] : memref<8x1xf32, #tpu.memory_space<vmem>>, vector<8x1xf32>
    %dot_general3A_27 = arith.constant dense<0.000000e+00> : vector<4096x1xf32>
    %dot_general3A_28 = tpu.matmul %max3A_23, %get3A_26, %dot_general3A_27 {dimension_numbers = #tpu.dot_dimension_numbers<[1], [0], [0], [1], [0, 0, 1, 1], [], []>, transpose_lhs_hint = false} : vector<4096x8xf32>, vector<8x1xf32>, vector<4096x1xf32> -> vector<4096x1xf32>
    %get3A_29 = arith.constant 0 : index
    %get3A_30 = arith.constant 0 : index
    %get3A_31 = vector.load %arg6[%get3A_29, %get3A_30] : memref<1x1xf32, #tpu.memory_space<vmem>>, vector<1x1xf32>
    %add3A_32 = vector.broadcast %get3A_31 : vector<1x1xf32> to vector<4096x1xf32>
    %add3A_33 = arith.addf %dot_general3A_28, %add3A_32 : vector<4096x1xf32>
    %logistic3A = arith.negf %add3A_33 : vector<4096x1xf32>
    %logistic3A_34 = math.exp %logistic3A : vector<4096x1xf32>
    %logistic3A_35 = arith.constant 1.000000e+00 : f32
    %logistic3A_36 = vector.broadcast %logistic3A_35 : f32 to vector<4096x1xf32>
    %logistic3A_37 = arith.addf %logistic3A_36, %logistic3A_34 : vector<4096x1xf32>
    %logistic3A_38 = arith.divf %logistic3A_36, %logistic3A_37 : vector<4096x1xf32>
    %swap3A = arith.constant 0 : index
    %swap3A_39 = arith.constant 0 : index
    %swap3A_40 = vector.load %arg7[%swap3A, %swap3A_39] : memref<4096x1xf32, #tpu.memory_space<vmem>>, vector<4096x1xf32>
    tpu.vector_store %arg7[%swap3A, %swap3A_39], %logistic3A_38 {strides = array<i32>} : memref<4096x1xf32, #tpu.memory_space<vmem>>, vector<4096x1xf32>,
    return
  }
  func.func @transform_0(%arg0: i32) -> (i32, i32) {
    %c0_i32 = arith.constant 0 : i32
    %c0_i32_0 = arith.constant 0 : i32
    return %arg0, %c0_i32 : i32, i32
  }
  func.func @transform_1(%arg0: i32) -> (i32, i32) {
    %c0_i32 = arith.constant 0 : i32
    %c0_i32_0 = arith.constant 0 : i32
    return %arg0, %c0_i32 : i32, i32
  }
  func.func @transform_2(%arg0: i32) -> (i32, i32) {
    %c0_i32 = arith.constant 0 : i32
    %c0_i32_0 = arith.constant 0 : i32
    %c0_i32_1 = arith.constant 0 : i32
    return %c0_i32, %c0_i32_0 : i32, i32
  }
  func.func @transform_3(%arg0: i32) -> (i32, i32) {
    %c0_i32 = arith.constant 0 : i32
    %c0_i32_0 = arith.constant 0 : i32
    %c0_i32_1 = arith.constant 0 : i32
    return %c0_i32, %c0_i32_0 : i32, i32
  }
  func.func @transform_4(%arg0: i32) -> (i32, i32) {
    %c0_i32 = arith.constant 0 : i32
    %c0_i32_0 = arith.constant 0 : i32
    %c0_i32_1 = arith.constant 0 : i32
    return %c0_i32, %c0_i32_0 : i32, i32
  }
  func.func @transform_5(%arg0: i32) -> (i32, i32) {
    %c0_i32 = arith.constant 0 : i32
    %c0_i32_0 = arith.constant 0 : i32
    %c0_i32_1 = arith.constant 0 : i32
    return %c0_i32, %c0_i32_0 : i32, i32
  }
  func.func @transform_6(%arg0: i32) -> (i32, i32) {
    %c0_i32 = arith.constant 0 : i32
    %c0_i32_0 = arith.constant 0 : i32
    return %arg0, %c0_i32 : i32, i32
  }
}

</mosaic_0001>

<sc_bundles>
// kernel: kernel.4.cloned.1.call-start
scs
__scs_entry_jumppad:
0x0: {  	(pc) =	sbr.rel $0x88, $3  }
0x1: {  	(tag) =	ssettag $0x0;
	lr =	simm.s32 $0x1  }
0x2: {  	[smem:$0x3F99] =	sst lr;
	_ =	strace $0xD0000000  }
0x3: {  	_ = 	snop  }
0x4: {  	_ = 	snop  }
0x5: {  	_ = 	snop  }
0x6: {  	_ = 	snop  }
0x7: {  	_ = 	snop  }
__scs_overlays_trampoline_lowered:
0x8: {  	[smem:$0x3FA8] =	sst s0  }
0x9: {  	[smem:$0x3FA9] =	sst s1  }
0xa: {  	[smem:$0x3FAA] =	sst s2  }
0xb: {  	[smem:$0x3FAB] =	sst s3  }
0xc: {  	[smem:$0x3FAC] =	sst s4  }
0xd: {  	[smem:$0x3FAD] =	sst s5  }
0xe: {  	[smem:$0x3FAE] =	sst s6  }
0xf: {  	[smem:$0x3FAF] =	sst s7  }
0x10: {  	[smem:$0x3FB0] =	sst s8  }
0x11: {  	[smem:$0x3FB1] =	sst s9;
	s0 =	simm.s32 @!p0 $0x0  }
0x12: {  	s1 =	sld [smem:$0x3F97];
	s0 =	simm.s32 @p0 $0x1  }
0x13: {  	[smem:$0x3FB2] =	sst s0;
	s0 =	simm.s32 @!p1 $0x0  }
0x14: {  	s2 =	sld [smem:$0x3F96];
	s0 =	simm.s32 @p1 $0x1  }
0x15: {  	[smem:$0x3FB3] =	sst s0;
	s0 =	simm.s32 @!p2 $0x0  }
0x16: {  	s3 =	sld [smem:$0x3FDB];
	s0 =	simm.s32 @p2 $0x1  }
0x17: {  	s4 =	simm.s32 $0x1BF5;
	[smem:$0x3FB5] =	sst s0  }
0x18: {  	s0 =	sld [smem:$0x3F98];
	_ =	swait.ge [sflag:s4], $0x0  }
0x19: {  	s7 =	sld [smem:$0x3F99]  }
0x1a: {  	s8 =	sadd.s32 $0xFFFFE003, lr  }
0x1b: {  	s9 =	sadd.s32 $0xFFFFFEF7, lr;
	s5 =	simm.s32 $0xFFFFFFFF;
	p2 =	slt.u32 s8, $0xFFFFF086  }
0x1c: {  	p1 =	slt.u32 s9, $0xF7A;
	s5 =	simm.s32 @!p2 $0x0  }
0x1d: {  	s5 =	simm.s32 @p1 $0x1;
	p0 =	seq.s32 s7, s2  }
0x1e: {  	s7 =	smul.u32 @!p0 $0xF7A, s2;
	p2 =	seq.s32 @!p0 s5, $0x0  }
0x1f: {  	s9 =	smul.u32 $0xF7A, s1;
	s8 =	simm.s32 @!p0 $0x1BF5;
	p2 =	por !p2, p0  }
0x20: {  	[sflag:s8] =	ssyncset.s32 @!p0 $0xFFFFF086;
	s6 =	sadd.s32 @!p0 s3, s7;
	s7 =	simm.s32 @!p0 $0x108  }
0x21: {  	s3 =	sadd.s32 s3, s9;
	s6 =	sadd.s32 @!p0 $0x88, s6;
	s7 =	simm.s32 @p2 $0x1082  }
0x22: {  	[simem:s7], [sflag:s8] =	dma.local @!p0 [hbm:s6], $0xF7A  }
0x23: {  	s9 =	sor.u32 $0xD0000000, s2;
	s6 =	simm.s32 $0x108;
	_ =	swait.ge @!p0 [sflag:s8], $0x0  }
0x24: {  	s3 =	sadd.s32 $0x88, s3;
	s6 =	simm.s32 @!p1 $0x1082;
	[sflag:s4] =	ssyncset.s32 $0xFFFFF086  }
0x25: {  	[simem:s6], [sflag:s4] =	dma.local [hbm:s3], $0xF7A  }
0x26: {  	[smem:$0x3F99] =	sst s1;
	(tag) =	ssettag s2;
	_ =	strace s9  }
0x27: {  	s1 =	sld [smem:$0x3FA9]  }
0x28: {  	s2 =	sld [smem:$0x3FAA]  }
0x29: {  	s4 =	sld [smem:$0x3FAC]  }
0x2a: {  	p0 =	seq.s32 s5, $0x0;
	s5 =	sld [smem:$0x3FAD]  }
0x2b: {  	s6 =	sld [smem:$0x3FAE]  }
0x2c: {  	s7 =	sld [smem:$0x3FAF]  }
0x2d: {  	s3 =	simm.s32 $0x108;
	s8 =	sld [smem:$0x3FB0]  }
0x2e: {  	s3 =	simm.s32 @!p0 $0x1082;
	s9 =	sld [smem:$0x3FB1]  }
0x2f: {  	lr =	sadd.s32 s0, s3;
	s0 =	sld [smem:$0x3FA8]  }
0x30: {  	s3 =	sld [smem:$0x3FAB]  }
0x31: {  	[smem:$0x3FB4] =	sst s10  }
0x32: {  	s10 =	sld [smem:$0x3FB2];
	_ =	sdelay $0x3  }
0x33: {  	p0 =	seq.s32 s10, $0x1;
	s10 =	sld [smem:$0x3FB4];
	_ =	sdelay $0x3  }
0x34: {  	[smem:$0x3FB4] =	sst s10  }
0x35: {  	s10 =	sld [smem:$0x3FB3];
	_ =	sdelay $0x3  }
0x36: {  	p1 =	seq.s32 s10, $0x1;
	s10 =	sld [smem:$0x3FB4];
	_ =	sdelay $0x3  }
0x37: {  	[smem:$0x3FB4] =	sst s10  }
0x38: {  	s10 =	sld [smem:$0x3FB5]  }
0x39: {  	_ = 	snop;
	(pc) =	sbr.ind lr, $3  }
0x3a: {  	_ = 	snop  }
0x3b: {  	_ = 	snop  }
0x3c: {  	p2 =	seq.s32 s10, $0x1;
	s10 =	sld [smem:$0x3FB4]  }
0x3d: {  	_ =	shalt  }
0x3e: {  	_ =	shalt  }
0x3f: {  	_ =	shalt  }
0x40: {  	_ =	shalt  }
0x41: {  	_ =	shalt  }
0x42: {  	_ =	shalt  }
0x43: {  	_ =	shalt  }
0x44: {  	_ =	shalt  }
0x45: {  	_ =	shalt  }
0x46: {  	_ =	shalt  }
0x47: {  	_ =	shalt  }
0x48: {  	_ =	shalt  }
0x49: {  	_ =	shalt  }
0x4a: {  	_ =	shalt  }
0x4b: {  	_ =	shalt  }
0x4c: {  	_ =	shalt  }
0x4d: {  	_ =	shalt  }
0x4e: {  	_ =	shalt  }
0x4f: {  	_ =	shalt  }
0x50: {  	_ =	shalt  }
0x51: {  	_ =	shalt  }
0x52: {  	_ =	shalt  }
0x53: {  	_ =	shalt  }
0x54: {  	_ =	shalt  }
0x55: {  	_ =	shalt  }
0x56: {  	_ =	shalt  }
0x57: {  	_ =	shalt  }
0x58: {  	_ =	shalt  }
0x59: {  	_ =	shalt  }
0x5a: {  	_ =	shalt  }
0x5b: {  	_ =	shalt  }
0x5c: {  	_ =	shalt  }
0x5d: {  	_ =	shalt  }
0x5e: {  	_ =	shalt  }
0x5f: {  	_ =	shalt  }
0x60: {  	_ =	shalt  }
0x61: {  	_ =	shalt  }
0x62: {  	_ =	shalt  }
0x63: {  	_ =	shalt  }
0x64: {  	_ =	shalt  }
0x65: {  	_ =	shalt  }
0x66: {  	_ =	shalt  }
0x67: {  	_ =	shalt  }
0x68: {  	_ =	shalt  }
0x69: {  	_ =	shalt  }
0x6a: {  	_ =	shalt  }
0x6b: {  	_ =	shalt  }
0x6c: {  	_ =	shalt  }
0x6d: {  	_ =	shalt  }
0x6e: {  	_ =	shalt  }
0x6f: {  	_ =	shalt  }
0x70: {  	_ =	shalt  }
0x71: {  	_ =	shalt  }
0x72: {  	_ =	shalt  }
0x73: {  	_ =	shalt  }
0x74: {  	_ =	shalt  }
0x75: {  	_ =	shalt  }
0x76: {  	_ =	shalt  }
0x77: {  	_ =	shalt  }
0x78: {  	_ =	shalt  }
0x79: {  	_ =	shalt  }
0x7a: {  	_ =	shalt  }
0x7b: {  	_ =	shalt  }
0x7c: {  	_ =	shalt  }
0x7d: {  	_ =	shalt  }
0x7e: {  	_ =	shalt  }
0x7f: {  	_ =	shalt  }
0x80: {  	_ =	shalt  }
0x81: {  	_ =	shalt  }
0x82: {  	_ =	shalt  }
0x83: {  	_ =	shalt  }
0x84: {  	_ =	shalt  }
0x85: {  	_ =	shalt  }
0x86: {  	_ =	shalt  }
0x87: {  	_ =	shalt  }
.Lfunc_end0:
.L_simem_size_0:
called_computation_lowered:
.L_overlay_start_0:
0x88: {  	s2 =	sld [smem:$0x3FD9]  }
0x89: {  	s3 =	sld [smem:$0x3FFE];
	_ =	sdelay $0x1  }
0x8a: {  	s1 =	srdreg.scid  }
0x8b: {  	s0 =	sand.u32 $0x1, s1  }
0x8c: {  	s17 =	sshll.u32 s0, $0xA;
	s2 =	sadd.s32 s3, s2  }
0x8d: {  	s2 =	sadd.s32 s2, s17  }
0x8e: {  	[smem:$0x3FC0] =	sst s2  }
0x8f: {  	_ = 	snop  }
0x90: {  	s2 =	sld [smem:$0x3FC9]  }
0x91: {  	s18 =	sld [smem:$0x3FC8];
	(tm) =	ssettm $0x1  }
0x92: {  	s4 =	sld [smem:$0x3FFB];
	_ =	sdelay $0x3  }
0x93: {  	_ =	strace s4  }
0x94: {  	s4 =	sld [smem:$0x3FFC];
	_ =	sdelay $0x3  }
0x95: {  	_ =	strace s4  }
0x96: {  	s4 =	sld [smem:$0x3FFD];
	_ =	sdelay $0x3  }
0x97: {  	_ =	strace s4  }
0x98: {  	_ =	strace $0x8FFFFFFF  }
0x99: {  	s19 =	sld [smem:$0x3FDB];
	_ =	sdelay $0x1  }
0x9a: {  	s5 =	simm.s32 $_scs_section_size  }
0x9b: {  	s6 =	simm.s32 $_size__tile_overlayer_lowered;
	s7 =	simm.s32 $_tile_overlayer_lowered  }
0x9c: {  	s22 =	simm.s32 $0x1BFF;
	s21 =	sshll.u32 s7, $0x1;
	s4 =	sadd.s32 s5, s19  }
0x9d: {  	s8 =	simm.s32 $0x0;
	s20 =	sshll.u32 s6, $0x1;
	s6 =	sadd.s32 s21, s4  }
0x9e: {  	[timem:s8], [sflag:s22] =	dma.local [hbm:s6], s20  }
0x9f: {  	_ =	swait.ge [sflag:s22], s20  }
0xa0: {  	s5 =	ssub.s32 $0x0, s20;
	[sflag:s22] =	ssyncset.done $0x0  }
0xa1: {  	[sflag:s22] =	ssyncadd.s32 s5;
	_ =	sdelay $0x1  }
0xa2: {  	s23 =	simm.s32 $0x1B8B  }
0xa3: {  	_ =	swait.ge [sflag:s23], $0x1  }
0xa4: {  	[sflag:s23] =	ssyncset.done $0x0  }
0xa5: {  	s25 =	simm.s32 $0x1B8E;
	s24 =	sld [smem:$0x3FFE];
	[sflag:s23] =	ssyncadd.s32 $0xFFFFFFFF  }
0xa6: {  	s26 =	simm.s32 $execute0_lowered;
	[smem:$0x3FD2] =	sst s25  }
0xa7: {  	s6 =	sshll.u32 s26, $0x1;
	_ =	strace $0x80000046;
	[dreg:$0x1] =	wrdreg $0xFFFFFFFF  }
0xa8: {  	s28 =	simm.s32 $_size_execute0_lowered;
	s4 =	sadd.s32 s4, s6;
	[dreg:$0x0] =	wrdreg $0x0  }
0xa9: {  	s6 =	sshll.u32 s28, $0x1;
	[dreg:$0x2] =	wrdreg s4  }
0xaa: {  	[dreg:$0x3] =	wrdreg s6  }
0xab: {  	[dreg:$0x4] =	wrdreg $0xC0  }
0xac: {  	_ =	task [dreg:s8], $0x5FFFF  }
0xad: {  	[dreg:$0x1] =	wrdreg $0xFFFFFFFF  }
0xae: {  	[dreg:$0x0] =	wrdreg $0x60  }
0xaf: {  	[dreg:$0x2] =	wrdreg s2  }
0xb0: {  	[dreg:$0x3] =	wrdreg s18  }
0xb1: {  	[dreg:$0x4] =	wrdreg s24  }
0xb2: {  	[dreg:$0x5] =	wrdreg $0x9  }
0xb3: {  	_ =	task.clear_ibuf [dreg:s8], $0x6FFFF;
	_ =	strace $0x90000046  }
0xb4: {  	s29 =	simm.s32 $0x9;
	_ =	strace $0x80000048  }
0xb5: {  	_ =	swait.ge [sflag:s29], $0x1  }
0xb6: {  	[sflag:s29] =	ssyncadd.s32 $0xFFFFFFFF  }
0xb7: {  	_ =	strace $0x90000048  }
0xb8: {  	_ =	sfence  }
0xb9: {  	s30 =	sld [smem:$0x0];
	_ =	sdelay $0x2  }
0xba: {  	s31 =	sshll.u32 s1, $0xD;
	s1 =	sshrl.u32 s1, $0x2  }
0xbb: {  	s3 =	sand.u32 $0x4000, s31;
	s1 =	sadd.s32 s1, s30  }
0xbc: {  	s0 =	sor.u32 s3, s0;
	s1 =	sshll.u32 s1, $0x11  }
0xbd: {  	s0 =	sor.u32 s1, s0  }
0xbe: {  	s0 =	sadd.s32 $0x8F2B, s0  }
0xbf: {  	[sflag:s0] =	ssyncadd.remote.s32 $0x1  }
0xc0: {  	_ =	sfence.sel $0xFFFF  }
0xc1: {  	[dreg:$0x0] =	wrdreg $0xFFFFFFFF;
	(pc) =	sbr.abs _section_cstart, $3  }
0xc2: {  	[dreg:$0x1] =	wrdreg $0xFFFFFFFF  }
0xc3: {  	_ =	task.clear_ibuf [dreg:s8], $0x2FFFF;
	_ =	strace $0x9FFFFFFF  }
0xc4: {  	(tm) =	ssettm $0x7FFFFFFF  }
0xc5: {  	_ =	shalt  }
tec
execute0_lowered:
.L_overlay_start_1:
0x0: {  	(tag) =	ssettag $0x1  }
0x1: {  	s0 =	rddreg [dreg:$0x0]  }
0x2: {  	s2 =	rddreg [dreg:$0x1]  }
0x3: {  	s5 =	rddreg [dreg:$0x2];
	s4 =	srdreg.scid  }
0x4: {  	s1 =	simm.s32 $0x0;
	s7 =	stileid.u32;
	s6 =	sand.u32 $0x1, s4  }
0x5: {  	[smem:$0x7FF] =	sst s1;
	s7 =	sshll.u32 s7, $0xA;
	s8 =	sshll.u32 s6, $0x9  }
0x6: {  	s3 =	sadd.s32 $0x1000, s5;
	s4 =	sadd.s32 $0xF43400, s5;
	s7 =	sor.u32 s8, s7  }
0x7: {  	s9 =	sadd.s32 $0x1E85800, s5;
	s6 =	ssub.s32 $0x2, s6;
	s10 =	sshrl.u32 s7, $0x3  }
0x8: {  	_ =	strace $0x80000047;
	s24 =	sshrl.u32 s6, $0x1;
	s0 =	sadd.s32 s0, s10  }
0x9: {  	s25 =	sshll.u32 s7, $0x4;
	s2 =	sadd.s32 s2, s10;
	[dreg:$0x16] =	wrdreg s0  }
0xa: {  	s6 =	ssub.s32 s6, s24;
	s26 =	sadd.s32 s9, s25;
	[dreg:$0x17] =	wrdreg s2  }
0xb: {  	s5 =	sadd.s32 $0x1EC5800, s5;
	s31 =	smax.u32 s6, $0x1;
	[dreg:$0x18] =	wrdreg s26  }
0xc: {  	s28 =	sor.u32 $0x1000, s25;
	s0 =	sadd.s32 s5, s25;
	[dreg:$0x1c] =	wrdreg s31  }
0xd: {  	s29 =	sadd.s32 s9, s28;
	[dreg:$0x19] =	wrdreg s0  }
0xe: {  	s30 =	sadd.s32 s5, s28;
	[dreg:$0x1a] =	wrdreg s29  }
0xf: {  	s5 =	simm.s32 $0x11;
	s2 =	simm.s32 $0x0;
	[dreg:$0x1b] =	wrdreg s30  }
.LBB2_1:
0x10: {  	[dreg:$0x1d] =	wrdreg s2  }
0x11: {  	s0 =	rddreg [dreg:$0x16]  }
0x12: {  	[tilespmem:s1], [sflag:$0x11] =	stream.linear.gather [hbm4b:s0+s1], $0x200, $0x38;
	[tilespmem:$0x10400] =	vst v63  }
0x13: {  	_ =	swait.ge [sflag:s5], $0x200  }
0x14: {  	[sflag:s5] =	ssyncset.done $0x0  }
0x15: {  	s13 =	simm.s32 $0x200;
	s14 =	rddreg [dreg:$0x17];
	[sflag:s5] =	ssyncadd.s32 $0xFFFFFE00  }
0x16: {  	[tilespmem:s13], [sflag:$0x11] =	stream.linear.gather [hbm4b:s14+s1], $0x200, $0x38;
	[tilespmem:$0x10400] =	vst v63  }
0x17: {  	_ =	swait.ge [sflag:s5], $0x200  }
0x18: {  	[sflag:s5] =	ssyncset.done $0x0  }
0x19: {  	[sflag:s5] =	ssyncadd.s32 $0xFFFFFE00  }
0x1a: {  	v0 =	vld [tilespmem:s1+$0x0];
	_ =	sdelay $0x1  }
0x1b: {  	v2 =	vld [tilespmem:s13+$0x0];
	_ =	sdelay $0x2  }
0x1c: {  	v1 =	vshll.u32 v0, $0x4  }
0x1d: {  	(v2sf) =	vpush v1, $0x0  }
0x1e: {  	v63 =	vshll.u32 v2, $0x4  }
0x1f: {  	(v2sf) =	vpush v63, $0x0;
	_ =	sdelay $0x1  }
0x20: {  	(v2sf) =	vpush v1, $0x1  }
0x21: {  	(v2sf) =	vpush v63, $0x1  }
0x22: {  	(v2sf) =	vpush v1, $0x2;
	_ =	sdelay $0x1  }
0x23: {  	(v2sf) =	vpush v63, $0x2;
	_ =	sdelay $0x1  }
0x24: {  	(v2sf) =	vpush v1, $0x3  }
0x25: {  	s2 =	simm.s32 $0x0  }
0x26: {  	s7 =	simm.s32 $0x8400;
	s6 =	simm.s32 $0x680;
	s9 =	simm.s32 $0x880  }
0x27: {  	s8 =	simm.s32 $0x400;
	s11 =	simm.s32 $0x600;
	s12 =	simm.s32 $0x580  }
0x28: {  	s17 =	simm.s32 $0x480;
	s20 =	simm.s32 $0x8480;
	s22 =	simm.s32 $0x500  }
0x29: {  	s25 =	simm.s32 $0x8500;
	s30 =	simm.s32 $0x10;
	s10 =	spop (v2sf)  }
0x2a: {  	s31 =	simm.s32 $0x8B00;
	s0 =	simm.s32 $0x8900;
	(v2sf) =	vpush v63, $0x3;
	s10 =	sand.u32 $0x1FFFFFF0, s10  }
0x2b: {  	s5 =	simm.s32 $0x2000;
	s13 =	spop (v2sf);
	s10 =	sadd.s32 s3, s10  }
0x2c: {  	(v2sf) =	vpush v1, $0x4;
	[tilespmem:s8], [sflag:$0x1] =	stream.linear.gather [hbm4b:s10+s1], $0x80, $0x38;
	[tilespmem:$0x10400] =	vst v63  }
0x2d: {  	(v2sf) =	vpush v63, $0x4;
	s15 =	sand.u32 $0x1FFFFFF0, s13;
	s16 =	spop (v2sf);
	s8 =	simm.s32 $0x8580  }
0x2e: {  	s10 =	sadd.s32 s4, s15;
	s13 =	sand.u32 $0x1FFFFFF0, s16;
	s14 =	spop (v2sf)  }
0x2f: {  	s15 =	simm.s32 $0x8600;
	s19 =	sand.u32 $0x1FFFFFF0, s14;
	s21 =	spop (v2sf)  }
0x30: {  	(v2sf) =	vpush v1, $0x5;
	[tilespmem:s7], [sflag:$0x9] =	stream.linear.gather [hbm4b:s10+s1], $0x80, $0x38;
	[tilespmem:$0x10400] =	vst v63  }
0x31: {  	s18 =	sadd.s32 s3, s13;
	(v2sf) =	vpush v63, $0x5;
	s13 =	sadd.s32 s4, s19;
	s23 =	spop (v2sf)  }
0x32: {  	[tilespmem:s17], [sflag:$0x2] =	stream.linear.gather [hbm4b:s18+s1], $0x80, $0x38;
	[tilespmem:$0x10400] =	vst v63  }
0x33: {  	(v2sf) =	vpush v1, $0x6;
	s10 =	sand.u32 $0x1FFFFFF0, s21;
	s21 =	simm.s32 $0x8680;
	s24 =	spop (v2sf)  }
0x34: {  	[tilespmem:s20], [sflag:$0xA] =	stream.linear.gather [hbm4b:s13+s1], $0x80, $0x38;
	[tilespmem:$0x10400] =	vst v63  }
0x35: {  	s10 =	sadd.s32 s3, s10;
	s28 =	sand.u32 $0x1FFFFFF0, s24;
	s13 =	sand.u32 $0x1FFFFFF0, s23  }
0x36: {  	[tilespmem:s22], [sflag:$0x3] =	stream.linear.gather [hbm4b:s10+s1], $0x80, $0x38;
	[tilespmem:$0x10400] =	vst v63  }
0x37: {  	(v2sf) =	vpush v63, $0x6;
	s17 =	simm.s32 $0x8A00;
	s14 =	sadd.s32 s3, s28;
	s26 =	sadd.s32 s4, s13  }
0x38: {  	[tilespmem:s25], [sflag:$0xB] =	stream.linear.gather [hbm4b:s26+s1], $0x80, $0x38;
	[tilespmem:$0x10400] =	vst v63  }
0x39: {  	s23 =	simm.s32 $0x700;
	s13 =	simm.s32 $0x8700;
	s29 =	spop (v2sf)  }
0x3a: {  	[tilespmem:s12], [sflag:$0x4] =	stream.linear.gather [hbm4b:s14+s1], $0x80, $0x38;
	[tilespmem:$0x10400] =	vst v63  }
0x3b: {  	s10 =	simm.s32 $0xB00;
	(v2sf) =	vpush v1, $0x7;
	s7 =	sand.u32 $0x1FFFFFF0, s29;
	s16 =	spop (v2sf)  }
0x3c: {  	s7 =	sadd.s32 s4, s7;
	s12 =	sand.u32 $0x1FFFFFF0, s16;
	s18 =	spop (v2sf)  }
0x3d: {  	(v2sf) =	vpush v63, $0x7;
	[tilespmem:s8], [sflag:$0xC] =	stream.linear.gather [hbm4b:s7+s1], $0x80, $0x38;
	[tilespmem:$0x10400] =	vst v63  }
0x3e: {  	(v2sf) =	vpush v1, $0x8;
	s16 =	simm.s32 $0x780;
	s7 =	simm.s32 $0xA80;
	s19 =	sadd.s32 s3, s12  }
0x3f: {  	s20 =	sand.u32 $0x1FFFFFF0, s18;
	s22 =	spop (v2sf);
	s8 =	simm.s32 $0x8A80  }
0x40: {  	(v2sf) =	vpush v63, $0x8;
	s12 =	sadd.s32 s4, s20;
	s24 =	spop (v2sf);
	s20 =	simm.s32 $0x8780  }
0x41: {  	[tilespmem:s11], [sflag:$0x5] =	stream.linear.gather [hbm4b:s19+s1], $0x80, $0x38;
	[tilespmem:$0x10400] =	vst v63  }
0x42: {  	(v2sf) =	vpush v1, $0x9;
	s11 =	sand.u32 $0x1FFFFFF0, s22;
	s25 =	spop (v2sf);
	s22 =	simm.s32 $0x800  }
0x43: {  	[tilespmem:s15], [sflag:$0xD] =	stream.linear.gather [hbm4b:s12+s1], $0x80, $0x38;
	[tilespmem:$0x10400] =	vst v63  }
0x44: {  	(v2sf) =	vpush v63, $0x9;
	s11 =	sadd.s32 s3, s11;
	s28 =	sand.u32 $0x1FFFFFF0, s25;
	s12 =	sand.u32 $0x1FFFFFF0, s24  }
0x45: {  	[tilespmem:s6], [sflag:$0x6] =	stream.linear.gather [hbm4b:s11+s1], $0x80, $0x38;
	[tilespmem:$0x10400] =	vst v63  }
0x46: {  	s29 =	spop (v2sf);
	(v2sf) =	vpush v1, $0xA;
	s25 =	simm.s32 $0x8800;
	s26 =	sadd.s32 s4, s12  }
0x47: {  	[tilespmem:s21], [sflag:$0xE] =	stream.linear.gather [hbm4b:s26+s1], $0x80, $0x38;
	[tilespmem:$0x10400] =	vst v63  }
0x48: {  	(v2sf) =	vpush v63, $0xA;
	s12 =	sadd.s32 s3, s28;
	s6 =	simm.s32 $0x8980;
	s11 =	sand.u32 $0x1FFFFFF0, s29  }
0x49: {  	[tilespmem:s23], [sflag:$0x7] =	stream.linear.gather [hbm4b:s12+s1], $0x80, $0x38;
	[tilespmem:$0x10400] =	vst v63  }
0x4a: {  	s29 =	simm.s32 $0x8880;
	s11 =	sadd.s32 s4, s11;
	s14 =	spop (v2sf);
	(v2sf) =	vpush v1, $0xB  }
0x4b: {  	[tilespmem:s13], [sflag:$0xF] =	stream.linear.gather [hbm4b:s11+s1], $0x80, $0x38;
	[tilespmem:$0x10400] =	vst v63  }
0x4c: {  	s12 =	sand.u32 $0x1FFFFFF0, s14;
	s15 =	spop (v2sf);
	(v2sf) =	vpush v63, $0xB;
	s14 =	simm.s32 $0x900  }
0x4d: {  	s18 =	sadd.s32 s3, s12;
	s19 =	sand.u32 $0x1FFFFFF0, s15;
	s21 =	spop (v2sf)  }
0x4e: {  	[tilespmem:s16], [sflag:$0x8] =	stream.linear.gather [hbm4b:s18+s1], $0x80, $0x38;
	[tilespmem:$0x10400] =	vst v63  }
0x4f: {  	s12 =	sadd.s32 s4, s19;
	s11 =	sand.u32 $0x1FFFFFF0, s21;
	s23 =	spop (v2sf)  }
0x50: {  	(v2sf) =	vpush v1, $0xC;
	[tilespmem:s20], [sflag:$0x10] =	stream.linear.gather [hbm4b:s12+s1], $0x80, $0x38;
	[tilespmem:$0x10400] =	vst v63  }
0x51: {  	s11 =	sadd.s32 s3, s11;
	s24 =	spop (v2sf);
	s12 =	sand.u32 $0x1FFFFFF0, s23  }
0x52: {  	(v2sf) =	vpush v63, $0xC;
	[tilespmem:s22], [sflag:$0x1] =	stream.linear.gather [hbm4b:s11+s1], $0x80, $0x38;
	[tilespmem:$0x10400] =	vst v63  }
0x53: {  	s28 =	sand.u32 $0x1FFFFFF0, s24;
	s13 =	spop (v2sf);
	s26 =	sadd.s32 s4, s12  }
0x54: {  	[tilespmem:s25], [sflag:$0x9] =	stream.linear.gather [hbm4b:s26+s1], $0x80, $0x38;
	[tilespmem:$0x10400] =	vst v63  }
0x55: {  	s12 =	sadd.s32 s3, s28;
	s15 =	spop (v2sf);
	s11 =	sand.u32 $0x1FFFFFF0, s13  }
0x56: {  	[tilespmem:s9], [sflag:$0x2] =	stream.linear.gather [hbm4b:s12+s1], $0x80, $0x38;
	[tilespmem:$0x10400] =	vst v63  }
0x57: {  	s16 =	spop (v2sf);
	s11 =	sadd.s32 s4, s11;
	s12 =	sand.u32 $0x1FFFFFF0, s15  }
0x58: {  	[tilespmem:s29], [sflag:$0xA] =	stream.linear.gather [hbm4b:s11+s1], $0x80, $0x38;
	[tilespmem:$0x10400] =	vst v63  }
0x59: {  	s19 =	sand.u32 $0x1FFFFFF0, s16;
	s18 =	sadd.s32 s3, s12;
	s20 =	spop (v2sf)  }
0x5a: {  	[tilespmem:s14], [sflag:$0x3] =	stream.linear.gather [hbm4b:s18+s1], $0x80, $0x38;
	[tilespmem:$0x10400] =	vst v63  }
0x5b: {  	s21 =	sadd.s32 s4, s19;
	s22 =	sand.u32 $0x1FFFFFF0, s20;
	s23 =	spop (v2sf)  }
0x5c: {  	(v2sf) =	vpush v1, $0xD;
	[tilespmem:s0], [sflag:$0xB] =	stream.linear.gather [hbm4b:s21+s1], $0x80, $0x38;
	[tilespmem:$0x10400] =	vst v63  }
0x5d: {  	s24 =	simm.s32 $0x980;
	(v2sf) =	vpush v63, $0xD;
	s25 =	sadd.s32 s3, s22;
	s26 =	sand.u32 $0x1FFFFFF0, s23  }
0x5e: {  	(v2sf) =	vpush v1, $0xE;
	[tilespmem:s24], [sflag:$0x4] =	stream.linear.gather [hbm4b:s25+s1], $0x80, $0x38;
	[tilespmem:$0x10400] =	vst v63  }
0x5f: {  	s9 =	simm.s32 $0x210;
	s28 =	sadd.s32 s4, s26;
	(v2sf) =	vpush v63, $0xE;
	s29 =	spop (v2sf)  }
0x60: {  	(v2sf) =	vpush v1, $0xF;
	[tilespmem:s6], [sflag:$0xC] =	stream.linear.gather [hbm4b:s28+s1], $0x80, $0x38;
	[tilespmem:$0x10400] =	vst v63  }
0x61: {  	s11 =	simm.s32 $0xA00;
	s0 =	spop (v2sf);
	(v2sf) =	vpush v63, $0xF;
	s6 =	sand.u32 $0x1FFFFFF0, s29  }
.LBB2_2:
0x62: {  	_ =	sdelay $0x4  }
0x63: {  	s6 =	sadd.s32 s3, s6;
	s0 =	sand.u32 $0x1FFFFFF0, s0  }
0x64: {  	[tilespmem:s11], [sflag:$0x5] =	stream.linear.gather [hbm4b:s6+s1], $0x80, $0x38;
	[tilespmem:$0x10400] =	vst v63  }
0x65: {  	s0 =	sadd.s32 s4, s0  }
0x66: {  	[tilespmem:s17], [sflag:$0xD] =	stream.linear.gather [hbm4b:s0+s1], $0x80, $0x38;
	[tilespmem:$0x10400] =	vst v63  }
0x67: {  	s12 =	spop (v2sf)  }
0x68: {  	s14 =	sand.u32 $0x1FFFFFF0, s12;
	s15 =	spop (v2sf)  }
0x69: {  	s16 =	sadd.s32 s3, s14;
	s17 =	sand.u32 $0x1FFFFFF0, s15;
	s18 =	spop (v2sf)  }
0x6a: {  	[tilespmem:s7], [sflag:$0x6] =	stream.linear.gather [hbm4b:s16+s1], $0x80, $0x38;
	[tilespmem:$0x10400] =	vst v63  }
0x6b: {  	s19 =	sadd.s32 s4, s17;
	s20 =	sand.u32 $0x1FFFFFF0, s18;
	s21 =	spop (v2sf)  }
0x6c: {  	[tilespmem:s8], [sflag:$0xE] =	stream.linear.gather [hbm4b:s19+s1], $0x80, $0x38;
	[tilespmem:$0x10400] =	vst v63  }
0x6d: {  	s22 =	sadd.s32 s3, s20;
	s23 =	sand.u32 $0x1FFFFFF0, s21;
	s24 =	spop (v2sf)  }
0x6e: {  	[tilespmem:s10], [sflag:$0x7] =	stream.linear.gather [hbm4b:s22+s1], $0x80, $0x38;
	[tilespmem:$0x10400] =	vst v63  }
0x6f: {  	s25 =	sadd.s32 s4, s23;
	s26 =	sand.u32 $0x1FFFFFF0, s24;
	s28 =	spop (v2sf)  }
0x70: {  	[tilespmem:s31], [sflag:$0xF] =	stream.linear.gather [hbm4b:s25+s1], $0x80, $0x38;
	[tilespmem:$0x10400] =	vst v63  }
0x71: {  	s29 =	sadd.s32 $0xB80, s2;
	s6 =	sadd.s32 s3, s26;
	s7 =	sand.u32 $0x1FFFFFF0, s28  }
0x72: {  	[tilespmem:s29], [sflag:$0x8] =	stream.linear.gather [hbm4b:s6+s1], $0x80, $0x38;
	[tilespmem:$0x10400] =	vst v63  }
0x73: {  	s2 =	sadd.s32 $0x8B80, s2;
	s6 =	sadd.s32 s4, s7  }
0x74: {  	[tilespmem:s2], [sflag:$0x10] =	stream.linear.gather [hbm4b:s6+s1], $0x80, $0x38;
	[tilespmem:$0x10400] =	vst v63  }
0x75: {  	v0 =	vld [tilespmem:s30+$0x0]  }
0x76: {  	v2 =	vld [tilespmem:s9+$0x0];
	_ =	sdelay $0x3  }
0x77: {  	v1 =	vshll.u32 v0, $0x4  }
0x78: {  	v63 =	vshll.u32 v2, $0x4;
	(v2sf) =	vpush v1, $0x0  }
0x79: {  	s7 =	smov.u32 s5;
	(v2sf) =	vpush v63, $0x0  }
0x7a: {  	p0 =	sne.s32 s5, $0x1E000;
	s5 =	sadd.s32 $0x2000, s5;
	s2 =	sshra.s32 s7, $0x2;
	(v2sf) =	vpush v1, $0x1  }
0x7b: {  	s12 =	sadd.s32 $0x8400, s2;
	s19 =	sadd.s32 $0x680, s2;
	s0 =	sadd.s32 $0x880, s2  }
0x7c: {  	s14 =	sadd.s32 $0x400, s2;
	s25 =	sadd.s32 $0x600, s2;
	s8 =	sadd.s32 $0x8900, s2;
	(v2sf) =	vpush v63, $0x1  }
0x7d: {  	s29 =	sadd.s32 $0x580, s2;
	s28 =	sadd.s32 $0x8580, s2;
	s17 =	sadd.s32 $0x8A00, s2  }
0x7e: {  	s6 =	sadd.s32 $0x500, s2;
	s26 =	sadd.s32 $0x8600, s2;
	s10 =	sadd.s32 $0xA80, s2;
	(v2sf) =	vpush v1, $0x2  }
0x7f: {  	s13 =	sadd.s32 $0x8480, s2;
	s24 =	sadd.s32 $0x8680, s2;
	[dreg:$0xc] =	wrdreg s0  }
0x80: {  	s23 =	sadd.s32 $0x700, s2;
	s11 =	sadd.s32 $0x8980, s2;
	[dreg:$0x6] =	wrdreg s8;
	(v2sf) =	vpush v63, $0x2  }
0x81: {  	s15 =	sadd.s32 $0x8A80, s2;
	s22 =	sadd.s32 $0x8700, s2;
	[dreg:$0x4] =	wrdreg s10  }
0x82: {  	s16 =	sadd.s32 $0x8880, s2;
	s18 =	sadd.s32 $0x900, s2;
	[dreg:$0x8] =	wrdreg s11;
	(v2sf) =	vpush v1, $0x3  }
0x83: {  	s21 =	sadd.s32 $0x780, s2;
	s20 =	sadd.s32 $0x8800, s2;
	[dreg:$0xa] =	wrdreg s15  }
0x84: {  	s30 =	sadd.s32 $0x10, s30;
	s9 =	sadd.s32 $0x10, s9;
	[dreg:$0x10] =	wrdreg s16;
	(v2sf) =	vpush v63, $0x3  }
0x85: {  	s31 =	sadd.s32 $0x8B00, s2;
	s0 =	sadd.s32 $0x8500, s2;
	[dreg:$0xe] =	wrdreg s18  }
0x86: {  	[dreg:$0x14] =	wrdreg s20;
	s11 =	sadd.s32 $0xA00, s2;
	s15 =	sadd.s32 $0x480, s2;
	(v2sf) =	vpush v1, $0x4  }
0x87: {  	s20 =	sadd.s32 $0x8780, s2;
	s8 =	sadd.s32 $0x980, s2;
	s16 =	spop (v2sf)  }
0x88: {  	[dreg:$0x12] =	wrdreg s8;
	s16 =	sand.u32 $0x1FFFFFF0, s16;
	s8 =	spop (v2sf);
	(v2sf) =	vpush v63, $0x4  }
0x89: {  	s16 =	sadd.s32 s3, s16;
	s7 =	sand.u32 $0x1FFFFFF0, s8;
	s8 =	spop (v2sf)  }
0x8a: {  	(v2sf) =	vpush v1, $0x5;
	[tilespmem:s14], [sflag:$0x1] =	stream.linear.gather [hbm4b:s16+s1], $0x80, $0x38;
	[tilespmem:$0x10400] =	vst v63  }
0x8b: {  	s7 =	sadd.s32 s4, s7;
	s8 =	sand.u32 $0x1FFFFFF0, s8;
	s16 =	spop (v2sf);
	(v2sf) =	vpush v63, $0x5  }
0x8c: {  	[tilespmem:s12], [sflag:$0x9] =	stream.linear.gather [hbm4b:s7+s1], $0x80, $0x38;
	[tilespmem:$0x10400] =	vst v63  }
0x8d: {  	s14 =	sand.u32 $0x1FFFFFF0, s16;
	s16 =	spop (v2sf);
	(v2sf) =	vpush v1, $0x6;
	s12 =	sadd.s32 s3, s8  }
0x8e: {  	[tilespmem:s15], [sflag:$0x2] =	stream.linear.gather [hbm4b:s12+s1], $0x80, $0x38;
	[tilespmem:$0x10400] =	vst v63  }
0x8f: {  	s14 =	sadd.s32 s4, s14;
	s15 =	sand.u32 $0x1FFFFFF0, s16;
	s16 =	spop (v2sf);
	(v2sf) =	vpush v63, $0x6  }
0x90: {  	[tilespmem:s13], [sflag:$0xA] =	stream.linear.gather [hbm4b:s14+s1], $0x80, $0x38;
	[tilespmem:$0x10400] =	vst v63  }
0x91: {  	s14 =	sadd.s32 s3, s15;
	s15 =	sand.u32 $0x1FFFFFF0, s16;
	s16 =	spop (v2sf);
	(v2sf) =	vpush v1, $0x7  }
0x92: {  	[tilespmem:s6], [sflag:$0x3] =	stream.linear.gather [hbm4b:s14+s1], $0x80, $0x38;
	[tilespmem:$0x10400] =	vst v63  }
0x93: {  	s8 =	sadd.s32 s4, s15;
	s12 =	sand.u32 $0x1FFFFFF0, s16;
	s13 =	spop (v2sf)  }
0x94: {  	[tilespmem:s0], [sflag:$0xB] =	stream.linear.gather [hbm4b:s8+s1], $0x80, $0x38;
	[tilespmem:$0x10400] =	vst v63  }
0x95: {  	(v2sf) =	vpush v63, $0x7;
	s14 =	sadd.s32 s3, s12;
	s15 =	sand.u32 $0x1FFFFFF0, s13;
	s16 =	spop (v2sf)  }
0x96: {  	[tilespmem:s29], [sflag:$0x4] =	stream.linear.gather [hbm4b:s14+s1], $0x80, $0x38;
	[tilespmem:$0x10400] =	vst v63  }
0x97: {  	s18 =	sadd.s32 $0x800, s2;
	(v2sf) =	vpush v1, $0x8;
	s8 =	sadd.s32 s4, s15;
	s13 =	spop (v2sf)  }
0x98: {  	[tilespmem:s28], [sflag:$0xC] =	stream.linear.gather [hbm4b:s8+s1], $0x80, $0x38;
	[tilespmem:$0x10400] =	vst v63  }
0x99: {  	s10 =	sadd.s32 $0xB00, s2;
	s12 =	sand.u32 $0x1FFFFFF0, s16;
	(v2sf) =	vpush v63, $0x8;
	s16 =	spop (v2sf)  }
0x9a: {  	s14 =	sadd.s32 s3, s12;
	s15 =	sand.u32 $0x1FFFFFF0, s13;
	s29 =	spop (v2sf)  }
0x9b: {  	[tilespmem:s25], [sflag:$0x5] =	stream.linear.gather [hbm4b:s14+s1], $0x80, $0x38;
	[tilespmem:$0x10400] =	vst v63  }
0x9c: {  	(v2sf) =	vpush v1, $0x9;
	s28 =	sand.u32 $0x1FFFFFF0, s16;
	s25 =	sadd.s32 s4, s15;
	s13 =	spop (v2sf)  }
0x9d: {  	(v2sf) =	vpush v63, $0x9;
	[tilespmem:s26], [sflag:$0xD] =	stream.linear.gather [hbm4b:s25+s1], $0x80, $0x38;
	[tilespmem:$0x10400] =	vst v63  }
0x9e: {  	s8 =	sadd.s32 s3, s28;
	s12 =	sand.u32 $0x1FFFFFF0, s29;
	s16 =	spop (v2sf)  }
0x9f: {  	[tilespmem:s19], [sflag:$0x6] =	stream.linear.gather [hbm4b:s8+s1], $0x80, $0x38;
	[tilespmem:$0x10400] =	vst v63  }
0xa0: {  	s14 =	sadd.s32 s4, s12;
	s15 =	sand.u32 $0x1FFFFFF0, s13;
	s25 =	spop (v2sf)  }
0xa1: {  	(v2sf) =	vpush v1, $0xA;
	[tilespmem:s24], [sflag:$0xE] =	stream.linear.gather [hbm4b:s14+s1], $0x80, $0x38;
	[tilespmem:$0x10400] =	vst v63  }
0xa2: {  	s19 =	sadd.s32 s3, s15;
	s24 =	sand.u32 $0x1FFFFFF0, s16;
	s28 =	sand.u32 $0x1FFFFFF0, s25  }
0xa3: {  	(v2sf) =	vpush v63, $0xA;
	[tilespmem:s23], [sflag:$0x7] =	stream.linear.gather [hbm4b:s19+s1], $0x80, $0x38;
	[tilespmem:$0x10400] =	vst v63  }
0xa4: {  	s29 =	spop (v2sf);
	s26 =	sadd.s32 s4, s24;
	s6 =	sadd.s32 s3, s28  }
0xa5: {  	[tilespmem:s22], [sflag:$0xF] =	stream.linear.gather [hbm4b:s26+s1], $0x80, $0x38;
	[tilespmem:$0x10400] =	vst v63  }
0xa6: {  	s8 =	sand.u32 $0x1FFFFFF0, s29;
	s12 =	spop (v2sf);
	s24 =	rddreg [dreg:$0x14]  }
0xa7: {  	(v2sf) =	vpush v1, $0xB;
	[tilespmem:s21], [sflag:$0x8] =	stream.linear.gather [hbm4b:s6+s1], $0x80, $0x38;
	[tilespmem:$0x10400] =	vst v63  }
0xa8: {  	s29 =	rddreg [dreg:$0xc];
	s13 =	sadd.s32 s4, s8;
	s15 =	spop (v2sf)  }
0xa9: {  	(v2sf) =	vpush v63, $0xB;
	s14 =	sand.u32 $0x1FFFFFF0, s12;
	s8 =	rddreg [dreg:$0xa];
	s19 =	sand.u32 $0x1FFFFFF0, s15  }
0xaa: {  	(v2sf) =	vpush v1, $0xC;
	[tilespmem:s20], [sflag:$0x10] =	stream.linear.gather [hbm4b:s13+s1], $0x80, $0x38;
	[tilespmem:$0x10400] =	vst v63  }
0xab: {  	s16 =	sadd.s32 s3, s14;
	s20 =	spop (v2sf);
	s21 =	sadd.s32 s4, s19  }
0xac: {  	(v2sf) =	vpush v63, $0xC;
	s13 =	rddreg [dreg:$0x10];
	s22 =	sand.u32 $0x1FFFFFF0, s20;
	s23 =	spop (v2sf)  }
0xad: {  	[tilespmem:s18], [sflag:$0x1] =	stream.linear.gather [hbm4b:s16+s1], $0x80, $0x38;
	[tilespmem:$0x10400] =	vst v63  }
0xae: {  	s25 =	sadd.s32 s3, s22;
	s26 =	sand.u32 $0x1FFFFFF0, s23;
	s18 =	rddreg [dreg:$0xe]  }
0xaf: {  	[tilespmem:s24], [sflag:$0x9] =	stream.linear.gather [hbm4b:s21+s1], $0x80, $0x38;
	[tilespmem:$0x10400] =	vst v63  }
0xb0: {  	s28 =	spop (v2sf);
	s22 =	rddreg [dreg:$0x6];
	s6 =	sadd.s32 s4, s26  }
0xb1: {  	[tilespmem:s29], [sflag:$0x2] =	stream.linear.gather [hbm4b:s25+s1], $0x80, $0x38;
	[tilespmem:$0x10400] =	vst v63  }
0xb2: {  	s7 =	sand.u32 $0x1FFFFFF0, s28;
	s26 =	rddreg [dreg:$0x12];
	s12 =	spop (v2sf)  }
0xb3: {  	[tilespmem:s13], [sflag:$0xA] =	stream.linear.gather [hbm4b:s6+s1], $0x80, $0x38;
	[tilespmem:$0x10400] =	vst v63  }
0xb4: {  	s14 =	sadd.s32 s3, s7;
	s7 =	rddreg [dreg:$0x4];
	s15 =	sand.u32 $0x1FFFFFF0, s12  }
0xb5: {  	[tilespmem:s18], [sflag:$0x3] =	stream.linear.gather [hbm4b:s14+s1], $0x80, $0x38;
	[tilespmem:$0x10400] =	vst v63  }
0xb6: {  	s16 =	spop (v2sf);
	s19 =	sadd.s32 s4, s15;
	s29 =	rddreg [dreg:$0x8]  }
0xb7: {  	(v2sf) =	vpush v1, $0xD;
	[tilespmem:s22], [sflag:$0xB] =	stream.linear.gather [hbm4b:s19+s1], $0x80, $0x38;
	[tilespmem:$0x10400] =	vst v63  }
.Ltmp0:
0xb8: {  	(v2sf) =	vpush v63, $0xD;
	s20 =	sand.u32 $0x1FFFFFF0, s16;
	s21 =	spop (v2sf);
	(pc) =	sbr.rel @p0 .LBB2_2-.Ltmp0, $4  }
0xb9: {  	(v2sf) =	vpush v1, $0xE;
	s23 =	sadd.s32 s3, s20;
	s24 =	sand.u32 $0x1FFFFFF0, s21;
	s25 =	spop (v2sf)  }
0xba: {  	(v2sf) =	vpush v63, $0xE;
	[tilespmem:s26], [sflag:$0x4] =	stream.linear.gather [hbm4b:s23+s1], $0x80, $0x38;
	[tilespmem:$0x10400] =	vst v63  }
0xbb: {  	(v2sf) =	vpush v1, $0xF;
	s28 =	sadd.s32 s4, s24;
	s6 =	sand.u32 $0x1FFFFFF0, s25;
	s0 =	spop (v2sf)  }
0xbc: {  	(v2sf) =	vpush v63, $0xF;
	[tilespmem:s29], [sflag:$0xC] =	stream.linear.gather [hbm4b:s28+s1], $0x80, $0x38;
	[tilespmem:$0x10400] =	vst v63  }
0xbd: {  	_ =	sdelay $0x4  }
0xbe: {  	s5 =	sadd.s32 s3, s6;
	s0 =	sand.u32 $0x1FFFFFF0, s0  }
0xbf: {  	[tilespmem:s11], [sflag:$0x5] =	stream.linear.gather [hbm4b:s5+s1], $0x80, $0x38;
	[tilespmem:$0x10400] =	vst v63  }
0xc0: {  	s0 =	sadd.s32 s4, s0  }
0xc1: {  	[tilespmem:s17], [sflag:$0xD] =	stream.linear.gather [hbm4b:s0+s1], $0x80, $0x38;
	[tilespmem:$0x10400] =	vst v63  }
0xc2: {  	s23 =	spop (v2sf)  }
0xc3: {  	s0 =	sand.u32 $0x1FFFFFF0, s23  }
0xc4: {  	s24 =	spop (v2sf);
	s0 =	sadd.s32 s3, s0  }
0xc5: {  	[tilespmem:s7], [sflag:$0x6] =	stream.linear.gather [hbm4b:s0+s1], $0x80, $0x38;
	[tilespmem:$0x10400] =	vst v63  }
0xc6: {  	s0 =	sand.u32 $0x1FFFFFF0, s24  }
0xc7: {  	s25 =	spop (v2sf);
	s0 =	sadd.s32 s4, s0  }
0xc8: {  	[tilespmem:s8], [sflag:$0xE] =	stream.linear.gather [hbm4b:s0+s1], $0x80, $0x38;
	[tilespmem:$0x10400] =	vst v63  }
0xc9: {  	s0 =	sand.u32 $0x1FFFFFF0, s25  }
0xca: {  	s26 =	spop (v2sf);
	s0 =	sadd.s32 s3, s0  }
0xcb: {  	[tilespmem:s10], [sflag:$0x7] =	stream.linear.gather [hbm4b:s0+s1], $0x80, $0x38;
	[tilespmem:$0x10400] =	vst v63  }
0xcc: {  	s0 =	sand.u32 $0x1FFFFFF0, s26  }
0xcd: {  	s28 =	spop (v2sf);
	s0 =	sadd.s32 s4, s0  }
0xce: {  	[tilespmem:s31], [sflag:$0xF] =	stream.linear.gather [hbm4b:s0+s1], $0x80, $0x38;
	[tilespmem:$0x10400] =	vst v63  }
0xcf: {  	s0 =	sand.u32 $0x1FFFFFF0, s28  }
0xd0: {  	s29 =	sadd.s32 $0xB80, s2;
	s30 =	spop (v2sf);
	s0 =	sadd.s32 s3, s0  }
0xd1: {  	[tilespmem:s29], [sflag:$0x8] =	stream.linear.gather [hbm4b:s0+s1], $0x80, $0x38;
	[tilespmem:$0x10400] =	vst v63  }
0xd2: {  	s0 =	sand.u32 $0x1FFFFFF0, s30  }
0xd3: {  	s31 =	sadd.s32 $0x8B80, s2;
	s2 =	simm.s32 $0x1;
	s0 =	sadd.s32 s4, s0  }
0xd4: {  	[tilespmem:s31], [sflag:$0x10] =	stream.linear.gather [hbm4b:s0+s1], $0x80, $0x38;
	[tilespmem:$0x10400] =	vst v63  }
0xd5: {  	_ =	swait.ge [sflag:s2], $0x80  }
0xd6: {  	[sflag:s2] =	ssyncset.done $0x0  }
0xd7: {  	s5 =	simm.s32 $0x9;
	[sflag:s2] =	ssyncadd.s32 $0xFFFFFF80  }
0xd8: {  	_ =	swait.ge [sflag:s5], $0x80  }
0xd9: {  	[sflag:s5] =	ssyncset.done $0x0  }
0xda: {  	s6 =	simm.s32 $0x2;
	[sflag:s5] =	ssyncadd.s32 $0xFFFFFF80  }
0xdb: {  	_ =	swait.ge [sflag:s6], $0x80  }
0xdc: {  	[sflag:s6] =	ssyncset.done $0x0  }
0xdd: {  	s7 =	simm.s32 $0xA;
	[sflag:s6] =	ssyncadd.s32 $0xFFFFFF80  }
0xde: {  	_ =	swait.ge [sflag:s7], $0x80  }
0xdf: {  	[sflag:s7] =	ssyncset.done $0x0  }
0xe0: {  	s8 =	simm.s32 $0x3;
	[sflag:s7] =	ssyncadd.s32 $0xFFFFFF80  }
0xe1: {  	_ =	swait.ge [sflag:s8], $0x80  }
0xe2: {  	[sflag:s8] =	ssyncset.done $0x0  }
0xe3: {  	s9 =	simm.s32 $0xB;
	[sflag:s8] =	ssyncadd.s32 $0xFFFFFF80  }
0xe4: {  	_ =	swait.ge [sflag:s9], $0x80  }
0xe5: {  	[sflag:s9] =	ssyncset.done $0x0  }
0xe6: {  	s10 =	simm.s32 $0x4;
	[sflag:s9] =	ssyncadd.s32 $0xFFFFFF80  }
0xe7: {  	_ =	swait.ge [sflag:s10], $0x80  }
0xe8: {  	[sflag:s10] =	ssyncset.done $0x0  }
0xe9: {  	s11 =	simm.s32 $0xC;
	[sflag:s10] =	ssyncadd.s32 $0xFFFFFF80  }
0xea: {  	_ =	swait.ge [sflag:s11], $0x80  }
0xeb: {  	[sflag:s11] =	ssyncset.done $0x0  }
0xec: {  	s12 =	simm.s32 $0x5;
	[sflag:s11] =	ssyncadd.s32 $0xFFFFFF80  }
0xed: {  	_ =	swait.ge [sflag:s12], $0x80  }
0xee: {  	[sflag:s12] =	ssyncset.done $0x0  }
0xef: {  	s13 =	simm.s32 $0xD;
	[sflag:s12] =	ssyncadd.s32 $0xFFFFFF80  }
0xf0: {  	_ =	swait.ge [sflag:s13], $0x80  }
0xf1: {  	[sflag:s13] =	ssyncset.done $0x0  }
0xf2: {  	s14 =	simm.s32 $0x6;
	[sflag:s13] =	ssyncadd.s32 $0xFFFFFF80  }
0xf3: {  	_ =	swait.ge [sflag:s14], $0x80  }
0xf4: {  	[sflag:s14] =	ssyncset.done $0x0  }
0xf5: {  	s15 =	simm.s32 $0xE;
	[sflag:s14] =	ssyncadd.s32 $0xFFFFFF80  }
0xf6: {  	_ =	swait.ge [sflag:s15], $0x80  }
0xf7: {  	[sflag:s15] =	ssyncset.done $0x0  }
0xf8: {  	s16 =	simm.s32 $0x7;
	[sflag:s15] =	ssyncadd.s32 $0xFFFFFF80  }
0xf9: {  	_ =	swait.ge [sflag:s16], $0x80  }
0xfa: {  	[sflag:s16] =	ssyncset.done $0x0  }
0xfb: {  	s17 =	simm.s32 $0xF;
	[sflag:s16] =	ssyncadd.s32 $0xFFFFFF80  }
0xfc: {  	_ =	swait.ge [sflag:s17], $0x80  }
0xfd: {  	[sflag:s17] =	ssyncset.done $0x0  }
0xfe: {  	s18 =	simm.s32 $0x8;
	[sflag:s17] =	ssyncadd.s32 $0xFFFFFF80  }
0xff: {  	_ =	swait.ge [sflag:s18], $0x80  }
0x100: {  	[sflag:s18] =	ssyncset.done $0x0  }
0x101: {  	s19 =	simm.s32 $0x10;
	[sflag:s18] =	ssyncadd.s32 $0xFFFFFF80  }
0x102: {  	_ =	swait.ge [sflag:s19], $0x80  }
0x103: {  	s0 =	simm.s32 $0x1F;
	[sflag:s19] =	ssyncset.done $0x0  }
.LBB2_4:
0x104: {  	p0 =	sne.s32 s0, $0x1;
	s0 =	sadd.s32 $0xFFFFFFFF, s0;
	[sflag:s19] =	ssyncadd.s32 $0xFFFFFF80  }
0x105: {  	_ =	swait.ge [sflag:s2], $0x80  }
0x106: {  	[sflag:s2] =	ssyncset.done $0x0  }
0x107: {  	[sflag:s2] =	ssyncadd.s32 $0xFFFFFF80  }
0x108: {  	_ =	swait.ge [sflag:s5], $0x80  }
0x109: {  	[sflag:s5] =	ssyncset.done $0x0  }
0x10a: {  	[sflag:s5] =	ssyncadd.s32 $0xFFFFFF80  }
0x10b: {  	_ =	swait.ge [sflag:s6], $0x80  }
0x10c: {  	[sflag:s6] =	ssyncset.done $0x0  }
0x10d: {  	[sflag:s6] =	ssyncadd.s32 $0xFFFFFF80  }
0x10e: {  	_ =	swait.ge [sflag:s7], $0x80  }
0x10f: {  	[sflag:s7] =	ssyncset.done $0x0  }
0x110: {  	[sflag:s7] =	ssyncadd.s32 $0xFFFFFF80  }
0x111: {  	_ =	swait.ge [sflag:s8], $0x80  }
0x112: {  	[sflag:s8] =	ssyncset.done $0x0  }
0x113: {  	[sflag:s8] =	ssyncadd.s32 $0xFFFFFF80  }
0x114: {  	_ =	swait.ge [sflag:s9], $0x80  }
0x115: {  	[sflag:s9] =	ssyncset.done $0x0  }
0x116: {  	[sflag:s9] =	ssyncadd.s32 $0xFFFFFF80  }
0x117: {  	_ =	swait.ge [sflag:s10], $0x80  }
0x118: {  	[sflag:s10] =	ssyncset.done $0x0  }
0x119: {  	[sflag:s10] =	ssyncadd.s32 $0xFFFFFF80  }
0x11a: {  	_ =	swait.ge [sflag:s11], $0x80  }
0x11b: {  	[sflag:s11] =	ssyncset.done $0x0  }
0x11c: {  	[sflag:s11] =	ssyncadd.s32 $0xFFFFFF80  }
0x11d: {  	_ =	swait.ge [sflag:s12], $0x80  }
0x11e: {  	[sflag:s12] =	ssyncset.done $0x0  }
0x11f: {  	[sflag:s12] =	ssyncadd.s32 $0xFFFFFF80  }
0x120: {  	_ =	swait.ge [sflag:s13], $0x80  }
0x121: {  	[sflag:s13] =	ssyncset.done $0x0  }
0x122: {  	[sflag:s13] =	ssyncadd.s32 $0xFFFFFF80  }
0x123: {  	_ =	swait.ge [sflag:s14], $0x80  }
0x124: {  	[sflag:s14] =	ssyncset.done $0x0  }
0x125: {  	[sflag:s14] =	ssyncadd.s32 $0xFFFFFF80  }
0x126: {  	_ =	swait.ge [sflag:s15], $0x80  }
0x127: {  	[sflag:s15] =	ssyncset.done $0x0  }
0x128: {  	[sflag:s15] =	ssyncadd.s32 $0xFFFFFF80  }
0x129: {  	_ =	swait.ge [sflag:s16], $0x80  }
0x12a: {  	[sflag:s16] =	ssyncset.done $0x0  }
0x12b: {  	[sflag:s16] =	ssyncadd.s32 $0xFFFFFF80  }
0x12c: {  	_ =	swait.ge [sflag:s17], $0x80  }
0x12d: {  	[sflag:s17] =	ssyncset.done $0x0  }
0x12e: {  	[sflag:s17] =	ssyncadd.s32 $0xFFFFFF80  }
.Ltmp1:
0x12f: {  	_ =	swait.ge [sflag:s18], $0x80;
	(pc) =	sbr.rel @p0 .LBB2_4-.Ltmp1, $4  }
0x130: {  	[sflag:s18] =	ssyncset.done $0x0  }
0x131: {  	[sflag:s18] =	ssyncadd.s32 $0xFFFFFF80  }
0x132: {  	_ =	swait.ge [sflag:s19], $0x80  }
0x133: {  	[sflag:s19] =	ssyncset.done $0x0  }
0x134: {  	[sflag:s19] =	ssyncadd.s32 $0xFFFFFF80;
	s0 =	simm.s32 $0x0  }
0x135: {  	s2 =	rddreg [dreg:$0x18];
	s5 =	simm.s32 $0x400;
	s11 =	simm.s32 $0x11  }
0x136: {  	[hbm4b:s2+s0] =	stream.linear.scatter [tilespmem:s5], [sflag:$0x11], $0x8000, $0x38;
	[tilespmem:$0x10400] =	vst v63  }
0x137: {  	_ =	swait.ge [sflag:s11], $0x8000  }
0x138: {  	[sflag:s11] =	ssyncset.done $0x0  }
0x139: {  	s6 =	simm.s32 $0x8400;
	s12 =	rddreg [dreg:$0x19];
	[sflag:s11] =	ssyncadd.s32 $0xFFFF8000  }
0x13a: {  	[hbm4b:s12+s0] =	stream.linear.scatter [tilespmem:s6], [sflag:$0x11], $0x8000, $0x38;
	[tilespmem:$0x10400] =	vst v63  }
0x13b: {  	_ =	swait.ge [sflag:s11], $0x8000  }
0x13c: {  	[sflag:s11] =	ssyncset.done $0x0  }
0x13d: {  	s13 =	simm.s32 $0x100;
	[sflag:s11] =	ssyncadd.s32 $0xFFFF8000  }
0x13e: {  	v0 =	vld [tilespmem:s13+$0x0]  }
0x13f: {  	s14 =	simm.s32 $0x300  }
0x140: {  	v2 =	vld [tilespmem:s14+$0x0];
	_ =	sdelay $0x2  }
0x141: {  	v1 =	vshll.u32 v0, $0x4  }
0x142: {  	(v2sf) =	vpush v1, $0x0  }
0x143: {  	v63 =	vshll.u32 v2, $0x4  }
0x144: {  	(v2sf) =	vpush v63, $0x0;
	_ =	sdelay $0x1  }
0x145: {  	(v2sf) =	vpush v1, $0x1  }
0x146: {  	(v2sf) =	vpush v63, $0x1  }
0x147: {  	(v2sf) =	vpush v1, $0x2;
	_ =	sdelay $0x1  }
0x148: {  	(v2sf) =	vpush v63, $0x2;
	_ =	sdelay $0x1  }
0x149: {  	(v2sf) =	vpush v1, $0x3  }
0x14a: {  	s7 =	simm.s32 $0x8400  }
0x14b: {  	s9 =	simm.s32 $0x880;
	s8 =	simm.s32 $0x400;
	s17 =	simm.s32 $0x480  }
0x14c: {  	s20 =	simm.s32 $0x8480;
	s22 =	simm.s32 $0x500;
	s25 =	simm.s32 $0x8500  }
0x14d: {  	s30 =	simm.s32 $0x110;
	s31 =	simm.s32 $0x8B00;
	s5 =	simm.s32 $0x2000  }
0x14e: {  	s2 =	simm.s32 $0x0;
	s6 =	simm.s32 $0x680;
	s10 =	spop (v2sf)  }
0x14f: {  	s0 =	simm.s32 $0x8900;
	s12 =	simm.s32 $0x580;
	(v2sf) =	vpush v63, $0x3;
	s10 =	sand.u32 $0x1FFFFFF0, s10  }
0x150: {  	s11 =	simm.s32 $0x600;
	s13 =	spop (v2sf);
	s10 =	sadd.s32 s3, s10  }
0x151: {  	(v2sf) =	vpush v1, $0x4;
	[tilespmem:s8], [sflag:$0x1] =	stream.linear.gather [hbm4b:s10+s1], $0x80, $0x38;
	[tilespmem:$0x10400] =	vst v63  }
0x152: {  	(v2sf) =	vpush v63, $0x4;
	s15 =	sand.u32 $0x1FFFFFF0, s13;
	s16 =	spop (v2sf);
	s8 =	simm.s32 $0x8580  }
0x153: {  	s10 =	sadd.s32 s4, s15;
	s13 =	sand.u32 $0x1FFFFFF0, s16;
	s14 =	spop (v2sf)  }
0x154: {  	s15 =	simm.s32 $0x8600;
	s19 =	sand.u32 $0x1FFFFFF0, s14;
	s21 =	spop (v2sf)  }
0x155: {  	(v2sf) =	vpush v1, $0x5;
	[tilespmem:s7], [sflag:$0x9] =	stream.linear.gather [hbm4b:s10+s1], $0x80, $0x38;
	[tilespmem:$0x10400] =	vst v63  }
0x156: {  	s18 =	sadd.s32 s3, s13;
	(v2sf) =	vpush v63, $0x5;
	s13 =	sadd.s32 s4, s19;
	s23 =	spop (v2sf)  }
0x157: {  	[tilespmem:s17], [sflag:$0x2] =	stream.linear.gather [hbm4b:s18+s1], $0x80, $0x38;
	[tilespmem:$0x10400] =	vst v63  }
0x158: {  	(v2sf) =	vpush v1, $0x6;
	s10 =	sand.u32 $0x1FFFFFF0, s21;
	s21 =	simm.s32 $0x8680;
	s24 =	spop (v2sf)  }
0x159: {  	[tilespmem:s20], [sflag:$0xA] =	stream.linear.gather [hbm4b:s13+s1], $0x80, $0x38;
	[tilespmem:$0x10400] =	vst v63  }
0x15a: {  	s10 =	sadd.s32 s3, s10;
	s28 =	sand.u32 $0x1FFFFFF0, s24;
	s13 =	sand.u32 $0x1FFFFFF0, s23  }
0x15b: {  	[tilespmem:s22], [sflag:$0x3] =	stream.linear.gather [hbm4b:s10+s1], $0x80, $0x38;
	[tilespmem:$0x10400] =	vst v63  }
0x15c: {  	(v2sf) =	vpush v63, $0x6;
	s17 =	simm.s32 $0x8A00;
	s14 =	sadd.s32 s3, s28;
	s26 =	sadd.s32 s4, s13  }
0x15d: {  	[tilespmem:s25], [sflag:$0xB] =	stream.linear.gather [hbm4b:s26+s1], $0x80, $0x38;
	[tilespmem:$0x10400] =	vst v63  }
0x15e: {  	s23 =	simm.s32 $0x700;
	s13 =	simm.s32 $0x8700;
	s29 =	spop (v2sf)  }
0x15f: {  	[tilespmem:s12], [sflag:$0x4] =	stream.linear.gather [hbm4b:s14+s1], $0x80, $0x38;
	[tilespmem:$0x10400] =	vst v63  }
0x160: {  	s10 =	simm.s32 $0xB00;
	(v2sf) =	vpush v1, $0x7;
	s7 =	sand.u32 $0x1FFFFFF0, s29;
	s16 =	spop (v2sf)  }
0x161: {  	s7 =	sadd.s32 s4, s7;
	s12 =	sand.u32 $0x1FFFFFF0, s16;
	s18 =	spop (v2sf)  }
0x162: {  	(v2sf) =	vpush v63, $0x7;
	[tilespmem:s8], [sflag:$0xC] =	stream.linear.gather [hbm4b:s7+s1], $0x80, $0x38;
	[tilespmem:$0x10400] =	vst v63  }
0x163: {  	(v2sf) =	vpush v1, $0x8;
	s16 =	simm.s32 $0x780;
	s7 =	simm.s32 $0xA80;
	s19 =	sadd.s32 s3, s12  }
0x164: {  	s20 =	sand.u32 $0x1FFFFFF0, s18;
	s22 =	spop (v2sf);
	s8 =	simm.s32 $0x8A80  }
0x165: {  	(v2sf) =	vpush v63, $0x8;
	s12 =	sadd.s32 s4, s20;
	s24 =	spop (v2sf);
	s20 =	simm.s32 $0x8780  }
0x166: {  	[tilespmem:s11], [sflag:$0x5] =	stream.linear.gather [hbm4b:s19+s1], $0x80, $0x38;
	[tilespmem:$0x10400] =	vst v63  }
0x167: {  	(v2sf) =	vpush v1, $0x9;
	s11 =	sand.u32 $0x1FFFFFF0, s22;
	s25 =	spop (v2sf);
	s22 =	simm.s32 $0x800  }
0x168: {  	[tilespmem:s15], [sflag:$0xD] =	stream.linear.gather [hbm4b:s12+s1], $0x80, $0x38;
	[tilespmem:$0x10400] =	vst v63  }
0x169: {  	(v2sf) =	vpush v63, $0x9;
	s11 =	sadd.s32 s3, s11;
	s28 =	sand.u32 $0x1FFFFFF0, s25;
	s12 =	sand.u32 $0x1FFFFFF0, s24  }
0x16a: {  	[tilespmem:s6], [sflag:$0x6] =	stream.linear.gather [hbm4b:s11+s1], $0x80, $0x38;
	[tilespmem:$0x10400] =	vst v63  }
0x16b: {  	s29 =	spop (v2sf);
	(v2sf) =	vpush v1, $0xA;
	s25 =	simm.s32 $0x8800;
	s26 =	sadd.s32 s4, s12  }
0x16c: {  	[tilespmem:s21], [sflag:$0xE] =	stream.linear.gather [hbm4b:s26+s1], $0x80, $0x38;
	[tilespmem:$0x10400] =	vst v63  }
0x16d: {  	(v2sf) =	vpush v63, $0xA;
	s12 =	sadd.s32 s3, s28;
	s6 =	simm.s32 $0x8980;
	s11 =	sand.u32 $0x1FFFFFF0, s29  }
0x16e: {  	[tilespmem:s23], [sflag:$0x7] =	stream.linear.gather [hbm4b:s12+s1], $0x80, $0x38;
	[tilespmem:$0x10400] =	vst v63  }
0x16f: {  	s29 =	simm.s32 $0x8880;
	s11 =	sadd.s32 s4, s11;
	s14 =	spop (v2sf);
	(v2sf) =	vpush v1, $0xB  }
0x170: {  	[tilespmem:s13], [sflag:$0xF] =	stream.linear.gather [hbm4b:s11+s1], $0x80, $0x38;
	[tilespmem:$0x10400] =	vst v63  }
0x171: {  	s12 =	sand.u32 $0x1FFFFFF0, s14;
	s15 =	spop (v2sf);
	(v2sf) =	vpush v63, $0xB;
	s14 =	simm.s32 $0x900  }
0x172: {  	s18 =	sadd.s32 s3, s12;
	s19 =	sand.u32 $0x1FFFFFF0, s15;
	s21 =	spop (v2sf)  }
0x173: {  	[tilespmem:s16], [sflag:$0x8] =	stream.linear.gather [hbm4b:s18+s1], $0x80, $0x38;
	[tilespmem:$0x10400] =	vst v63  }
0x174: {  	s12 =	sadd.s32 s4, s19;
	s11 =	sand.u32 $0x1FFFFFF0, s21;
	s23 =	spop (v2sf)  }
0x175: {  	(v2sf) =	vpush v1, $0xC;
	[tilespmem:s20], [sflag:$0x10] =	stream.linear.gather [hbm4b:s12+s1], $0x80, $0x38;
	[tilespmem:$0x10400] =	vst v63  }
0x176: {  	s11 =	sadd.s32 s3, s11;
	s24 =	spop (v2sf);
	s12 =	sand.u32 $0x1FFFFFF0, s23  }
0x177: {  	(v2sf) =	vpush v63, $0xC;
	[tilespmem:s22], [sflag:$0x1] =	stream.linear.gather [hbm4b:s11+s1], $0x80, $0x38;
	[tilespmem:$0x10400] =	vst v63  }
0x178: {  	s28 =	sand.u32 $0x1FFFFFF0, s24;
	s13 =	spop (v2sf);
	s26 =	sadd.s32 s4, s12  }
0x179: {  	[tilespmem:s25], [sflag:$0x9] =	stream.linear.gather [hbm4b:s26+s1], $0x80, $0x38;
	[tilespmem:$0x10400] =	vst v63  }
0x17a: {  	s12 =	sadd.s32 s3, s28;
	s15 =	spop (v2sf);
	s11 =	sand.u32 $0x1FFFFFF0, s13  }
0x17b: {  	[tilespmem:s9], [sflag:$0x2] =	stream.linear.gather [hbm4b:s12+s1], $0x80, $0x38;
	[tilespmem:$0x10400] =	vst v63  }
0x17c: {  	s16 =	spop (v2sf);
	s11 =	sadd.s32 s4, s11;
	s12 =	sand.u32 $0x1FFFFFF0, s15  }
0x17d: {  	[tilespmem:s29], [sflag:$0xA] =	stream.linear.gather [hbm4b:s11+s1], $0x80, $0x38;
	[tilespmem:$0x10400] =	vst v63  }
0x17e: {  	s19 =	sand.u32 $0x1FFFFFF0, s16;
	s18 =	sadd.s32 s3, s12;
	s20 =	spop (v2sf)  }
0x17f: {  	[tilespmem:s14], [sflag:$0x3] =	stream.linear.gather [hbm4b:s18+s1], $0x80, $0x38;
	[tilespmem:$0x10400] =	vst v63  }
0x180: {  	s21 =	sadd.s32 s4, s19;
	s22 =	sand.u32 $0x1FFFFFF0, s20;
	s23 =	spop (v2sf)  }
0x181: {  	(v2sf) =	vpush v1, $0xD;
	[tilespmem:s0], [sflag:$0xB] =	stream.linear.gather [hbm4b:s21+s1], $0x80, $0x38;
	[tilespmem:$0x10400] =	vst v63  }
0x182: {  	s24 =	simm.s32 $0x980;
	(v2sf) =	vpush v63, $0xD;
	s25 =	sadd.s32 s3, s22;
	s26 =	sand.u32 $0x1FFFFFF0, s23  }
0x183: {  	(v2sf) =	vpush v1, $0xE;
	[tilespmem:s24], [sflag:$0x4] =	stream.linear.gather [hbm4b:s25+s1], $0x80, $0x38;
	[tilespmem:$0x10400] =	vst v63  }
0x184: {  	s9 =	simm.s32 $0x310;
	s28 =	sadd.s32 s4, s26;
	(v2sf) =	vpush v63, $0xE;
	s29 =	spop (v2sf)  }
0x185: {  	(v2sf) =	vpush v1, $0xF;
	[tilespmem:s6], [sflag:$0xC] =	stream.linear.gather [hbm4b:s28+s1], $0x80, $0x38;
	[tilespmem:$0x10400] =	vst v63  }
0x186: {  	s11 =	simm.s32 $0xA00;
	s0 =	spop (v2sf);
	(v2sf) =	vpush v63, $0xF;
	s6 =	sand.u32 $0x1FFFFFF0, s29  }
.LBB2_6:
0x187: {  	_ =	sdelay $0x4  }
0x188: {  	s6 =	sadd.s32 s3, s6;
	s0 =	sand.u32 $0x1FFFFFF0, s0  }
0x189: {  	[tilespmem:s11], [sflag:$0x5] =	stream.linear.gather [hbm4b:s6+s1], $0x80, $0x38;
	[tilespmem:$0x10400] =	vst v63  }
0x18a: {  	s0 =	sadd.s32 s4, s0  }
0x18b: {  	[tilespmem:s17], [sflag:$0xD] =	stream.linear.gather [hbm4b:s0+s1], $0x80, $0x38;
	[tilespmem:$0x10400] =	vst v63  }
0x18c: {  	s12 =	spop (v2sf)  }
0x18d: {  	s14 =	sand.u32 $0x1FFFFFF0, s12;
	s15 =	spop (v2sf)  }
0x18e: {  	s16 =	sadd.s32 s3, s14;
	s17 =	sand.u32 $0x1FFFFFF0, s15;
	s18 =	spop (v2sf)  }
0x18f: {  	[tilespmem:s7], [sflag:$0x6] =	stream.linear.gather [hbm4b:s16+s1], $0x80, $0x38;
	[tilespmem:$0x10400] =	vst v63  }
0x190: {  	s19 =	sadd.s32 s4, s17;
	s20 =	sand.u32 $0x1FFFFFF0, s18;
	s21 =	spop (v2sf)  }
0x191: {  	[tilespmem:s8], [sflag:$0xE] =	stream.linear.gather [hbm4b:s19+s1], $0x80, $0x38;
	[tilespmem:$0x10400] =	vst v63  }
0x192: {  	s22 =	sadd.s32 s3, s20;
	s23 =	sand.u32 $0x1FFFFFF0, s21;
	s24 =	spop (v2sf)  }
0x193: {  	[tilespmem:s10], [sflag:$0x7] =	stream.linear.gather [hbm4b:s22+s1], $0x80, $0x38;
	[tilespmem:$0x10400] =	vst v63  }
0x194: {  	s25 =	sadd.s32 s4, s23;
	s26 =	sand.u32 $0x1FFFFFF0, s24;
	s28 =	spop (v2sf)  }
0x195: {  	[tilespmem:s31], [sflag:$0xF] =	stream.linear.gather [hbm4b:s25+s1], $0x80, $0x38;
	[tilespmem:$0x10400] =	vst v63  }
0x196: {  	s29 =	sadd.s32 $0xB80, s2;
	s6 =	sadd.s32 s3, s26;
	s7 =	sand.u32 $0x1FFFFFF0, s28  }
0x197: {  	[tilespmem:s29], [sflag:$0x8] =	stream.linear.gather [hbm4b:s6+s1], $0x80, $0x38;
	[tilespmem:$0x10400] =	vst v63  }
0x198: {  	s2 =	sadd.s32 $0x8B80, s2;
	s6 =	sadd.s32 s4, s7  }
0x199: {  	[tilespmem:s2], [sflag:$0x10] =	stream.linear.gather [hbm4b:s6+s1], $0x80, $0x38;
	[tilespmem:$0x10400] =	vst v63  }
0x19a: {  	v0 =	vld [tilespmem:s30+$0x0]  }
0x19b: {  	v2 =	vld [tilespmem:s9+$0x0];
	_ =	sdelay $0x3  }
0x19c: {  	v1 =	vshll.u32 v0, $0x4  }
0x19d: {  	v63 =	vshll.u32 v2, $0x4;
	(v2sf) =	vpush v1, $0x0  }
0x19e: {  	s7 =	smov.u32 s5;
	(v2sf) =	vpush v63, $0x0  }
0x19f: {  	p0 =	sne.s32 s5, $0x1E000;
	s5 =	sadd.s32 $0x2000, s5;
	s2 =	sshra.s32 s7, $0x2;
	(v2sf) =	vpush v1, $0x1  }
0x1a0: {  	s12 =	sadd.s32 $0x8400, s2;
	s19 =	sadd.s32 $0x680, s2;
	s0 =	sadd.s32 $0x880, s2  }
0x1a1: {  	s14 =	sadd.s32 $0x400, s2;
	s25 =	sadd.s32 $0x600, s2;
	s8 =	sadd.s32 $0x8900, s2;
	(v2sf) =	vpush v63, $0x1  }
0x1a2: {  	s29 =	sadd.s32 $0x580, s2;
	s28 =	sadd.s32 $0x8580, s2;
	s17 =	sadd.s32 $0x8A00, s2  }
0x1a3: {  	s6 =	sadd.s32 $0x500, s2;
	s26 =	sadd.s32 $0x8600, s2;
	s10 =	sadd.s32 $0xA80, s2;
	(v2sf) =	vpush v1, $0x2  }
0x1a4: {  	s13 =	sadd.s32 $0x8480, s2;
	s24 =	sadd.s32 $0x8680, s2;
	[dreg:$0xd] =	wrdreg s0  }
0x1a5: {  	s23 =	sadd.s32 $0x700, s2;
	s11 =	sadd.s32 $0x8980, s2;
	[dreg:$0x7] =	wrdreg s8;
	(v2sf) =	vpush v63, $0x2  }
0x1a6: {  	s15 =	sadd.s32 $0x8A80, s2;
	s22 =	sadd.s32 $0x8700, s2;
	[dreg:$0x5] =	wrdreg s10  }
0x1a7: {  	s16 =	sadd.s32 $0x8880, s2;
	s18 =	sadd.s32 $0x900, s2;
	[dreg:$0x9] =	wrdreg s11;
	(v2sf) =	vpush v1, $0x3  }
0x1a8: {  	s21 =	sadd.s32 $0x780, s2;
	s20 =	sadd.s32 $0x8800, s2;
	[dreg:$0xb] =	wrdreg s15  }
0x1a9: {  	s30 =	sadd.s32 $0x10, s30;
	s9 =	sadd.s32 $0x10, s9;
	[dreg:$0x11] =	wrdreg s16;
	(v2sf) =	vpush v63, $0x3  }
0x1aa: {  	s31 =	sadd.s32 $0x8B00, s2;
	s0 =	sadd.s32 $0x8500, s2;
	[dreg:$0xf] =	wrdreg s18  }
0x1ab: {  	[dreg:$0x15] =	wrdreg s20;
	s11 =	sadd.s32 $0xA00, s2;
	s15 =	sadd.s32 $0x480, s2;
	(v2sf) =	vpush v1, $0x4  }
0x1ac: {  	s20 =	sadd.s32 $0x8780, s2;
	s8 =	sadd.s32 $0x980, s2;
	s16 =	spop (v2sf)  }
0x1ad: {  	[dreg:$0x13] =	wrdreg s8;
	s16 =	sand.u32 $0x1FFFFFF0, s16;
	s8 =	spop (v2sf);
	(v2sf) =	vpush v63, $0x4  }
0x1ae: {  	s16 =	sadd.s32 s3, s16;
	s7 =	sand.u32 $0x1FFFFFF0, s8;
	s8 =	spop (v2sf)  }
0x1af: {  	(v2sf) =	vpush v1, $0x5;
	[tilespmem:s14], [sflag:$0x1] =	stream.linear.gather [hbm4b:s16+s1], $0x80, $0x38;
	[tilespmem:$0x10400] =	vst v63  }
0x1b0: {  	s7 =	sadd.s32 s4, s7;
	s8 =	sand.u32 $0x1FFFFFF0, s8;
	s16 =	spop (v2sf);
	(v2sf) =	vpush v63, $0x5  }
0x1b1: {  	[tilespmem:s12], [sflag:$0x9] =	stream.linear.gather [hbm4b:s7+s1], $0x80, $0x38;
	[tilespmem:$0x10400] =	vst v63  }
0x1b2: {  	s14 =	sand.u32 $0x1FFFFFF0, s16;
	s16 =	spop (v2sf);
	(v2sf) =	vpush v1, $0x6;
	s12 =	sadd.s32 s3, s8  }
0x1b3: {  	[tilespmem:s15], [sflag:$0x2] =	stream.linear.gather [hbm4b:s12+s1], $0x80, $0x38;
	[tilespmem:$0x10400] =	vst v63  }
0x1b4: {  	s14 =	sadd.s32 s4, s14;
	s15 =	sand.u32 $0x1FFFFFF0, s16;
	s16 =	spop (v2sf);
	(v2sf) =	vpush v63, $0x6  }
0x1b5: {  	[tilespmem:s13], [sflag:$0xA] =	stream.linear.gather [hbm4b:s14+s1], $0x80, $0x38;
	[tilespmem:$0x10400] =	vst v63  }
0x1b6: {  	s14 =	sadd.s32 s3, s15;
	s15 =	sand.u32 $0x1FFFFFF0, s16;
	s16 =	spop (v2sf);
	(v2sf) =	vpush v1, $0x7  }
0x1b7: {  	[tilespmem:s6], [sflag:$0x3] =	stream.linear.gather [hbm4b:s14+s1], $0x80, $0x38;
	[tilespmem:$0x10400] =	vst v63  }
0x1b8: {  	s8 =	sadd.s32 s4, s15;
	s12 =	sand.u32 $0x1FFFFFF0, s16;
	s13 =	spop (v2sf)  }
0x1b9: {  	[tilespmem:s0], [sflag:$0xB] =	stream.linear.gather [hbm4b:s8+s1], $0x80, $0x38;
	[tilespmem:$0x10400] =	vst v63  }
0x1ba: {  	(v2sf) =	vpush v63, $0x7;
	s14 =	sadd.s32 s3, s12;
	s15 =	sand.u32 $0x1FFFFFF0, s13;
	s16 =	spop (v2sf)  }
0x1bb: {  	[tilespmem:s29], [sflag:$0x4] =	stream.linear.gather [hbm4b:s14+s1], $0x80, $0x38;
	[tilespmem:$0x10400] =	vst v63  }
0x1bc: {  	s18 =	sadd.s32 $0x800, s2;
	(v2sf) =	vpush v1, $0x8;
	s8 =	sadd.s32 s4, s15;
	s13 =	spop (v2sf)  }
0x1bd: {  	[tilespmem:s28], [sflag:$0xC] =	stream.linear.gather [hbm4b:s8+s1], $0x80, $0x38;
	[tilespmem:$0x10400] =	vst v63  }
0x1be: {  	s10 =	sadd.s32 $0xB00, s2;
	s12 =	sand.u32 $0x1FFFFFF0, s16;
	(v2sf) =	vpush v63, $0x8;
	s16 =	spop (v2sf)  }
0x1bf: {  	s14 =	sadd.s32 s3, s12;
	s15 =	sand.u32 $0x1FFFFFF0, s13;
	s29 =	spop (v2sf)  }
0x1c0: {  	[tilespmem:s25], [sflag:$0x5] =	stream.linear.gather [hbm4b:s14+s1], $0x80, $0x38;
	[tilespmem:$0x10400] =	vst v63  }
0x1c1: {  	(v2sf) =	vpush v1, $0x9;
	s28 =	sand.u32 $0x1FFFFFF0, s16;
	s25 =	sadd.s32 s4, s15;
	s13 =	spop (v2sf)  }
0x1c2: {  	(v2sf) =	vpush v63, $0x9;
	[tilespmem:s26], [sflag:$0xD] =	stream.linear.gather [hbm4b:s25+s1], $0x80, $0x38;
	[tilespmem:$0x10400] =	vst v63  }
0x1c3: {  	s8 =	sadd.s32 s3, s28;
	s12 =	sand.u32 $0x1FFFFFF0, s29;
	s16 =	spop (v2sf)  }
0x1c4: {  	[tilespmem:s19], [sflag:$0x6] =	stream.linear.gather [hbm4b:s8+s1], $0x80, $0x38;
	[tilespmem:$0x10400] =	vst v63  }
0x1c5: {  	s14 =	sadd.s32 s4, s12;
	s15 =	sand.u32 $0x1FFFFFF0, s13;
	s25 =	spop (v2sf)  }
0x1c6: {  	(v2sf) =	vpush v1, $0xA;
	[tilespmem:s24], [sflag:$0xE] =	stream.linear.gather [hbm4b:s14+s1], $0x80, $0x38;
	[tilespmem:$0x10400] =	vst v63  }
0x1c7: {  	s19 =	sadd.s32 s3, s15;
	s24 =	sand.u32 $0x1FFFFFF0, s16;
	s28 =	sand.u32 $0x1FFFFFF0, s25  }
0x1c8: {  	(v2sf) =	vpush v63, $0xA;
	[tilespmem:s23], [sflag:$0x7] =	stream.linear.gather [hbm4b:s19+s1], $0x80, $0x38;
	[tilespmem:$0x10400] =	vst v63  }
0x1c9: {  	s29 =	spop (v2sf);
	s26 =	sadd.s32 s4, s24;
	s6 =	sadd.s32 s3, s28  }
0x1ca: {  	[tilespmem:s22], [sflag:$0xF] =	stream.linear.gather [hbm4b:s26+s1], $0x80, $0x38;
	[tilespmem:$0x10400] =	vst v63  }
0x1cb: {  	s8 =	sand.u32 $0x1FFFFFF0, s29;
	s12 =	spop (v2sf);
	s24 =	rddreg [dreg:$0x15]  }
0x1cc: {  	(v2sf) =	vpush v1, $0xB;
	[tilespmem:s21], [sflag:$0x8] =	stream.linear.gather [hbm4b:s6+s1], $0x80, $0x38;
	[tilespmem:$0x10400] =	vst v63  }
0x1cd: {  	s29 =	rddreg [dreg:$0xd];
	s13 =	sadd.s32 s4, s8;
	s15 =	spop (v2sf)  }
0x1ce: {  	(v2sf) =	vpush v63, $0xB;
	s14 =	sand.u32 $0x1FFFFFF0, s12;
	s8 =	rddreg [dreg:$0xb];
	s19 =	sand.u32 $0x1FFFFFF0, s15  }
0x1cf: {  	(v2sf) =	vpush v1, $0xC;
	[tilespmem:s20], [sflag:$0x10] =	stream.linear.gather [hbm4b:s13+s1], $0x80, $0x38;
	[tilespmem:$0x10400] =	vst v63  }
0x1d0: {  	s16 =	sadd.s32 s3, s14;
	s20 =	spop (v2sf);
	s21 =	sadd.s32 s4, s19  }
0x1d1: {  	(v2sf) =	vpush v63, $0xC;
	s13 =	rddreg [dreg:$0x11];
	s22 =	sand.u32 $0x1FFFFFF0, s20;
	s23 =	spop (v2sf)  }
0x1d2: {  	[tilespmem:s18], [sflag:$0x1] =	stream.linear.gather [hbm4b:s16+s1], $0x80, $0x38;
	[tilespmem:$0x10400] =	vst v63  }
0x1d3: {  	s25 =	sadd.s32 s3, s22;
	s26 =	sand.u32 $0x1FFFFFF0, s23;
	s18 =	rddreg [dreg:$0xf]  }
0x1d4: {  	[tilespmem:s24], [sflag:$0x9] =	stream.linear.gather [hbm4b:s21+s1], $0x80, $0x38;
	[tilespmem:$0x10400] =	vst v63  }
0x1d5: {  	s28 =	spop (v2sf);
	s22 =	rddreg [dreg:$0x7];
	s6 =	sadd.s32 s4, s26  }
0x1d6: {  	[tilespmem:s29], [sflag:$0x2] =	stream.linear.gather [hbm4b:s25+s1], $0x80, $0x38;
	[tilespmem:$0x10400] =	vst v63  }
0x1d7: {  	s7 =	sand.u32 $0x1FFFFFF0, s28;
	s26 =	rddreg [dreg:$0x13];
	s12 =	spop (v2sf)  }
0x1d8: {  	[tilespmem:s13], [sflag:$0xA] =	stream.linear.gather [hbm4b:s6+s1], $0x80, $0x38;
	[tilespmem:$0x10400] =	vst v63  }
0x1d9: {  	s14 =	sadd.s32 s3, s7;
	s7 =	rddreg [dreg:$0x5];
	s15 =	sand.u32 $0x1FFFFFF0, s12  }
0x1da: {  	[tilespmem:s18], [sflag:$0x3] =	stream.linear.gather [hbm4b:s14+s1], $0x80, $0x38;
	[tilespmem:$0x10400] =	vst v63  }
0x1db: {  	s16 =	spop (v2sf);
	s19 =	sadd.s32 s4, s15;
	s29 =	rddreg [dreg:$0x9]  }
0x1dc: {  	(v2sf) =	vpush v1, $0xD;
	[tilespmem:s22], [sflag:$0xB] =	stream.linear.gather [hbm4b:s19+s1], $0x80, $0x38;
	[tilespmem:$0x10400] =	vst v63  }
.Ltmp2:
0x1dd: {  	(v2sf) =	vpush v63, $0xD;
	s20 =	sand.u32 $0x1FFFFFF0, s16;
	s21 =	spop (v2sf);
	(pc) =	sbr.rel @p0 .LBB2_6-.Ltmp2, $4  }
0x1de: {  	(v2sf) =	vpush v1, $0xE;
	s23 =	sadd.s32 s3, s20;
	s24 =	sand.u32 $0x1FFFFFF0, s21;
	s25 =	spop (v2sf)  }
0x1df: {  	(v2sf) =	vpush v63, $0xE;
	[tilespmem:s26], [sflag:$0x4] =	stream.linear.gather [hbm4b:s23+s1], $0x80, $0x38;
	[tilespmem:$0x10400] =	vst v63  }
0x1e0: {  	(v2sf) =	vpush v1, $0xF;
	s28 =	sadd.s32 s4, s24;
	s6 =	sand.u32 $0x1FFFFFF0, s25;
	s0 =	spop (v2sf)  }
0x1e1: {  	(v2sf) =	vpush v63, $0xF;
	[tilespmem:s29], [sflag:$0xC] =	stream.linear.gather [hbm4b:s28+s1], $0x80, $0x38;
	[tilespmem:$0x10400] =	vst v63  }
0x1e2: {  	_ =	sdelay $0x4  }
0x1e3: {  	s5 =	sadd.s32 s3, s6;
	s0 =	sand.u32 $0x1FFFFFF0, s0  }
0x1e4: {  	[tilespmem:s11], [sflag:$0x5] =	stream.linear.gather [hbm4b:s5+s1], $0x80, $0x38;
	[tilespmem:$0x10400] =	vst v63  }
0x1e5: {  	s0 =	sadd.s32 s4, s0  }
0x1e6: {  	[tilespmem:s17], [sflag:$0xD] =	stream.linear.gather [hbm4b:s0+s1], $0x80, $0x38;
	[tilespmem:$0x10400] =	vst v63  }
0x1e7: {  	s23 =	spop (v2sf)  }
0x1e8: {  	s0 =	sand.u32 $0x1FFFFFF0, s23  }
0x1e9: {  	s24 =	spop (v2sf);
	s0 =	sadd.s32 s3, s0  }
0x1ea: {  	[tilespmem:s7], [sflag:$0x6] =	stream.linear.gather [hbm4b:s0+s1], $0x80, $0x38;
	[tilespmem:$0x10400] =	vst v63  }
0x1eb: {  	s0 =	sand.u32 $0x1FFFFFF0, s24  }
0x1ec: {  	s25 =	spop (v2sf);
	s0 =	sadd.s32 s4, s0  }
0x1ed: {  	[tilespmem:s8], [sflag:$0xE] =	stream.linear.gather [hbm4b:s0+s1], $0x80, $0x38;
	[tilespmem:$0x10400] =	vst v63  }
0x1ee: {  	s0 =	sand.u32 $0x1FFFFFF0, s25  }
0x1ef: {  	s26 =	spop (v2sf);
	s0 =	sadd.s32 s3, s0  }
0x1f0: {  	[tilespmem:s10], [sflag:$0x7] =	stream.linear.gather [hbm4b:s0+s1], $0x80, $0x38;
	[tilespmem:$0x10400] =	vst v63  }
0x1f1: {  	s0 =	sand.u32 $0x1FFFFFF0, s26  }
0x1f2: {  	s28 =	spop (v2sf);
	s0 =	sadd.s32 s4, s0  }
0x1f3: {  	[tilespmem:s31], [sflag:$0xF] =	stream.linear.gather [hbm4b:s0+s1], $0x80, $0x38;
	[tilespmem:$0x10400] =	vst v63  }
0x1f4: {  	s0 =	sand.u32 $0x1FFFFFF0, s28  }
0x1f5: {  	s29 =	sadd.s32 $0xB80, s2;
	s30 =	spop (v2sf);
	s0 =	sadd.s32 s3, s0  }
0x1f6: {  	[tilespmem:s29], [sflag:$0x8] =	stream.linear.gather [hbm4b:s0+s1], $0x80, $0x38;
	[tilespmem:$0x10400] =	vst v63  }
0x1f7: {  	s0 =	sand.u32 $0x1FFFFFF0, s30  }
0x1f8: {  	s31 =	sadd.s32 $0x8B80, s2;
	s2 =	simm.s32 $0x1;
	s0 =	sadd.s32 s4, s0  }
0x1f9: {  	[tilespmem:s31], [sflag:$0x10] =	stream.linear.gather [hbm4b:s0+s1], $0x80, $0x38;
	[tilespmem:$0x10400] =	vst v63  }
0x1fa: {  	_ =	swait.ge [sflag:s2], $0x80  }
0x1fb: {  	[sflag:s2] =	ssyncset.done $0x0  }
0x1fc: {  	s5 =	simm.s32 $0x9;
	[sflag:s2] =	ssyncadd.s32 $0xFFFFFF80  }
0x1fd: {  	_ =	swait.ge [sflag:s5], $0x80  }
0x1fe: {  	[sflag:s5] =	ssyncset.done $0x0  }
0x1ff: {  	s6 =	simm.s32 $0x2;
	[sflag:s5] =	ssyncadd.s32 $0xFFFFFF80  }
0x200: {  	_ =	swait.ge [sflag:s6], $0x80  }
0x201: {  	[sflag:s6] =	ssyncset.done $0x0  }
0x202: {  	s7 =	simm.s32 $0xA;
	[sflag:s6] =	ssyncadd.s32 $0xFFFFFF80  }
0x203: {  	_ =	swait.ge [sflag:s7], $0x80  }
0x204: {  	[sflag:s7] =	ssyncset.done $0x0  }
0x205: {  	s8 =	simm.s32 $0x3;
	[sflag:s7] =	ssyncadd.s32 $0xFFFFFF80  }
0x206: {  	_ =	swait.ge [sflag:s8], $0x80  }
0x207: {  	[sflag:s8] =	ssyncset.done $0x0  }
0x208: {  	s9 =	simm.s32 $0xB;
	[sflag:s8] =	ssyncadd.s32 $0xFFFFFF80  }
0x209: {  	_ =	swait.ge [sflag:s9], $0x80  }
0x20a: {  	[sflag:s9] =	ssyncset.done $0x0  }
0x20b: {  	s10 =	simm.s32 $0x4;
	[sflag:s9] =	ssyncadd.s32 $0xFFFFFF80  }
0x20c: {  	_ =	swait.ge [sflag:s10], $0x80  }
0x20d: {  	[sflag:s10] =	ssyncset.done $0x0  }
0x20e: {  	s11 =	simm.s32 $0xC;
	[sflag:s10] =	ssyncadd.s32 $0xFFFFFF80  }
0x20f: {  	_ =	swait.ge [sflag:s11], $0x80  }
0x210: {  	[sflag:s11] =	ssyncset.done $0x0  }
0x211: {  	s12 =	simm.s32 $0x5;
	[sflag:s11] =	ssyncadd.s32 $0xFFFFFF80  }
0x212: {  	_ =	swait.ge [sflag:s12], $0x80  }
0x213: {  	[sflag:s12] =	ssyncset.done $0x0  }
0x214: {  	s13 =	simm.s32 $0xD;
	[sflag:s12] =	ssyncadd.s32 $0xFFFFFF80  }
0x215: {  	_ =	swait.ge [sflag:s13], $0x80  }
0x216: {  	[sflag:s13] =	ssyncset.done $0x0  }
0x217: {  	s14 =	simm.s32 $0x6;
	[sflag:s13] =	ssyncadd.s32 $0xFFFFFF80  }
0x218: {  	_ =	swait.ge [sflag:s14], $0x80  }
0x219: {  	[sflag:s14] =	ssyncset.done $0x0  }
0x21a: {  	s15 =	simm.s32 $0xE;
	[sflag:s14] =	ssyncadd.s32 $0xFFFFFF80  }
0x21b: {  	_ =	swait.ge [sflag:s15], $0x80  }
0x21c: {  	[sflag:s15] =	ssyncset.done $0x0  }
0x21d: {  	s16 =	simm.s32 $0x7;
	[sflag:s15] =	ssyncadd.s32 $0xFFFFFF80  }
0x21e: {  	_ =	swait.ge [sflag:s16], $0x80  }
0x21f: {  	[sflag:s16] =	ssyncset.done $0x0  }
0x220: {  	s17 =	simm.s32 $0xF;
	[sflag:s16] =	ssyncadd.s32 $0xFFFFFF80  }
0x221: {  	_ =	swait.ge [sflag:s17], $0x80  }
0x222: {  	[sflag:s17] =	ssyncset.done $0x0  }
0x223: {  	s18 =	simm.s32 $0x8;
	[sflag:s17] =	ssyncadd.s32 $0xFFFFFF80  }
0x224: {  	_ =	swait.ge [sflag:s18], $0x80  }
0x225: {  	[sflag:s18] =	ssyncset.done $0x0  }
0x226: {  	s19 =	simm.s32 $0x10;
	[sflag:s18] =	ssyncadd.s32 $0xFFFFFF80  }
0x227: {  	_ =	swait.ge [sflag:s19], $0x80  }
0x228: {  	s0 =	simm.s32 $0x1F;
	[sflag:s19] =	ssyncset.done $0x0  }
.LBB2_8:
0x229: {  	p0 =	sne.s32 s0, $0x1;
	s0 =	sadd.s32 $0xFFFFFFFF, s0;
	[sflag:s19] =	ssyncadd.s32 $0xFFFFFF80  }
0x22a: {  	_ =	swait.ge [sflag:s2], $0x80  }
0x22b: {  	[sflag:s2] =	ssyncset.done $0x0  }
0x22c: {  	[sflag:s2] =	ssyncadd.s32 $0xFFFFFF80  }
0x22d: {  	_ =	swait.ge [sflag:s5], $0x80  }
0x22e: {  	[sflag:s5] =	ssyncset.done $0x0  }
0x22f: {  	[sflag:s5] =	ssyncadd.s32 $0xFFFFFF80  }
0x230: {  	_ =	swait.ge [sflag:s6], $0x80  }
0x231: {  	[sflag:s6] =	ssyncset.done $0x0  }
0x232: {  	[sflag:s6] =	ssyncadd.s32 $0xFFFFFF80  }
0x233: {  	_ =	swait.ge [sflag:s7], $0x80  }
0x234: {  	[sflag:s7] =	ssyncset.done $0x0  }
0x235: {  	[sflag:s7] =	ssyncadd.s32 $0xFFFFFF80  }
0x236: {  	_ =	swait.ge [sflag:s8], $0x80  }
0x237: {  	[sflag:s8] =	ssyncset.done $0x0  }
0x238: {  	[sflag:s8] =	ssyncadd.s32 $0xFFFFFF80  }
0x239: {  	_ =	swait.ge [sflag:s9], $0x80  }
0x23a: {  	[sflag:s9] =	ssyncset.done $0x0  }
0x23b: {  	[sflag:s9] =	ssyncadd.s32 $0xFFFFFF80  }
0x23c: {  	_ =	swait.ge [sflag:s10], $0x80  }
0x23d: {  	[sflag:s10] =	ssyncset.done $0x0  }
0x23e: {  	[sflag:s10] =	ssyncadd.s32 $0xFFFFFF80  }
0x23f: {  	_ =	swait.ge [sflag:s11], $0x80  }
0x240: {  	[sflag:s11] =	ssyncset.done $0x0  }
0x241: {  	[sflag:s11] =	ssyncadd.s32 $0xFFFFFF80  }
0x242: {  	_ =	swait.ge [sflag:s12], $0x80  }
0x243: {  	[sflag:s12] =	ssyncset.done $0x0  }
0x244: {  	[sflag:s12] =	ssyncadd.s32 $0xFFFFFF80  }
0x245: {  	_ =	swait.ge [sflag:s13], $0x80  }
0x246: {  	[sflag:s13] =	ssyncset.done $0x0  }
0x247: {  	[sflag:s13] =	ssyncadd.s32 $0xFFFFFF80  }
0x248: {  	_ =	swait.ge [sflag:s14], $0x80  }
0x249: {  	[sflag:s14] =	ssyncset.done $0x0  }
0x24a: {  	[sflag:s14] =	ssyncadd.s32 $0xFFFFFF80  }
0x24b: {  	_ =	swait.ge [sflag:s15], $0x80  }
0x24c: {  	[sflag:s15] =	ssyncset.done $0x0  }
0x24d: {  	[sflag:s15] =	ssyncadd.s32 $0xFFFFFF80  }
0x24e: {  	_ =	swait.ge [sflag:s16], $0x80  }
0x24f: {  	[sflag:s16] =	ssyncset.done $0x0  }
0x250: {  	[sflag:s16] =	ssyncadd.s32 $0xFFFFFF80  }
0x251: {  	_ =	swait.ge [sflag:s17], $0x80  }
0x252: {  	[sflag:s17] =	ssyncset.done $0x0  }
0x253: {  	[sflag:s17] =	ssyncadd.s32 $0xFFFFFF80  }
.Ltmp3:
0x254: {  	_ =	swait.ge [sflag:s18], $0x80;
	(pc) =	sbr.rel @p0 .LBB2_8-.Ltmp3, $4  }
0x255: {  	[sflag:s18] =	ssyncset.done $0x0  }
0x256: {  	[sflag:s18] =	ssyncadd.s32 $0xFFFFFF80  }
0x257: {  	_ =	swait.ge [sflag:s19], $0x80  }
0x258: {  	[sflag:s19] =	ssyncset.done $0x0  }
0x259: {  	[sflag:s19] =	ssyncadd.s32 $0xFFFFFF80  }
0x25a: {  	s0 =	rddreg [dreg:$0x1a];
	s2 =	simm.s32 $0x400;
	s5 =	simm.s32 $0x11  }
0x25b: {  	[hbm4b:s0+s1] =	stream.linear.scatter [tilespmem:s2], [sflag:$0x11], $0x8000, $0x38;
	[tilespmem:$0x10400] =	vst v63  }
0x25c: {  	_ =	swait.ge [sflag:s5], $0x8000  }
0x25d: {  	[sflag:s5] =	ssyncset.done $0x0  }
0x25e: {  	s29 =	simm.s32 $0x8400;
	s28 =	rddreg [dreg:$0x1b];
	[sflag:s5] =	ssyncadd.s32 $0xFFFF8000  }
0x25f: {  	[hbm4b:s28+s1] =	stream.linear.scatter [tilespmem:s29], [sflag:$0x11], $0x8000, $0x38;
	[tilespmem:$0x10400] =	vst v63  }
0x260: {  	_ =	swait.ge [sflag:s5], $0x8000  }
0x261: {  	s30 =	rddreg [dreg:$0x1d]  }
0x262: {  	s31 =	rddreg [dreg:$0x1c];
	s2 =	sadd.s32 $0x1, s30  }
0x263: {  	p0 =	sne.s32 s2, s31  }
.Ltmp4:
0x264: {  	_ = 	snop;
	(pc) =	sbr.rel @p0 .LBB2_1-.Ltmp4, $3  }
0x265: {  	_ =	sdelay $0x1  }
0x266: {  	[sflag:s5] =	ssyncset.done $0x0  }
0x267: {  	[sflag:s5] =	ssyncadd.s32 $0xFFFF8000  }
0x268: {  	_ =	sfence.sel $0x180000  }
0x269: {  	[bflag:$0x0] =	sbarrier.arrive $0xFFFF  }
0x26a: {  	_ =	strace $0x90000047  }
0x26b: {  	s0 =	stileid.u32;
	[bflag:$0x2] =	sbarrier.arrive $0xFFFF  }
0x26c: {  	p0 =	sne.s32 s0, $0x0;
	s0 =	rddreg [dreg:$0x3]  }
0x26d: {  	s0 =	sadd.s32 @!p0 $0x100000, s0  }
0x26e: {  	[sflag:s0] =	ssyncadd.tile.s32 @!p0 $0x1;
	_ =	shalt  }
.Lfunc_end2:
_tile_overlayer_lowered:
.L_overlay_start_2:
0x26f: {  	(tag) =	ssettag $0x2  }
0x270: {  	s0 =	rddreg [dreg:$0x0];
	s2 =	stileid.u32  }
0x271: {  	s1 =	rddreg [dreg:$0x1];
	p0 =	sne.s32 s2, $0x0  }
0x272: {  	s3 =	rddreg [dreg:$0x2];
	[bflag:$0x3] =	sbarrier.arrive $0xFFFF;
	s2 =	simm.s32 @!p0 $0x1C11  }
0x273: {  	[timem:s3], [sflag:s2] =	dma.local @!p0 [hbm:s0], s1  }
0x274: {  	s0 =	simm.s32 @!p0 $0x11  }
0x275: {  	_ =	swait.ge @!p0 [sflag:s0], s1  }
0x276: {  	s1 =	ssub.s32 @!p0 $0x0, s1;
	[sflag:s0] =	ssyncset.done @!p0 $0x0  }
0x277: {  	[sflag:s0] =	ssyncadd.s32 @!p0 s1  }
0x278: {  	[bflag:$0x3] =	sbarrier.arrive $0xFFFF  }
0x279: {  	_ =	shalt  }

</sc_bundles>
